<compile_context>
chip_gen: v7x
topology: tpu7x:2x2x1
jax: 0.10.2.dev20260603
libtpu: 0.0.44.dev20260713+nightly
codegen_flags: <defaults>
</compile_context>

<pallas_src>
import functools
import jax
import jax.numpy as jnp
from jax import lax
from jax.experimental import pallas as pl
from jax.experimental.pallas import tpu as pltpu
from jax.experimental.pallas import tpu_sc as plsc

N = 100000
D = 256
NC = 2
NS = 16
NW = NC * NS
ROWS_W = -(-(N // 8) // NW) * 8
C = 240
FULL_CHUNKS = ROWS_W // C
TAIL = ROWS_W - FULL_CHUNKS * C
NCH = FULL_CHUNKS + (1 if TAIL else 0)

_ITEMS = [(c, w) for c in range(NCH) for w in (0, 1)]

_mesh = plsc.VectorSubcoreMesh(core_axis_name="c", subcore_axis_name="s")


@functools.partial(
    pl.kernel,
    out_type=jax.ShapeDtypeStruct((N, 2 * D), jnp.float32),
    mesh=_mesh,
    scratch_types=[
        pltpu.VMEM_SHARED((NS, 2, C, D), jnp.float32),
        pltpu.SemaphoreType.DMA((2,)),
        pltpu.SemaphoreType.DMA((2,)),
    ],
)
def _sc_concat(s_hbm, d_hbm, o_hbm, sbuf, g_sem, s_sem):
    wid = lax.axis_index("s") * NC + lax.axis_index("c")
    buf = sbuf.at[lax.axis_index("s")]
    base = jnp.minimum(wid * ROWS_W, N - ROWS_W)
    base = pl.multiple_of(base, 8)

    def gather(item, b):
        c, w = item
        sz = C if c < FULL_CHUNKS else TAIL
        rows = pl.ds(base + c * C, sz)
        src = (s_hbm, d_hbm)[w]
        return pltpu.make_async_copy(
            src.at[rows, :], buf.at[b, pl.ds(0, sz), :], g_sem.at[b]
        )

    def scatter(item, b):
        c, w = item
        sz = C if c < FULL_CHUNKS else TAIL
        rows = pl.ds(base + c * C, sz)
        return pltpu.make_async_copy(
            buf.at[b, pl.ds(0, sz), :], o_hbm.at[rows, pl.ds(w * D, D)], s_sem.at[b]
        )

    n = len(_ITEMS)
    for i in range(n + 1):
        b = i % 2
        pb = (i - 1) % 2
        if i < n:
            if i >= 2:
                scatter(_ITEMS[i - 2], b).wait()
            gather(_ITEMS[i], b).start()
        if i >= 1:
            gather(_ITEMS[i - 1], pb).wait()
            scatter(_ITEMS[i - 1], pb).start()
    for i in (n - 2, n - 1):
        scatter(_ITEMS[i], i % 2).wait()


def kernel(static_emb, dynamic_emb):
    return _sc_concat(static_emb, dynamic_emb)

# --- scband reference (transcript-rebuilt; emitter-appended) ---
"""Pipeline reference for scband-combiner-27685359190568 (READ-ONLY COPY).

The authoritative reference and input builder live on the scoring server;
editing this copy changes nothing except your own understanding.
"""

import jax, jax.numpy as jnp
import numpy as np

N = 100000
D_STATIC = 256
D_DYNAMIC = 256

def setup_inputs(seed: int = 0) -> dict:
    key = jax.random.key(seed)
    k1, k2 = jax.random.split(key, 2)
    static_emb = jax.random.normal(k1, (N, D_STATIC), dtype=jnp.float32)
    dynamic_emb = jax.random.normal(k2, (N, D_DYNAMIC), dtype=jnp.float32)
    return {"static_emb": static_emb, "dynamic_emb": dynamic_emb}

def reference(static_emb, dynamic_emb):
    # Combiner with static_dynamic_combine_mode='concat', graph_conv=None, dropout=0.0 (eval mode)
    # dropout with p=0.0 in eval is identity
    combined_emb = jnp.concatenate([static_emb, dynamic_emb], axis=1)
    return combined_emb

if __name__ == "__main__":
    import jax
    _d = setup_inputs()
    print(jax.jit(kernel)(*tuple(_d.values())))

</pallas_src>

<mosaic_0001>
#map = affine_map<(d0, d1) -> (0, 0)>
module attributes {stable_mosaic.version = 14 : i64} {
  func.func @_sc_concat(%arg0: i32, %arg1: i32, %arg2: memref<100000x256xf32, #tpu.memory_space<hbm>>, %arg3: memref<100000x256xf32, #tpu.memory_space<hbm>>, %arg4: memref<100000x512xf32, #tpu.memory_space<hbm>>, %arg5: memref<16x2x240x256xf32, #tpu.memory_space<vmem_shared>>, %arg6: memref<2x!tpu.dma_semaphore, #tpu.memory_space<semaphore_mem>>, %arg7: memref<2x!tpu.dma_semaphore, #tpu.memory_space<semaphore_mem>>) attributes {dimension_semantics = [#tpu.dimension_semantics<core_parallel>, #tpu.dimension_semantics<subcore_parallel>], iteration_bounds = array<i64: 2, 16>, scalar_prefetch = 0 : i64, scratch_operands = 3 : i64, tpu.core_type = #tpu.core_type<sc_vector_subcore>, window_params = [{transform_indices = #map}, {transform_indices = #map}, {transform_indices = #map}]} {
    %mul3A = arith.constant 2 : i32
    %mul3A_0 = arith.muli %arg1, %mul3A : i32
    %add3A = arith.addi %mul3A_0, %arg0 : i32
    %mul3A_1 = arith.constant 3128 : i32
    %mul3A_2 = arith.muli %add3A, %mul3A_1 : i32
    %min3A = arith.constant 96872 : i32
    %min3A_3 = arith.minsi %mul3A_2, %min3A : i32
    %multiple_of3A = tpu.assume_multiple %min3A_3, 8 : i32
    %add3A_4 = arith.constant 0 : i32
    %add3A_5 = arith.addi %multiple_of3A, %add3A_4 : i32
    %dma_start3A = arith.constant 0 : i32
    %dma_start3A_6 = arith.constant 0 : i32
    %dma_start3A_7 = tpu.memref_slice %arg6[%dma_start3A_6] : memref<2x!tpu.dma_semaphore, #tpu.memory_space<semaphore_mem>> -> memref<1x!tpu.dma_semaphore, #tpu.memory_space<semaphore_mem>>
    %dma_start3A_8 = tpu.memref_squeeze %dma_start3A_7 : memref<1x!tpu.dma_semaphore, #tpu.memory_space<semaphore_mem>> -> memref<!tpu.dma_semaphore, #tpu.memory_space<semaphore_mem>>
    %dma_start3A_9 = arith.constant 0 : i32
    %dma_start3A_10 = arith.constant 0 : i32
    %dma_start3A_11 = arith.constant 0 : i32
    %dma_start3A_12 = tpu.memref_slice %arg5[%arg1, %dma_start3A_9, %dma_start3A_10, %dma_start3A_11] : memref<16x2x240x256xf32, #tpu.memory_space<vmem_shared>> -> memref<1x2x240x256xf32, #tpu.memory_space<vmem_shared>>
    %dma_start3A_13 = tpu.memref_squeeze %dma_start3A_12 : memref<1x2x240x256xf32, #tpu.memory_space<vmem_shared>> -> memref<2x240x256xf32, #tpu.memory_space<vmem_shared>>
    %dma_start3A_14 = arith.constant 0 : i32
    %dma_start3A_15 = arith.constant 0 : i32
    %dma_start3A_16 = tpu.memref_slice %dma_start3A_13[%dma_start3A, %dma_start3A_14, %dma_start3A_15] : memref<2x240x256xf32, #tpu.memory_space<vmem_shared>> -> memref<1x240x256xf32, #tpu.memory_space<vmem_shared>>
    %dma_start3A_17 = tpu.memref_squeeze %dma_start3A_16 : memref<1x240x256xf32, #tpu.memory_space<vmem_shared>> -> memref<240x256xf32, #tpu.memory_space<vmem_shared>>
    %dma_start3A_18 = arith.constant 0 : i32
    %dma_start3A_19 = tpu.memref_slice %arg2[%add3A_5, %dma_start3A_18] : memref<100000x256xf32, #tpu.memory_space<hbm>> -> memref<240x256xf32, #tpu.memory_space<hbm>>
    tpu.enqueue_dma source(%dma_start3A_19 : memref<240x256xf32, #tpu.memory_space<hbm>>) target(%dma_start3A_17 : memref<240x256xf32, #tpu.memory_space<vmem_shared>>) target_semaphore(%dma_start3A_8 : memref<!tpu.dma_semaphore, #tpu.memory_space<semaphore_mem>>)
    %add3A_20 = arith.constant 0 : i32
    %add3A_21 = arith.addi %multiple_of3A, %add3A_20 : i32
    %dma_start3A_22 = arith.constant 1 : i32
    %dma_start3A_23 = arith.constant 1 : i32
    %dma_start3A_24 = tpu.memref_slice %arg6[%dma_start3A_23] : memref<2x!tpu.dma_semaphore, #tpu.memory_space<semaphore_mem>> -> memref<1x!tpu.dma_semaphore, #tpu.memory_space<semaphore_mem>>
    %dma_start3A_25 = tpu.memref_squeeze %dma_start3A_24 : memref<1x!tpu.dma_semaphore, #tpu.memory_space<semaphore_mem>> -> memref<!tpu.dma_semaphore, #tpu.memory_space<semaphore_mem>>
    %dma_start3A_26 = arith.constant 0 : i32
    %dma_start3A_27 = arith.constant 0 : i32
    %dma_start3A_28 = arith.constant 0 : i32
    %dma_start3A_29 = tpu.memref_slice %arg5[%arg1, %dma_start3A_26, %dma_start3A_27, %dma_start3A_28] : memref<16x2x240x256xf32, #tpu.memory_space<vmem_shared>> -> memref<1x2x240x256xf32, #tpu.memory_space<vmem_shared>>
    %dma_start3A_30 = tpu.memref_squeeze %dma_start3A_29 : memref<1x2x240x256xf32, #tpu.memory_space<vmem_shared>> -> memref<2x240x256xf32, #tpu.memory_space<vmem_shared>>
    %dma_start3A_31 = arith.constant 0 : i32
    %dma_start3A_32 = arith.constant 0 : i32
    %dma_start3A_33 = tpu.memref_slice %dma_start3A_30[%dma_start3A_22, %dma_start3A_31, %dma_start3A_32] : memref<2x240x256xf32, #tpu.memory_space<vmem_shared>> -> memref<1x240x256xf32, #tpu.memory_space<vmem_shared>>
    %dma_start3A_34 = tpu.memref_squeeze %dma_start3A_33 : memref<1x240x256xf32, #tpu.memory_space<vmem_shared>> -> memref<240x256xf32, #tpu.memory_space<vmem_shared>>
    %dma_start3A_35 = arith.constant 0 : i32
    %dma_start3A_36 = tpu.memref_slice %arg3[%add3A_21, %dma_start3A_35] : memref<100000x256xf32, #tpu.memory_space<hbm>> -> memref<240x256xf32, #tpu.memory_space<hbm>>
    tpu.enqueue_dma source(%dma_start3A_36 : memref<240x256xf32, #tpu.memory_space<hbm>>) target(%dma_start3A_34 : memref<240x256xf32, #tpu.memory_space<vmem_shared>>) target_semaphore(%dma_start3A_25 : memref<!tpu.dma_semaphore, #tpu.memory_space<semaphore_mem>>)
    %add3A_37 = arith.constant 0 : i32
    %add3A_38 = arith.addi %multiple_of3A, %add3A_37 : i32
    %dma_wait3A = arith.constant 0 : i32
    %dma_wait3A_39 = arith.constant 0 : i32
    %dma_wait3A_40 = tpu.memref_slice %arg6[%dma_wait3A_39] : memref<2x!tpu.dma_semaphore, #tpu.memory_space<semaphore_mem>> -> memref<1x!tpu.dma_semaphore, #tpu.memory_space<semaphore_mem>>
    %dma_wait3A_41 = tpu.memref_squeeze %dma_wait3A_40 : memref<1x!tpu.dma_semaphore, #tpu.memory_space<semaphore_mem>> -> memref<!tpu.dma_semaphore, #tpu.memory_space<semaphore_mem>>
    %dma_wait3A_42 = arith.constant 0 : i32
    %dma_wait3A_43 = arith.constant 0 : i32
    %dma_wait3A_44 = arith.constant 0 : i32
    %dma_wait3A_45 = tpu.memref_slice %arg5[%arg1, %dma_wait3A_42, %dma_wait3A_43, %dma_wait3A_44] : memref<16x2x240x256xf32, #tpu.memory_space<vmem_shared>> -> memref<1x2x240x256xf32, #tpu.memory_space<vmem_shared>>
    %dma_wait3A_46 = tpu.memref_squeeze %dma_wait3A_45 : memref<1x2x240x256xf32, #tpu.memory_space<vmem_shared>> -> memref<2x240x256xf32, #tpu.memory_space<vmem_shared>>
    %dma_wait3A_47 = arith.constant 0 : i32
    %dma_wait3A_48 = arith.constant 0 : i32
    %dma_wait3A_49 = tpu.memref_slice %dma_wait3A_46[%dma_wait3A, %dma_wait3A_47, %dma_wait3A_48] : memref<2x240x256xf32, #tpu.memory_space<vmem_shared>> -> memref<1x240x256xf32, #tpu.memory_space<vmem_shared>>
    %dma_wait3A_50 = tpu.memref_squeeze %dma_wait3A_49 : memref<1x240x256xf32, #tpu.memory_space<vmem_shared>> -> memref<240x256xf32, #tpu.memory_space<vmem_shared>>
    %dma_wait3A_51 = arith.constant 0 : i32
    %dma_wait3A_52 = tpu.memref_slice %arg2[%add3A_38, %dma_wait3A_51] : memref<100000x256xf32, #tpu.memory_space<hbm>> -> memref<240x256xf32, #tpu.memory_space<hbm>>
    tpu.wait_dma2 semaphore(%dma_wait3A_41 : memref<!tpu.dma_semaphore, #tpu.memory_space<semaphore_mem>>) src(%dma_wait3A_52 : memref<240x256xf32, #tpu.memory_space<hbm>>) dst(%dma_wait3A_50 : memref<240x256xf32, #tpu.memory_space<vmem_shared>>)
    %add3A_53 = arith.constant 0 : i32
    %add3A_54 = arith.addi %multiple_of3A, %add3A_53 : i32
    %dma_start3A_55 = arith.constant 0 : i32
    %dma_start3A_56 = arith.constant 0 : i32
    %dma_start3A_57 = tpu.memref_slice %arg7[%dma_start3A_56] : memref<2x!tpu.dma_semaphore, #tpu.memory_space<semaphore_mem>> -> memref<1x!tpu.dma_semaphore, #tpu.memory_space<semaphore_mem>>
    %dma_start3A_58 = tpu.memref_squeeze %dma_start3A_57 : memref<1x!tpu.dma_semaphore, #tpu.memory_space<semaphore_mem>> -> memref<!tpu.dma_semaphore, #tpu.memory_space<semaphore_mem>>
    %dma_start3A_59 = arith.constant 0 : i32
    %dma_start3A_60 = tpu.memref_slice %arg4[%add3A_54, %dma_start3A_59] : memref<100000x512xf32, #tpu.memory_space<hbm>> -> memref<240x256xf32, #tpu.memory_space<hbm>>
    %dma_start3A_61 = arith.constant 0 : i32
    %dma_start3A_62 = arith.constant 0 : i32
    %dma_start3A_63 = arith.constant 0 : i32
    %dma_start3A_64 = tpu.memref_slice %arg5[%arg1, %dma_start3A_61, %dma_start3A_62, %dma_start3A_63] : memref<16x2x240x256xf32, #tpu.memory_space<vmem_shared>> -> memref<1x2x240x256xf32, #tpu.memory_space<vmem_shared>>
    %dma_start3A_65 = tpu.memref_squeeze %dma_start3A_64 : memref<1x2x240x256xf32, #tpu.memory_space<vmem_shared>> -> memref<2x240x256xf32, #tpu.memory_space<vmem_shared>>
    %dma_start3A_66 = arith.constant 0 : i32
    %dma_start3A_67 = arith.constant 0 : i32
    %dma_start3A_68 = tpu.memref_slice %dma_start3A_65[%dma_start3A_55, %dma_start3A_66, %dma_start3A_67] : memref<2x240x256xf32, #tpu.memory_space<vmem_shared>> -> memref<1x240x256xf32, #tpu.memory_space<vmem_shared>>
    %dma_start3A_69 = tpu.memref_squeeze %dma_start3A_68 : memref<1x240x256xf32, #tpu.memory_space<vmem_shared>> -> memref<240x256xf32, #tpu.memory_space<vmem_shared>>
    tpu.enqueue_dma source(%dma_start3A_69 : memref<240x256xf32, #tpu.memory_space<vmem_shared>>) target(%dma_start3A_60 : memref<240x256xf32, #tpu.memory_space<hbm>>) target_semaphore(%dma_start3A_58 : memref<!tpu.dma_semaphore, #tpu.memory_space<semaphore_mem>>)
    %add3A_70 = arith.constant 0 : i32
    %add3A_71 = arith.addi %multiple_of3A, %add3A_70 : i32
    %dma_wait3A_72 = arith.constant 0 : i32
    %dma_wait3A_73 = arith.constant 0 : i32
    %dma_wait3A_74 = tpu.memref_slice %arg7[%dma_wait3A_73] : memref<2x!tpu.dma_semaphore, #tpu.memory_space<semaphore_mem>> -> memref<1x!tpu.dma_semaphore, #tpu.memory_space<semaphore_mem>>
    %dma_wait3A_75 = tpu.memref_squeeze %dma_wait3A_74 : memref<1x!tpu.dma_semaphore, #tpu.memory_space<semaphore_mem>> -> memref<!tpu.dma_semaphore, #tpu.memory_space<semaphore_mem>>
    %dma_wait3A_76 = arith.constant 0 : i32
    %dma_wait3A_77 = tpu.memref_slice %arg4[%add3A_71, %dma_wait3A_76] : memref<100000x512xf32, #tpu.memory_space<hbm>> -> memref<240x256xf32, #tpu.memory_space<hbm>>
    %dma_wait3A_78 = arith.constant 0 : i32
    %dma_wait3A_79 = arith.constant 0 : i32
    %dma_wait3A_80 = arith.constant 0 : i32
    %dma_wait3A_81 = tpu.memref_slice %arg5[%arg1, %dma_wait3A_78, %dma_wait3A_79, %dma_wait3A_80] : memref<16x2x240x256xf32, #tpu.memory_space<vmem_shared>> -> memref<1x2x240x256xf32, #tpu.memory_space<vmem_shared>>
    %dma_wait3A_82 = tpu.memref_squeeze %dma_wait3A_81 : memref<1x2x240x256xf32, #tpu.memory_space<vmem_shared>> -> memref<2x240x256xf32, #tpu.memory_space<vmem_shared>>
    %dma_wait3A_83 = arith.constant 0 : i32
    %dma_wait3A_84 = arith.constant 0 : i32
    %dma_wait3A_85 = tpu.memref_slice %dma_wait3A_82[%dma_wait3A_72, %dma_wait3A_83, %dma_wait3A_84] : memref<2x240x256xf32, #tpu.memory_space<vmem_shared>> -> memref<1x240x256xf32, #tpu.memory_space<vmem_shared>>
    %dma_wait3A_86 = tpu.memref_squeeze %dma_wait3A_85 : memref<1x240x256xf32, #tpu.memory_space<vmem_shared>> -> memref<240x256xf32, #tpu.memory_space<vmem_shared>>
    tpu.wait_dma2 semaphore(%dma_wait3A_75 : memref<!tpu.dma_semaphore, #tpu.memory_space<semaphore_mem>>) src(%dma_wait3A_86 : memref<240x256xf32, #tpu.memory_space<vmem_shared>>) dst(%dma_wait3A_77 : memref<240x256xf32, #tpu.memory_space<hbm>>)
    %add3A_87 = arith.constant 240 : i32
    %add3A_88 = arith.addi %multiple_of3A, %add3A_87 : i32
    %dma_start3A_89 = arith.constant 0 : i32
    %dma_start3A_90 = arith.constant 0 : i32
    %dma_start3A_91 = tpu.memref_slice %arg6[%dma_start3A_90] : memref<2x!tpu.dma_semaphore, #tpu.memory_space<semaphore_mem>> -> memref<1x!tpu.dma_semaphore, #tpu.memory_space<semaphore_mem>>
    %dma_start3A_92 = tpu.memref_squeeze %dma_start3A_91 : memref<1x!tpu.dma_semaphore, #tpu.memory_space<semaphore_mem>> -> memref<!tpu.dma_semaphore, #tpu.memory_space<semaphore_mem>>
    %dma_start3A_93 = arith.constant 0 : i32
    %dma_start3A_94 = arith.constant 0 : i32
    %dma_start3A_95 = arith.constant 0 : i32
    %dma_start3A_96 = tpu.memref_slice %arg5[%arg1, %dma_start3A_93, %dma_start3A_94, %dma_start3A_95] : memref<16x2x240x256xf32, #tpu.memory_space<vmem_shared>> -> memref<1x2x240x256xf32, #tpu.memory_space<vmem_shared>>
    %dma_start3A_97 = tpu.memref_squeeze %dma_start3A_96 : memref<1x2x240x256xf32, #tpu.memory_space<vmem_shared>> -> memref<2x240x256xf32, #tpu.memory_space<vmem_shared>>
    %dma_start3A_98 = arith.constant 0 : i32
    %dma_start3A_99 = arith.constant 0 : i32
    %dma_start3A_100 = tpu.memref_slice %dma_start3A_97[%dma_start3A_89, %dma_start3A_98, %dma_start3A_99] : memref<2x240x256xf32, #tpu.memory_space<vmem_shared>> -> memref<1x240x256xf32, #tpu.memory_space<vmem_shared>>
    %dma_start3A_101 = tpu.memref_squeeze %dma_start3A_100 : memref<1x240x256xf32, #tpu.memory_space<vmem_shared>> -> memref<240x256xf32, #tpu.memory_space<vmem_shared>>
    %dma_start3A_102 = arith.constant 0 : i32
    %dma_start3A_103 = tpu.memref_slice %arg2[%add3A_88, %dma_start3A_102] : memref<100000x256xf32, #tpu.memory_space<hbm>> -> memref<240x256xf32, #tpu.memory_space<hbm>>
    tpu.enqueue_dma source(%dma_start3A_103 : memref<240x256xf32, #tpu.memory_space<hbm>>) target(%dma_start3A_101 : memref<240x256xf32, #tpu.memory_space<vmem_shared>>) target_semaphore(%dma_start3A_92 : memref<!tpu.dma_semaphore, #tpu.memory_space<semaphore_mem>>)
    %add3A_104 = arith.constant 0 : i32
    %add3A_105 = arith.addi %multiple_of3A, %add3A_104 : i32
    %dma_wait3A_106 = arith.constant 1 : i32
    %dma_wait3A_107 = arith.constant 1 : i32
    %dma_wait3A_108 = tpu.memref_slice %arg6[%dma_wait3A_107] : memref<2x!tpu.dma_semaphore, #tpu.memory_space<semaphore_mem>> -> memref<1x!tpu.dma_semaphore, #tpu.memory_space<semaphore_mem>>
    %dma_wait3A_109 = tpu.memref_squeeze %dma_wait3A_108 : memref<1x!tpu.dma_semaphore, #tpu.memory_space<semaphore_mem>> -> memref<!tpu.dma_semaphore, #tpu.memory_space<semaphore_mem>>
    %dma_wait3A_110 = arith.constant 0 : i32
    %dma_wait3A_111 = arith.constant 0 : i32
    %dma_wait3A_112 = arith.constant 0 : i32
    %dma_wait3A_113 = tpu.memref_slice %arg5[%arg1, %dma_wait3A_110, %dma_wait3A_111, %dma_wait3A_112] : memref<16x2x240x256xf32, #tpu.memory_space<vmem_shared>> -> memref<1x2x240x256xf32, #tpu.memory_space<vmem_shared>>
    %dma_wait3A_114 = tpu.memref_squeeze %dma_wait3A_113 : memref<1x2x240x256xf32, #tpu.memory_space<vmem_shared>> -> memref<2x240x256xf32, #tpu.memory_space<vmem_shared>>
    %dma_wait3A_115 = arith.constant 0 : i32
    %dma_wait3A_116 = arith.constant 0 : i32
    %dma_wait3A_117 = tpu.memref_slice %dma_wait3A_114[%dma_wait3A_106, %dma_wait3A_115, %dma_wait3A_116] : memref<2x240x256xf32, #tpu.memory_space<vmem_shared>> -> memref<1x240x256xf32, #tpu.memory_space<vmem_shared>>
    %dma_wait3A_118 = tpu.memref_squeeze %dma_wait3A_117 : memref<1x240x256xf32, #tpu.memory_space<vmem_shared>> -> memref<240x256xf32, #tpu.memory_space<vmem_shared>>
    %dma_wait3A_119 = arith.constant 0 : i32
    %dma_wait3A_120 = tpu.memref_slice %arg3[%add3A_105, %dma_wait3A_119] : memref<100000x256xf32, #tpu.memory_space<hbm>> -> memref<240x256xf32, #tpu.memory_space<hbm>>
    tpu.wait_dma2 semaphore(%dma_wait3A_109 : memref<!tpu.dma_semaphore, #tpu.memory_space<semaphore_mem>>) src(%dma_wait3A_120 : memref<240x256xf32, #tpu.memory_space<hbm>>) dst(%dma_wait3A_118 : memref<240x256xf32, #tpu.memory_space<vmem_shared>>)
    %add3A_121 = arith.constant 0 : i32
    %add3A_122 = arith.addi %multiple_of3A, %add3A_121 : i32
    %dma_start3A_123 = arith.constant 1 : i32
    %dma_start3A_124 = arith.constant 1 : i32
    %dma_start3A_125 = tpu.memref_slice %arg7[%dma_start3A_124] : memref<2x!tpu.dma_semaphore, #tpu.memory_space<semaphore_mem>> -> memref<1x!tpu.dma_semaphore, #tpu.memory_space<semaphore_mem>>
    %dma_start3A_126 = tpu.memref_squeeze %dma_start3A_125 : memref<1x!tpu.dma_semaphore, #tpu.memory_space<semaphore_mem>> -> memref<!tpu.dma_semaphore, #tpu.memory_space<semaphore_mem>>
    %dma_start3A_127 = arith.constant 256 : i32
    %dma_start3A_128 = tpu.memref_slice %arg4[%add3A_122, %dma_start3A_127] : memref<100000x512xf32, #tpu.memory_space<hbm>> -> memref<240x256xf32, #tpu.memory_space<hbm>>
    %dma_start3A_129 = arith.constant 0 : i32
    %dma_start3A_130 = arith.constant 0 : i32
    %dma_start3A_131 = arith.constant 0 : i32
    %dma_start3A_132 = tpu.memref_slice %arg5[%arg1, %dma_start3A_129, %dma_start3A_130, %dma_start3A_131] : memref<16x2x240x256xf32, #tpu.memory_space<vmem_shared>> -> memref<1x2x240x256xf32, #tpu.memory_space<vmem_shared>>
    %dma_start3A_133 = tpu.memref_squeeze %dma_start3A_132 : memref<1x2x240x256xf32, #tpu.memory_space<vmem_shared>> -> memref<2x240x256xf32, #tpu.memory_space<vmem_shared>>
    %dma_start3A_134 = arith.constant 0 : i32
    %dma_start3A_135 = arith.constant 0 : i32
    %dma_start3A_136 = tpu.memref_slice %dma_start3A_133[%dma_start3A_123, %dma_start3A_134, %dma_start3A_135] : memref<2x240x256xf32, #tpu.memory_space<vmem_shared>> -> memref<1x240x256xf32, #tpu.memory_space<vmem_shared>>
    %dma_start3A_137 = tpu.memref_squeeze %dma_start3A_136 : memref<1x240x256xf32, #tpu.memory_space<vmem_shared>> -> memref<240x256xf32, #tpu.memory_space<vmem_shared>>
    tpu.enqueue_dma source(%dma_start3A_137 : memref<240x256xf32, #tpu.memory_space<vmem_shared>>) target(%dma_start3A_128 : memref<240x256xf32, #tpu.memory_space<hbm>>) target_semaphore(%dma_start3A_126 : memref<!tpu.dma_semaphore, #tpu.memory_space<semaphore_mem>>)
    %add3A_138 = arith.constant 0 : i32
    %add3A_139 = arith.addi %multiple_of3A, %add3A_138 : i32
    %dma_wait3A_140 = arith.constant 1 : i32
    %dma_wait3A_141 = arith.constant 1 : i32
    %dma_wait3A_142 = tpu.memref_slice %arg7[%dma_wait3A_141] : memref<2x!tpu.dma_semaphore, #tpu.memory_space<semaphore_mem>> -> memref<1x!tpu.dma_semaphore, #tpu.memory_space<semaphore_mem>>
    %dma_wait3A_143 = tpu.memref_squeeze %dma_wait3A_142 : memref<1x!tpu.dma_semaphore, #tpu.memory_space<semaphore_mem>> -> memref<!tpu.dma_semaphore, #tpu.memory_space<semaphore_mem>>
    %dma_wait3A_144 = arith.constant 256 : i32
    %dma_wait3A_145 = tpu.memref_slice %arg4[%add3A_139, %dma_wait3A_144] : memref<100000x512xf32, #tpu.memory_space<hbm>> -> memref<240x256xf32, #tpu.memory_space<hbm>>
    %dma_wait3A_146 = arith.constant 0 : i32
    %dma_wait3A_147 = arith.constant 0 : i32
    %dma_wait3A_148 = arith.constant 0 : i32
    %dma_wait3A_149 = tpu.memref_slice %arg5[%arg1, %dma_wait3A_146, %dma_wait3A_147, %dma_wait3A_148] : memref<16x2x240x256xf32, #tpu.memory_space<vmem_shared>> -> memref<1x2x240x256xf32, #tpu.memory_space<vmem_shared>>
    %dma_wait3A_150 = tpu.memref_squeeze %dma_wait3A_149 : memref<1x2x240x256xf32, #tpu.memory_space<vmem_shared>> -> memref<2x240x256xf32, #tpu.memory_space<vmem_shared>>
    %dma_wait3A_151 = arith.constant 0 : i32
    %dma_wait3A_152 = arith.constant 0 : i32
    %dma_wait3A_153 = tpu.memref_slice %dma_wait3A_150[%dma_wait3A_140, %dma_wait3A_151, %dma_wait3A_152] : memref<2x240x256xf32, #tpu.memory_space<vmem_shared>> -> memref<1x240x256xf32, #tpu.memory_space<vmem_shared>>
    %dma_wait3A_154 = tpu.memref_squeeze %dma_wait3A_153 : memref<1x240x256xf32, #tpu.memory_space<vmem_shared>> -> memref<240x256xf32, #tpu.memory_space<vmem_shared>>
    tpu.wait_dma2 semaphore(%dma_wait3A_143 : memref<!tpu.dma_semaphore, #tpu.memory_space<semaphore_mem>>) src(%dma_wait3A_154 : memref<240x256xf32, #tpu.memory_space<vmem_shared>>) dst(%dma_wait3A_145 : memref<240x256xf32, #tpu.memory_space<hbm>>)
    %add3A_155 = arith.constant 240 : i32
    %add3A_156 = arith.addi %multiple_of3A, %add3A_155 : i32
    %dma_start3A_157 = arith.constant 1 : i32
    %dma_start3A_158 = arith.constant 1 : i32
    %dma_start3A_159 = tpu.memref_slice %arg6[%dma_start3A_158] : memref<2x!tpu.dma_semaphore, #tpu.memory_space<semaphore_mem>> -> memref<1x!tpu.dma_semaphore, #tpu.memory_space<semaphore_mem>>
    %dma_start3A_160 = tpu.memref_squeeze %dma_start3A_159 : memref<1x!tpu.dma_semaphore, #tpu.memory_space<semaphore_mem>> -> memref<!tpu.dma_semaphore, #tpu.memory_space<semaphore_mem>>
    %dma_start3A_161 = arith.constant 0 : i32
    %dma_start3A_162 = arith.constant 0 : i32
    %dma_start3A_163 = arith.constant 0 : i32
    %dma_start3A_164 = tpu.memref_slice %arg5[%arg1, %dma_start3A_161, %dma_start3A_162, %dma_start3A_163] : memref<16x2x240x256xf32, #tpu.memory_space<vmem_shared>> -> memref<1x2x240x256xf32, #tpu.memory_space<vmem_shared>>
    %dma_start3A_165 = tpu.memref_squeeze %dma_start3A_164 : memref<1x2x240x256xf32, #tpu.memory_space<vmem_shared>> -> memref<2x240x256xf32, #tpu.memory_space<vmem_shared>>
    %dma_start3A_166 = arith.constant 0 : i32
    %dma_start3A_167 = arith.constant 0 : i32
    %dma_start3A_168 = tpu.memref_slice %dma_start3A_165[%dma_start3A_157, %dma_start3A_166, %dma_start3A_167] : memref<2x240x256xf32, #tpu.memory_space<vmem_shared>> -> memref<1x240x256xf32, #tpu.memory_space<vmem_shared>>
    %dma_start3A_169 = tpu.memref_squeeze %dma_start3A_168 : memref<1x240x256xf32, #tpu.memory_space<vmem_shared>> -> memref<240x256xf32, #tpu.memory_space<vmem_shared>>
    %dma_start3A_170 = arith.constant 0 : i32
    %dma_start3A_171 = tpu.memref_slice %arg3[%add3A_156, %dma_start3A_170] : memref<100000x256xf32, #tpu.memory_space<hbm>> -> memref<240x256xf32, #tpu.memory_space<hbm>>
    tpu.enqueue_dma source(%dma_start3A_171 : memref<240x256xf32, #tpu.memory_space<hbm>>) target(%dma_start3A_169 : memref<240x256xf32, #tpu.memory_space<vmem_shared>>) target_semaphore(%dma_start3A_160 : memref<!tpu.dma_semaphore, #tpu.memory_space<semaphore_mem>>)
    %add3A_172 = arith.constant 240 : i32
    %add3A_173 = arith.addi %multiple_of3A, %add3A_172 : i32
    %dma_wait3A_174 = arith.constant 0 : i32
    %dma_wait3A_175 = arith.constant 0 : i32
    %dma_wait3A_176 = tpu.memref_slice %arg6[%dma_wait3A_175] : memref<2x!tpu.dma_semaphore, #tpu.memory_space<semaphore_mem>> -> memref<1x!tpu.dma_semaphore, #tpu.memory_space<semaphore_mem>>
    %dma_wait3A_177 = tpu.memref_squeeze %dma_wait3A_176 : memref<1x!tpu.dma_semaphore, #tpu.memory_space<semaphore_mem>> -> memref<!tpu.dma_semaphore, #tpu.memory_space<semaphore_mem>>
    %dma_wait3A_178 = arith.constant 0 : i32
    %dma_wait3A_179 = arith.constant 0 : i32
    %dma_wait3A_180 = arith.constant 0 : i32
    %dma_wait3A_181 = tpu.memref_slice %arg5[%arg1, %dma_wait3A_178, %dma_wait3A_179, %dma_wait3A_180] : memref<16x2x240x256xf32, #tpu.memory_space<vmem_shared>> -> memref<1x2x240x256xf32, #tpu.memory_space<vmem_shared>>
    %dma_wait3A_182 = tpu.memref_squeeze %dma_wait3A_181 : memref<1x2x240x256xf32, #tpu.memory_space<vmem_shared>> -> memref<2x240x256xf32, #tpu.memory_space<vmem_shared>>
    %dma_wait3A_183 = arith.constant 0 : i32
    %dma_wait3A_184 = arith.constant 0 : i32
    %dma_wait3A_185 = tpu.memref_slice %dma_wait3A_182[%dma_wait3A_174, %dma_wait3A_183, %dma_wait3A_184] : memref<2x240x256xf32, #tpu.memory_space<vmem_shared>> -> memref<1x240x256xf32, #tpu.memory_space<vmem_shared>>
    %dma_wait3A_186 = tpu.memref_squeeze %dma_wait3A_185 : memref<1x240x256xf32, #tpu.memory_space<vmem_shared>> -> memref<240x256xf32, #tpu.memory_space<vmem_shared>>
    %dma_wait3A_187 = arith.constant 0 : i32
    %dma_wait3A_188 = tpu.memref_slice %arg2[%add3A_173, %dma_wait3A_187] : memref<100000x256xf32, #tpu.memory_space<hbm>> -> memref<240x256xf32, #tpu.memory_space<hbm>>
    tpu.wait_dma2 semaphore(%dma_wait3A_177 : memref<!tpu.dma_semaphore, #tpu.memory_space<semaphore_mem>>) src(%dma_wait3A_188 : memref<240x256xf32, #tpu.memory_space<hbm>>) dst(%dma_wait3A_186 : memref<240x256xf32, #tpu.memory_space<vmem_shared>>)
    %add3A_189 = arith.constant 240 : i32
    %add3A_190 = arith.addi %multiple_of3A, %add3A_189 : i32
    %dma_start3A_191 = arith.constant 0 : i32
    %dma_start3A_192 = arith.constant 0 : i32
    %dma_start3A_193 = tpu.memref_slice %arg7[%dma_start3A_192] : memref<2x!tpu.dma_semaphore, #tpu.memory_space<semaphore_mem>> -> memref<1x!tpu.dma_semaphore, #tpu.memory_space<semaphore_mem>>
    %dma_start3A_194 = tpu.memref_squeeze %dma_start3A_193 : memref<1x!tpu.dma_semaphore, #tpu.memory_space<semaphore_mem>> -> memref<!tpu.dma_semaphore, #tpu.memory_space<semaphore_mem>>
    %dma_start3A_195 = arith.constant 0 : i32
    %dma_start3A_196 = tpu.memref_slice %arg4[%add3A_190, %dma_start3A_195] : memref<100000x512xf32, #tpu.memory_space<hbm>> -> memref<240x256xf32, #tpu.memory_space<hbm>>
    %dma_start3A_197 = arith.constant 0 : i32
    %dma_start3A_198 = arith.constant 0 : i32
    %dma_start3A_199 = arith.constant 0 : i32
    %dma_start3A_200 = tpu.memref_slice %arg5[%arg1, %dma_start3A_197, %dma_start3A_198, %dma_start3A_199] : memref<16x2x240x256xf32, #tpu.memory_space<vmem_shared>> -> memref<1x2x240x256xf32, #tpu.memory_space<vmem_shared>>
    %dma_start3A_201 = tpu.memref_squeeze %dma_start3A_200 : memref<1x2x240x256xf32, #tpu.memory_space<vmem_shared>> -> memref<2x240x256xf32, #tpu.memory_space<vmem_shared>>
    %dma_start3A_202 = arith.constant 0 : i32
    %dma_start3A_203 = arith.constant 0 : i32
    %dma_start3A_204 = tpu.memref_slice %dma_start3A_201[%dma_start3A_191, %dma_start3A_202, %dma_start3A_203] : memref<2x240x256xf32, #tpu.memory_space<vmem_shared>> -> memref<1x240x256xf32, #tpu.memory_space<vmem_shared>>
    %dma_start3A_205 = tpu.memref_squeeze %dma_start3A_204 : memref<1x240x256xf32, #tpu.memory_space<vmem_shared>> -> memref<240x256xf32, #tpu.memory_space<vmem_shared>>
    tpu.enqueue_dma source(%dma_start3A_205 : memref<240x256xf32, #tpu.memory_space<vmem_shared>>) target(%dma_start3A_196 : memref<240x256xf32, #tpu.memory_space<hbm>>) target_semaphore(%dma_start3A_194 : memref<!tpu.dma_semaphore, #tpu.memory_space<semaphore_mem>>)
    %add3A_206 = arith.constant 240 : i32
    %add3A_207 = arith.addi %multiple_of3A, %add3A_206 : i32
    %dma_wait3A_208 = arith.constant 0 : i32
    %dma_wait3A_209 = arith.constant 0 : i32
    %dma_wait3A_210 = tpu.memref_slice %arg7[%dma_wait3A_209] : memref<2x!tpu.dma_semaphore, #tpu.memory_space<semaphore_mem>> -> memref<1x!tpu.dma_semaphore, #tpu.memory_space<semaphore_mem>>
    %dma_wait3A_211 = tpu.memref_squeeze %dma_wait3A_210 : memref<1x!tpu.dma_semaphore, #tpu.memory_space<semaphore_mem>> -> memref<!tpu.dma_semaphore, #tpu.memory_space<semaphore_mem>>
    %dma_wait3A_212 = arith.constant 0 : i32
    %dma_wait3A_213 = tpu.memref_slice %arg4[%add3A_207, %dma_wait3A_212] : memref<100000x512xf32, #tpu.memory_space<hbm>> -> memref<240x256xf32, #tpu.memory_space<hbm>>
    %dma_wait3A_214 = arith.constant 0 : i32
    %dma_wait3A_215 = arith.constant 0 : i32
    %dma_wait3A_216 = arith.constant 0 : i32
    %dma_wait3A_217 = tpu.memref_slice %arg5[%arg1, %dma_wait3A_214, %dma_wait3A_215, %dma_wait3A_216] : memref<16x2x240x256xf32, #tpu.memory_space<vmem_shared>> -> memref<1x2x240x256xf32, #tpu.memory_space<vmem_shared>>
    %dma_wait3A_218 = tpu.memref_squeeze %dma_wait3A_217 : memref<1x2x240x256xf32, #tpu.memory_space<vmem_shared>> -> memref<2x240x256xf32, #tpu.memory_space<vmem_shared>>
    %dma_wait3A_219 = arith.constant 0 : i32
    %dma_wait3A_220 = arith.constant 0 : i32
    %dma_wait3A_221 = tpu.memref_slice %dma_wait3A_218[%dma_wait3A_208, %dma_wait3A_219, %dma_wait3A_220] : memref<2x240x256xf32, #tpu.memory_space<vmem_shared>> -> memref<1x240x256xf32, #tpu.memory_space<vmem_shared>>
    %dma_wait3A_222 = tpu.memref_squeeze %dma_wait3A_221 : memref<1x240x256xf32, #tpu.memory_space<vmem_shared>> -> memref<240x256xf32, #tpu.memory_space<vmem_shared>>
    tpu.wait_dma2 semaphore(%dma_wait3A_211 : memref<!tpu.dma_semaphore, #tpu.memory_space<semaphore_mem>>) src(%dma_wait3A_222 : memref<240x256xf32, #tpu.memory_space<vmem_shared>>) dst(%dma_wait3A_213 : memref<240x256xf32, #tpu.memory_space<hbm>>)
    %add3A_223 = arith.constant 480 : i32
    %add3A_224 = arith.addi %multiple_of3A, %add3A_223 : i32
    %dma_start3A_225 = arith.constant 0 : i32
    %dma_start3A_226 = arith.constant 0 : i32
    %dma_start3A_227 = tpu.memref_slice %arg6[%dma_start3A_226] : memref<2x!tpu.dma_semaphore, #tpu.memory_space<semaphore_mem>> -> memref<1x!tpu.dma_semaphore, #tpu.memory_space<semaphore_mem>>
    %dma_start3A_228 = tpu.memref_squeeze %dma_start3A_227 : memref<1x!tpu.dma_semaphore, #tpu.memory_space<semaphore_mem>> -> memref<!tpu.dma_semaphore, #tpu.memory_space<semaphore_mem>>
    %dma_start3A_229 = arith.constant 0 : i32
    %dma_start3A_230 = arith.constant 0 : i32
    %dma_start3A_231 = arith.constant 0 : i32
    %dma_start3A_232 = tpu.memref_slice %arg5[%arg1, %dma_start3A_229, %dma_start3A_230, %dma_start3A_231] : memref<16x2x240x256xf32, #tpu.memory_space<vmem_shared>> -> memref<1x2x240x256xf32, #tpu.memory_space<vmem_shared>>
    %dma_start3A_233 = tpu.memref_squeeze %dma_start3A_232 : memref<1x2x240x256xf32, #tpu.memory_space<vmem_shared>> -> memref<2x240x256xf32, #tpu.memory_space<vmem_shared>>
    %dma_start3A_234 = arith.constant 0 : i32
    %dma_start3A_235 = arith.constant 0 : i32
    %dma_start3A_236 = tpu.memref_slice %dma_start3A_233[%dma_start3A_225, %dma_start3A_234, %dma_start3A_235] : memref<2x240x256xf32, #tpu.memory_space<vmem_shared>> -> memref<1x240x256xf32, #tpu.memory_space<vmem_shared>>
    %dma_start3A_237 = tpu.memref_squeeze %dma_start3A_236 : memref<1x240x256xf32, #tpu.memory_space<vmem_shared>> -> memref<240x256xf32, #tpu.memory_space<vmem_shared>>
    %dma_start3A_238 = arith.constant 0 : i32
    %dma_start3A_239 = tpu.memref_slice %arg2[%add3A_224, %dma_start3A_238] : memref<100000x256xf32, #tpu.memory_space<hbm>> -> memref<240x256xf32, #tpu.memory_space<hbm>>
    tpu.enqueue_dma source(%dma_start3A_239 : memref<240x256xf32, #tpu.memory_space<hbm>>) target(%dma_start3A_237 : memref<240x256xf32, #tpu.memory_space<vmem_shared>>) target_semaphore(%dma_start3A_228 : memref<!tpu.dma_semaphore, #tpu.memory_space<semaphore_mem>>)
    %add3A_240 = arith.constant 240 : i32
    %add3A_241 = arith.addi %multiple_of3A, %add3A_240 : i32
    %dma_wait3A_242 = arith.constant 1 : i32
    %dma_wait3A_243 = arith.constant 1 : i32
    %dma_wait3A_244 = tpu.memref_slice %arg6[%dma_wait3A_243] : memref<2x!tpu.dma_semaphore, #tpu.memory_space<semaphore_mem>> -> memref<1x!tpu.dma_semaphore, #tpu.memory_space<semaphore_mem>>
    %dma_wait3A_245 = tpu.memref_squeeze %dma_wait3A_244 : memref<1x!tpu.dma_semaphore, #tpu.memory_space<semaphore_mem>> -> memref<!tpu.dma_semaphore, #tpu.memory_space<semaphore_mem>>
    %dma_wait3A_246 = arith.constant 0 : i32
    %dma_wait3A_247 = arith.constant 0 : i32
    %dma_wait3A_248 = arith.constant 0 : i32
    %dma_wait3A_249 = tpu.memref_slice %arg5[%arg1, %dma_wait3A_246, %dma_wait3A_247, %dma_wait3A_248] : memref<16x2x240x256xf32, #tpu.memory_space<vmem_shared>> -> memref<1x2x240x256xf32, #tpu.memory_space<vmem_shared>>
    %dma_wait3A_250 = tpu.memref_squeeze %dma_wait3A_249 : memref<1x2x240x256xf32, #tpu.memory_space<vmem_shared>> -> memref<2x240x256xf32, #tpu.memory_space<vmem_shared>>
    %dma_wait3A_251 = arith.constant 0 : i32
    %dma_wait3A_252 = arith.constant 0 : i32
    %dma_wait3A_253 = tpu.memref_slice %dma_wait3A_250[%dma_wait3A_242, %dma_wait3A_251, %dma_wait3A_252] : memref<2x240x256xf32, #tpu.memory_space<vmem_shared>> -> memref<1x240x256xf32, #tpu.memory_space<vmem_shared>>
    %dma_wait3A_254 = tpu.memref_squeeze %dma_wait3A_253 : memref<1x240x256xf32, #tpu.memory_space<vmem_shared>> -> memref<240x256xf32, #tpu.memory_space<vmem_shared>>
    %dma_wait3A_255 = arith.constant 0 : i32
    %dma_wait3A_256 = tpu.memref_slice %arg3[%add3A_241, %dma_wait3A_255] : memref<100000x256xf32, #tpu.memory_space<hbm>> -> memref<240x256xf32, #tpu.memory_space<hbm>>
    tpu.wait_dma2 semaphore(%dma_wait3A_245 : memref<!tpu.dma_semaphore, #tpu.memory_space<semaphore_mem>>) src(%dma_wait3A_256 : memref<240x256xf32, #tpu.memory_space<hbm>>) dst(%dma_wait3A_254 : memref<240x256xf32, #tpu.memory_space<vmem_shared>>)
    %add3A_257 = arith.constant 240 : i32
    %add3A_258 = arith.addi %multiple_of3A, %add3A_257 : i32
    %dma_start3A_259 = arith.constant 1 : i32
    %dma_start3A_260 = arith.constant 1 : i32
    %dma_start3A_261 = tpu.memref_slice %arg7[%dma_start3A_260] : memref<2x!tpu.dma_semaphore, #tpu.memory_space<semaphore_mem>> -> memref<1x!tpu.dma_semaphore, #tpu.memory_space<semaphore_mem>>
    %dma_start3A_262 = tpu.memref_squeeze %dma_start3A_261 : memref<1x!tpu.dma_semaphore, #tpu.memory_space<semaphore_mem>> -> memref<!tpu.dma_semaphore, #tpu.memory_space<semaphore_mem>>
    %dma_start3A_263 = arith.constant 256 : i32
    %dma_start3A_264 = tpu.memref_slice %arg4[%add3A_258, %dma_start3A_263] : memref<100000x512xf32, #tpu.memory_space<hbm>> -> memref<240x256xf32, #tpu.memory_space<hbm>>
    %dma_start3A_265 = arith.constant 0 : i32
    %dma_start3A_266 = arith.constant 0 : i32
    %dma_start3A_267 = arith.constant 0 : i32
    %dma_start3A_268 = tpu.memref_slice %arg5[%arg1, %dma_start3A_265, %dma_start3A_266, %dma_start3A_267] : memref<16x2x240x256xf32, #tpu.memory_space<vmem_shared>> -> memref<1x2x240x256xf32, #tpu.memory_space<vmem_shared>>
    %dma_start3A_269 = tpu.memref_squeeze %dma_start3A_268 : memref<1x2x240x256xf32, #tpu.memory_space<vmem_shared>> -> memref<2x240x256xf32, #tpu.memory_space<vmem_shared>>
    %dma_start3A_270 = arith.constant 0 : i32
    %dma_start3A_271 = arith.constant 0 : i32
    %dma_start3A_272 = tpu.memref_slice %dma_start3A_269[%dma_start3A_259, %dma_start3A_270, %dma_start3A_271] : memref<2x240x256xf32, #tpu.memory_space<vmem_shared>> -> memref<1x240x256xf32, #tpu.memory_space<vmem_shared>>
    %dma_start3A_273 = tpu.memref_squeeze %dma_start3A_272 : memref<1x240x256xf32, #tpu.memory_space<vmem_shared>> -> memref<240x256xf32, #tpu.memory_space<vmem_shared>>
    tpu.enqueue_dma source(%dma_start3A_273 : memref<240x256xf32, #tpu.memory_space<vmem_shared>>) target(%dma_start3A_264 : memref<240x256xf32, #tpu.memory_space<hbm>>) target_semaphore(%dma_start3A_262 : memref<!tpu.dma_semaphore, #tpu.memory_space<semaphore_mem>>)
    %add3A_274 = arith.constant 240 : i32
    %add3A_275 = arith.addi %multiple_of3A, %add3A_274 : i32
    %dma_wait3A_276 = arith.constant 1 : i32
    %dma_wait3A_277 = arith.constant 1 : i32
    %dma_wait3A_278 = tpu.memref_slice %arg7[%dma_wait3A_277] : memref<2x!tpu.dma_semaphore, #tpu.memory_space<semaphore_mem>> -> memref<1x!tpu.dma_semaphore, #tpu.memory_space<semaphore_mem>>
    %dma_wait3A_279 = tpu.memref_squeeze %dma_wait3A_278 : memref<1x!tpu.dma_semaphore, #tpu.memory_space<semaphore_mem>> -> memref<!tpu.dma_semaphore, #tpu.memory_space<semaphore_mem>>
    %dma_wait3A_280 = arith.constant 256 : i32
    %dma_wait3A_281 = tpu.memref_slice %arg4[%add3A_275, %dma_wait3A_280] : memref<100000x512xf32, #tpu.memory_space<hbm>> -> memref<240x256xf32, #tpu.memory_space<hbm>>
    %dma_wait3A_282 = arith.constant 0 : i32
    %dma_wait3A_283 = arith.constant 0 : i32
    %dma_wait3A_284 = arith.constant 0 : i32
    %dma_wait3A_285 = tpu.memref_slice %arg5[%arg1, %dma_wait3A_282, %dma_wait3A_283, %dma_wait3A_284] : memref<16x2x240x256xf32, #tpu.memory_space<vmem_shared>> -> memref<1x2x240x256xf32, #tpu.memory_space<vmem_shared>>
    %dma_wait3A_286 = tpu.memref_squeeze %dma_wait3A_285 : memref<1x2x240x256xf32, #tpu.memory_space<vmem_shared>> -> memref<2x240x256xf32, #tpu.memory_space<vmem_shared>>
    %dma_wait3A_287 = arith.constant 0 : i32
    %dma_wait3A_288 = arith.constant 0 : i32
    %dma_wait3A_289 = tpu.memref_slice %dma_wait3A_286[%dma_wait3A_276, %dma_wait3A_287, %dma_wait3A_288] : memref<2x240x256xf32, #tpu.memory_space<vmem_shared>> -> memref<1x240x256xf32, #tpu.memory_space<vmem_shared>>
    %dma_wait3A_290 = tpu.memref_squeeze %dma_wait3A_289 : memref<1x240x256xf32, #tpu.memory_space<vmem_shared>> -> memref<240x256xf32, #tpu.memory_space<vmem_shared>>
    tpu.wait_dma2 semaphore(%dma_wait3A_279 : memref<!tpu.dma_semaphore, #tpu.memory_space<semaphore_mem>>) src(%dma_wait3A_290 : memref<240x256xf32, #tpu.memory_space<vmem_shared>>) dst(%dma_wait3A_281 : memref<240x256xf32, #tpu.memory_space<hbm>>)
    %add3A_291 = arith.constant 480 : i32
    %add3A_292 = arith.addi %multiple_of3A, %add3A_291 : i32
    %dma_start3A_293 = arith.constant 1 : i32
    %dma_start3A_294 = arith.constant 1 : i32
    %dma_start3A_295 = tpu.memref_slice %arg6[%dma_start3A_294] : memref<2x!tpu.dma_semaphore, #tpu.memory_space<semaphore_mem>> -> memref<1x!tpu.dma_semaphore, #tpu.memory_space<semaphore_mem>>
    %dma_start3A_296 = tpu.memref_squeeze %dma_start3A_295 : memref<1x!tpu.dma_semaphore, #tpu.memory_space<semaphore_mem>> -> memref<!tpu.dma_semaphore, #tpu.memory_space<semaphore_mem>>
    %dma_start3A_297 = arith.constant 0 : i32
    %dma_start3A_298 = arith.constant 0 : i32
    %dma_start3A_299 = arith.constant 0 : i32
    %dma_start3A_300 = tpu.memref_slice %arg5[%arg1, %dma_start3A_297, %dma_start3A_298, %dma_start3A_299] : memref<16x2x240x256xf32, #tpu.memory_space<vmem_shared>> -> memref<1x2x240x256xf32, #tpu.memory_space<vmem_shared>>
    %dma_start3A_301 = tpu.memref_squeeze %dma_start3A_300 : memref<1x2x240x256xf32, #tpu.memory_space<vmem_shared>> -> memref<2x240x256xf32, #tpu.memory_space<vmem_shared>>
    %dma_start3A_302 = arith.constant 0 : i32
    %dma_start3A_303 = arith.constant 0 : i32
    %dma_start3A_304 = tpu.memref_slice %dma_start3A_301[%dma_start3A_293, %dma_start3A_302, %dma_start3A_303] : memref<2x240x256xf32, #tpu.memory_space<vmem_shared>> -> memref<1x240x256xf32, #tpu.memory_space<vmem_shared>>
    %dma_start3A_305 = tpu.memref_squeeze %dma_start3A_304 : memref<1x240x256xf32, #tpu.memory_space<vmem_shared>> -> memref<240x256xf32, #tpu.memory_space<vmem_shared>>
    %dma_start3A_306 = arith.constant 0 : i32
    %dma_start3A_307 = tpu.memref_slice %arg3[%add3A_292, %dma_start3A_306] : memref<100000x256xf32, #tpu.memory_space<hbm>> -> memref<240x256xf32, #tpu.memory_space<hbm>>
    tpu.enqueue_dma source(%dma_start3A_307 : memref<240x256xf32, #tpu.memory_space<hbm>>) target(%dma_start3A_305 : memref<240x256xf32, #tpu.memory_space<vmem_shared>>) target_semaphore(%dma_start3A_296 : memref<!tpu.dma_semaphore, #tpu.memory_space<semaphore_mem>>)
    %add3A_308 = arith.constant 480 : i32
    %add3A_309 = arith.addi %multiple_of3A, %add3A_308 : i32
    %dma_wait3A_310 = arith.constant 0 : i32
    %dma_wait3A_311 = arith.constant 0 : i32
    %dma_wait3A_312 = tpu.memref_slice %arg6[%dma_wait3A_311] : memref<2x!tpu.dma_semaphore, #tpu.memory_space<semaphore_mem>> -> memref<1x!tpu.dma_semaphore, #tpu.memory_space<semaphore_mem>>
    %dma_wait3A_313 = tpu.memref_squeeze %dma_wait3A_312 : memref<1x!tpu.dma_semaphore, #tpu.memory_space<semaphore_mem>> -> memref<!tpu.dma_semaphore, #tpu.memory_space<semaphore_mem>>
    %dma_wait3A_314 = arith.constant 0 : i32
    %dma_wait3A_315 = arith.constant 0 : i32
    %dma_wait3A_316 = arith.constant 0 : i32
    %dma_wait3A_317 = tpu.memref_slice %arg5[%arg1, %dma_wait3A_314, %dma_wait3A_315, %dma_wait3A_316] : memref<16x2x240x256xf32, #tpu.memory_space<vmem_shared>> -> memref<1x2x240x256xf32, #tpu.memory_space<vmem_shared>>
    %dma_wait3A_318 = tpu.memref_squeeze %dma_wait3A_317 : memref<1x2x240x256xf32, #tpu.memory_space<vmem_shared>> -> memref<2x240x256xf32, #tpu.memory_space<vmem_shared>>
    %dma_wait3A_319 = arith.constant 0 : i32
    %dma_wait3A_320 = arith.constant 0 : i32
    %dma_wait3A_321 = tpu.memref_slice %dma_wait3A_318[%dma_wait3A_310, %dma_wait3A_319, %dma_wait3A_320] : memref<2x240x256xf32, #tpu.memory_space<vmem_shared>> -> memref<1x240x256xf32, #tpu.memory_space<vmem_shared>>
    %dma_wait3A_322 = tpu.memref_squeeze %dma_wait3A_321 : memref<1x240x256xf32, #tpu.memory_space<vmem_shared>> -> memref<240x256xf32, #tpu.memory_space<vmem_shared>>
    %dma_wait3A_323 = arith.constant 0 : i32
    %dma_wait3A_324 = tpu.memref_slice %arg2[%add3A_309, %dma_wait3A_323] : memref<100000x256xf32, #tpu.memory_space<hbm>> -> memref<240x256xf32, #tpu.memory_space<hbm>>
    tpu.wait_dma2 semaphore(%dma_wait3A_313 : memref<!tpu.dma_semaphore, #tpu.memory_space<semaphore_mem>>) src(%dma_wait3A_324 : memref<240x256xf32, #tpu.memory_space<hbm>>) dst(%dma_wait3A_322 : memref<240x256xf32, #tpu.memory_space<vmem_shared>>)
    %add3A_325 = arith.constant 480 : i32
    %add3A_326 = arith.addi %multiple_of3A, %add3A_325 : i32
    %dma_start3A_327 = arith.constant 0 : i32
    %dma_start3A_328 = arith.constant 0 : i32
    %dma_start3A_329 = tpu.memref_slice %arg7[%dma_start3A_328] : memref<2x!tpu.dma_semaphore, #tpu.memory_space<semaphore_mem>> -> memref<1x!tpu.dma_semaphore, #tpu.memory_space<semaphore_mem>>
    %dma_start3A_330 = tpu.memref_squeeze %dma_start3A_329 : memref<1x!tpu.dma_semaphore, #tpu.memory_space<semaphore_mem>> -> memref<!tpu.dma_semaphore, #tpu.memory_space<semaphore_mem>>
    %dma_start3A_331 = arith.constant 0 : i32
    %dma_start3A_332 = tpu.memref_slice %arg4[%add3A_326, %dma_start3A_331] : memref<100000x512xf32, #tpu.memory_space<hbm>> -> memref<240x256xf32, #tpu.memory_space<hbm>>
    %dma_start3A_333 = arith.constant 0 : i32
    %dma_start3A_334 = arith.constant 0 : i32
    %dma_start3A_335 = arith.constant 0 : i32
    %dma_start3A_336 = tpu.memref_slice %arg5[%arg1, %dma_start3A_333, %dma_start3A_334, %dma_start3A_335] : memref<16x2x240x256xf32, #tpu.memory_space<vmem_shared>> -> memref<1x2x240x256xf32, #tpu.memory_space<vmem_shared>>
    %dma_start3A_337 = tpu.memref_squeeze %dma_start3A_336 : memref<1x2x240x256xf32, #tpu.memory_space<vmem_shared>> -> memref<2x240x256xf32, #tpu.memory_space<vmem_shared>>
    %dma_start3A_338 = arith.constant 0 : i32
    %dma_start3A_339 = arith.constant 0 : i32
    %dma_start3A_340 = tpu.memref_slice %dma_start3A_337[%dma_start3A_327, %dma_start3A_338, %dma_start3A_339] : memref<2x240x256xf32, #tpu.memory_space<vmem_shared>> -> memref<1x240x256xf32, #tpu.memory_space<vmem_shared>>
    %dma_start3A_341 = tpu.memref_squeeze %dma_start3A_340 : memref<1x240x256xf32, #tpu.memory_space<vmem_shared>> -> memref<240x256xf32, #tpu.memory_space<vmem_shared>>
    tpu.enqueue_dma source(%dma_start3A_341 : memref<240x256xf32, #tpu.memory_space<vmem_shared>>) target(%dma_start3A_332 : memref<240x256xf32, #tpu.memory_space<hbm>>) target_semaphore(%dma_start3A_330 : memref<!tpu.dma_semaphore, #tpu.memory_space<semaphore_mem>>)
    %add3A_342 = arith.constant 480 : i32
    %add3A_343 = arith.addi %multiple_of3A, %add3A_342 : i32
    %dma_wait3A_344 = arith.constant 0 : i32
    %dma_wait3A_345 = arith.constant 0 : i32
    %dma_wait3A_346 = tpu.memref_slice %arg7[%dma_wait3A_345] : memref<2x!tpu.dma_semaphore, #tpu.memory_space<semaphore_mem>> -> memref<1x!tpu.dma_semaphore, #tpu.memory_space<semaphore_mem>>
    %dma_wait3A_347 = tpu.memref_squeeze %dma_wait3A_346 : memref<1x!tpu.dma_semaphore, #tpu.memory_space<semaphore_mem>> -> memref<!tpu.dma_semaphore, #tpu.memory_space<semaphore_mem>>
    %dma_wait3A_348 = arith.constant 0 : i32
    %dma_wait3A_349 = tpu.memref_slice %arg4[%add3A_343, %dma_wait3A_348] : memref<100000x512xf32, #tpu.memory_space<hbm>> -> memref<240x256xf32, #tpu.memory_space<hbm>>
    %dma_wait3A_350 = arith.constant 0 : i32
    %dma_wait3A_351 = arith.constant 0 : i32
    %dma_wait3A_352 = arith.constant 0 : i32
    %dma_wait3A_353 = tpu.memref_slice %arg5[%arg1, %dma_wait3A_350, %dma_wait3A_351, %dma_wait3A_352] : memref<16x2x240x256xf32, #tpu.memory_space<vmem_shared>> -> memref<1x2x240x256xf32, #tpu.memory_space<vmem_shared>>
    %dma_wait3A_354 = tpu.memref_squeeze %dma_wait3A_353 : memref<1x2x240x256xf32, #tpu.memory_space<vmem_shared>> -> memref<2x240x256xf32, #tpu.memory_space<vmem_shared>>
    %dma_wait3A_355 = arith.constant 0 : i32
    %dma_wait3A_356 = arith.constant 0 : i32
    %dma_wait3A_357 = tpu.memref_slice %dma_wait3A_354[%dma_wait3A_344, %dma_wait3A_355, %dma_wait3A_356] : memref<2x240x256xf32, #tpu.memory_space<vmem_shared>> -> memref<1x240x256xf32, #tpu.memory_space<vmem_shared>>
    %dma_wait3A_358 = tpu.memref_squeeze %dma_wait3A_357 : memref<1x240x256xf32, #tpu.memory_space<vmem_shared>> -> memref<240x256xf32, #tpu.memory_space<vmem_shared>>
    tpu.wait_dma2 semaphore(%dma_wait3A_347 : memref<!tpu.dma_semaphore, #tpu.memory_space<semaphore_mem>>) src(%dma_wait3A_358 : memref<240x256xf32, #tpu.memory_space<vmem_shared>>) dst(%dma_wait3A_349 : memref<240x256xf32, #tpu.memory_space<hbm>>)
    %add3A_359 = arith.constant 720 : i32
    %add3A_360 = arith.addi %multiple_of3A, %add3A_359 : i32
    %dma_start3A_361 = arith.constant 0 : i32
    %dma_start3A_362 = arith.constant 0 : i32
    %dma_start3A_363 = tpu.memref_slice %arg6[%dma_start3A_362] : memref<2x!tpu.dma_semaphore, #tpu.memory_space<semaphore_mem>> -> memref<1x!tpu.dma_semaphore, #tpu.memory_space<semaphore_mem>>
    %dma_start3A_364 = tpu.memref_squeeze %dma_start3A_363 : memref<1x!tpu.dma_semaphore, #tpu.memory_space<semaphore_mem>> -> memref<!tpu.dma_semaphore, #tpu.memory_space<semaphore_mem>>
    %dma_start3A_365 = arith.constant 0 : i32
    %dma_start3A_366 = arith.constant 0 : i32
    %dma_start3A_367 = arith.constant 0 : i32
    %dma_start3A_368 = tpu.memref_slice %arg5[%arg1, %dma_start3A_365, %dma_start3A_366, %dma_start3A_367] : memref<16x2x240x256xf32, #tpu.memory_space<vmem_shared>> -> memref<1x2x240x256xf32, #tpu.memory_space<vmem_shared>>
    %dma_start3A_369 = tpu.memref_squeeze %dma_start3A_368 : memref<1x2x240x256xf32, #tpu.memory_space<vmem_shared>> -> memref<2x240x256xf32, #tpu.memory_space<vmem_shared>>
    %dma_start3A_370 = arith.constant 0 : i32
    %dma_start3A_371 = arith.constant 0 : i32
    %dma_start3A_372 = tpu.memref_slice %dma_start3A_369[%dma_start3A_361, %dma_start3A_370, %dma_start3A_371] : memref<2x240x256xf32, #tpu.memory_space<vmem_shared>> -> memref<1x240x256xf32, #tpu.memory_space<vmem_shared>>
    %dma_start3A_373 = tpu.memref_squeeze %dma_start3A_372 : memref<1x240x256xf32, #tpu.memory_space<vmem_shared>> -> memref<240x256xf32, #tpu.memory_space<vmem_shared>>
    %dma_start3A_374 = arith.constant 0 : i32
    %dma_start3A_375 = tpu.memref_slice %arg2[%add3A_360, %dma_start3A_374] : memref<100000x256xf32, #tpu.memory_space<hbm>> -> memref<240x256xf32, #tpu.memory_space<hbm>>
    tpu.enqueue_dma source(%dma_start3A_375 : memref<240x256xf32, #tpu.memory_space<hbm>>) target(%dma_start3A_373 : memref<240x256xf32, #tpu.memory_space<vmem_shared>>) target_semaphore(%dma_start3A_364 : memref<!tpu.dma_semaphore, #tpu.memory_space<semaphore_mem>>)
    %add3A_376 = arith.constant 480 : i32
    %add3A_377 = arith.addi %multiple_of3A, %add3A_376 : i32
    %dma_wait3A_378 = arith.constant 1 : i32
    %dma_wait3A_379 = arith.constant 1 : i32
    %dma_wait3A_380 = tpu.memref_slice %arg6[%dma_wait3A_379] : memref<2x!tpu.dma_semaphore, #tpu.memory_space<semaphore_mem>> -> memref<1x!tpu.dma_semaphore, #tpu.memory_space<semaphore_mem>>
    %dma_wait3A_381 = tpu.memref_squeeze %dma_wait3A_380 : memref<1x!tpu.dma_semaphore, #tpu.memory_space<semaphore_mem>> -> memref<!tpu.dma_semaphore, #tpu.memory_space<semaphore_mem>>
    %dma_wait3A_382 = arith.constant 0 : i32
    %dma_wait3A_383 = arith.constant 0 : i32
    %dma_wait3A_384 = arith.constant 0 : i32
    %dma_wait3A_385 = tpu.memref_slice %arg5[%arg1, %dma_wait3A_382, %dma_wait3A_383, %dma_wait3A_384] : memref<16x2x240x256xf32, #tpu.memory_space<vmem_shared>> -> memref<1x2x240x256xf32, #tpu.memory_space<vmem_shared>>
    %dma_wait3A_386 = tpu.memref_squeeze %dma_wait3A_385 : memref<1x2x240x256xf32, #tpu.memory_space<vmem_shared>> -> memref<2x240x256xf32, #tpu.memory_space<vmem_shared>>
    %dma_wait3A_387 = arith.constant 0 : i32
    %dma_wait3A_388 = arith.constant 0 : i32
    %dma_wait3A_389 = tpu.memref_slice %dma_wait3A_386[%dma_wait3A_378, %dma_wait3A_387, %dma_wait3A_388] : memref<2x240x256xf32, #tpu.memory_space<vmem_shared>> -> memref<1x240x256xf32, #tpu.memory_space<vmem_shared>>
    %dma_wait3A_390 = tpu.memref_squeeze %dma_wait3A_389 : memref<1x240x256xf32, #tpu.memory_space<vmem_shared>> -> memref<240x256xf32, #tpu.memory_space<vmem_shared>>
    %dma_wait3A_391 = arith.constant 0 : i32
    %dma_wait3A_392 = tpu.memref_slice %arg3[%add3A_377, %dma_wait3A_391] : memref<100000x256xf32, #tpu.memory_space<hbm>> -> memref<240x256xf32, #tpu.memory_space<hbm>>
    tpu.wait_dma2 semaphore(%dma_wait3A_381 : memref<!tpu.dma_semaphore, #tpu.memory_space<semaphore_mem>>) src(%dma_wait3A_392 : memref<240x256xf32, #tpu.memory_space<hbm>>) dst(%dma_wait3A_390 : memref<240x256xf32, #tpu.memory_space<vmem_shared>>)
    %add3A_393 = arith.constant 480 : i32
    %add3A_394 = arith.addi %multiple_of3A, %add3A_393 : i32
    %dma_start3A_395 = arith.constant 1 : i32
    %dma_start3A_396 = arith.constant 1 : i32
    %dma_start3A_397 = tpu.memref_slice %arg7[%dma_start3A_396] : memref<2x!tpu.dma_semaphore, #tpu.memory_space<semaphore_mem>> -> memref<1x!tpu.dma_semaphore, #tpu.memory_space<semaphore_mem>>
    %dma_start3A_398 = tpu.memref_squeeze %dma_start3A_397 : memref<1x!tpu.dma_semaphore, #tpu.memory_space<semaphore_mem>> -> memref<!tpu.dma_semaphore, #tpu.memory_space<semaphore_mem>>
    %dma_start3A_399 = arith.constant 256 : i32
    %dma_start3A_400 = tpu.memref_slice %arg4[%add3A_394, %dma_start3A_399] : memref<100000x512xf32, #tpu.memory_space<hbm>> -> memref<240x256xf32, #tpu.memory_space<hbm>>
    %dma_start3A_401 = arith.constant 0 : i32
    %dma_start3A_402 = arith.constant 0 : i32
    %dma_start3A_403 = arith.constant 0 : i32
    %dma_start3A_404 = tpu.memref_slice %arg5[%arg1, %dma_start3A_401, %dma_start3A_402, %dma_start3A_403] : memref<16x2x240x256xf32, #tpu.memory_space<vmem_shared>> -> memref<1x2x240x256xf32, #tpu.memory_space<vmem_shared>>
    %dma_start3A_405 = tpu.memref_squeeze %dma_start3A_404 : memref<1x2x240x256xf32, #tpu.memory_space<vmem_shared>> -> memref<2x240x256xf32, #tpu.memory_space<vmem_shared>>
    %dma_start3A_406 = arith.constant 0 : i32
    %dma_start3A_407 = arith.constant 0 : i32
    %dma_start3A_408 = tpu.memref_slice %dma_start3A_405[%dma_start3A_395, %dma_start3A_406, %dma_start3A_407] : memref<2x240x256xf32, #tpu.memory_space<vmem_shared>> -> memref<1x240x256xf32, #tpu.memory_space<vmem_shared>>
    %dma_start3A_409 = tpu.memref_squeeze %dma_start3A_408 : memref<1x240x256xf32, #tpu.memory_space<vmem_shared>> -> memref<240x256xf32, #tpu.memory_space<vmem_shared>>
    tpu.enqueue_dma source(%dma_start3A_409 : memref<240x256xf32, #tpu.memory_space<vmem_shared>>) target(%dma_start3A_400 : memref<240x256xf32, #tpu.memory_space<hbm>>) target_semaphore(%dma_start3A_398 : memref<!tpu.dma_semaphore, #tpu.memory_space<semaphore_mem>>)
    %add3A_410 = arith.constant 480 : i32
    %add3A_411 = arith.addi %multiple_of3A, %add3A_410 : i32
    %dma_wait3A_412 = arith.constant 1 : i32
    %dma_wait3A_413 = arith.constant 1 : i32
    %dma_wait3A_414 = tpu.memref_slice %arg7[%dma_wait3A_413] : memref<2x!tpu.dma_semaphore, #tpu.memory_space<semaphore_mem>> -> memref<1x!tpu.dma_semaphore, #tpu.memory_space<semaphore_mem>>
    %dma_wait3A_415 = tpu.memref_squeeze %dma_wait3A_414 : memref<1x!tpu.dma_semaphore, #tpu.memory_space<semaphore_mem>> -> memref<!tpu.dma_semaphore, #tpu.memory_space<semaphore_mem>>
    %dma_wait3A_416 = arith.constant 256 : i32
    %dma_wait3A_417 = tpu.memref_slice %arg4[%add3A_411, %dma_wait3A_416] : memref<100000x512xf32, #tpu.memory_space<hbm>> -> memref<240x256xf32, #tpu.memory_space<hbm>>
    %dma_wait3A_418 = arith.constant 0 : i32
    %dma_wait3A_419 = arith.constant 0 : i32
    %dma_wait3A_420 = arith.constant 0 : i32
    %dma_wait3A_421 = tpu.memref_slice %arg5[%arg1, %dma_wait3A_418, %dma_wait3A_419, %dma_wait3A_420] : memref<16x2x240x256xf32, #tpu.memory_space<vmem_shared>> -> memref<1x2x240x256xf32, #tpu.memory_space<vmem_shared>>
    %dma_wait3A_422 = tpu.memref_squeeze %dma_wait3A_421 : memref<1x2x240x256xf32, #tpu.memory_space<vmem_shared>> -> memref<2x240x256xf32, #tpu.memory_space<vmem_shared>>
    %dma_wait3A_423 = arith.constant 0 : i32
    %dma_wait3A_424 = arith.constant 0 : i32
    %dma_wait3A_425 = tpu.memref_slice %dma_wait3A_422[%dma_wait3A_412, %dma_wait3A_423, %dma_wait3A_424] : memref<2x240x256xf32, #tpu.memory_space<vmem_shared>> -> memref<1x240x256xf32, #tpu.memory_space<vmem_shared>>
    %dma_wait3A_426 = tpu.memref_squeeze %dma_wait3A_425 : memref<1x240x256xf32, #tpu.memory_space<vmem_shared>> -> memref<240x256xf32, #tpu.memory_space<vmem_shared>>
    tpu.wait_dma2 semaphore(%dma_wait3A_415 : memref<!tpu.dma_semaphore, #tpu.memory_space<semaphore_mem>>) src(%dma_wait3A_426 : memref<240x256xf32, #tpu.memory_space<vmem_shared>>) dst(%dma_wait3A_417 : memref<240x256xf32, #tpu.memory_space<hbm>>)
    %add3A_427 = arith.constant 720 : i32
    %add3A_428 = arith.addi %multiple_of3A, %add3A_427 : i32
    %dma_start3A_429 = arith.constant 1 : i32
    %dma_start3A_430 = arith.constant 1 : i32
    %dma_start3A_431 = tpu.memref_slice %arg6[%dma_start3A_430] : memref<2x!tpu.dma_semaphore, #tpu.memory_space<semaphore_mem>> -> memref<1x!tpu.dma_semaphore, #tpu.memory_space<semaphore_mem>>
    %dma_start3A_432 = tpu.memref_squeeze %dma_start3A_431 : memref<1x!tpu.dma_semaphore, #tpu.memory_space<semaphore_mem>> -> memref<!tpu.dma_semaphore, #tpu.memory_space<semaphore_mem>>
    %dma_start3A_433 = arith.constant 0 : i32
    %dma_start3A_434 = arith.constant 0 : i32
    %dma_start3A_435 = arith.constant 0 : i32
    %dma_start3A_436 = tpu.memref_slice %arg5[%arg1, %dma_start3A_433, %dma_start3A_434, %dma_start3A_435] : memref<16x2x240x256xf32, #tpu.memory_space<vmem_shared>> -> memref<1x2x240x256xf32, #tpu.memory_space<vmem_shared>>
    %dma_start3A_437 = tpu.memref_squeeze %dma_start3A_436 : memref<1x2x240x256xf32, #tpu.memory_space<vmem_shared>> -> memref<2x240x256xf32, #tpu.memory_space<vmem_shared>>
    %dma_start3A_438 = arith.constant 0 : i32
    %dma_start3A_439 = arith.constant 0 : i32
    %dma_start3A_440 = tpu.memref_slice %dma_start3A_437[%dma_start3A_429, %dma_start3A_438, %dma_start3A_439] : memref<2x240x256xf32, #tpu.memory_space<vmem_shared>> -> memref<1x240x256xf32, #tpu.memory_space<vmem_shared>>
    %dma_start3A_441 = tpu.memref_squeeze %dma_start3A_440 : memref<1x240x256xf32, #tpu.memory_space<vmem_shared>> -> memref<240x256xf32, #tpu.memory_space<vmem_shared>>
    %dma_start3A_442 = arith.constant 0 : i32
    %dma_start3A_443 = tpu.memref_slice %arg3[%add3A_428, %dma_start3A_442] : memref<100000x256xf32, #tpu.memory_space<hbm>> -> memref<240x256xf32, #tpu.memory_space<hbm>>
    tpu.enqueue_dma source(%dma_start3A_443 : memref<240x256xf32, #tpu.memory_space<hbm>>) target(%dma_start3A_441 : memref<240x256xf32, #tpu.memory_space<vmem_shared>>) target_semaphore(%dma_start3A_432 : memref<!tpu.dma_semaphore, #tpu.memory_space<semaphore_mem>>)
    %add3A_444 = arith.constant 720 : i32
    %add3A_445 = arith.addi %multiple_of3A, %add3A_444 : i32
    %dma_wait3A_446 = arith.constant 0 : i32
    %dma_wait3A_447 = arith.constant 0 : i32
    %dma_wait3A_448 = tpu.memref_slice %arg6[%dma_wait3A_447] : memref<2x!tpu.dma_semaphore, #tpu.memory_space<semaphore_mem>> -> memref<1x!tpu.dma_semaphore, #tpu.memory_space<semaphore_mem>>
    %dma_wait3A_449 = tpu.memref_squeeze %dma_wait3A_448 : memref<1x!tpu.dma_semaphore, #tpu.memory_space<semaphore_mem>> -> memref<!tpu.dma_semaphore, #tpu.memory_space<semaphore_mem>>
    %dma_wait3A_450 = arith.constant 0 : i32
    %dma_wait3A_451 = arith.constant 0 : i32
    %dma_wait3A_452 = arith.constant 0 : i32
    %dma_wait3A_453 = tpu.memref_slice %arg5[%arg1, %dma_wait3A_450, %dma_wait3A_451, %dma_wait3A_452] : memref<16x2x240x256xf32, #tpu.memory_space<vmem_shared>> -> memref<1x2x240x256xf32, #tpu.memory_space<vmem_shared>>
    %dma_wait3A_454 = tpu.memref_squeeze %dma_wait3A_453 : memref<1x2x240x256xf32, #tpu.memory_space<vmem_shared>> -> memref<2x240x256xf32, #tpu.memory_space<vmem_shared>>
    %dma_wait3A_455 = arith.constant 0 : i32
    %dma_wait3A_456 = arith.constant 0 : i32
    %dma_wait3A_457 = tpu.memref_slice %dma_wait3A_454[%dma_wait3A_446, %dma_wait3A_455, %dma_wait3A_456] : memref<2x240x256xf32, #tpu.memory_space<vmem_shared>> -> memref<1x240x256xf32, #tpu.memory_space<vmem_shared>>
    %dma_wait3A_458 = tpu.memref_squeeze %dma_wait3A_457 : memref<1x240x256xf32, #tpu.memory_space<vmem_shared>> -> memref<240x256xf32, #tpu.memory_space<vmem_shared>>
    %dma_wait3A_459 = arith.constant 0 : i32
    %dma_wait3A_460 = tpu.memref_slice %arg2[%add3A_445, %dma_wait3A_459] : memref<100000x256xf32, #tpu.memory_space<hbm>> -> memref<240x256xf32, #tpu.memory_space<hbm>>
    tpu.wait_dma2 semaphore(%dma_wait3A_449 : memref<!tpu.dma_semaphore, #tpu.memory_space<semaphore_mem>>) src(%dma_wait3A_460 : memref<240x256xf32, #tpu.memory_space<hbm>>) dst(%dma_wait3A_458 : memref<240x256xf32, #tpu.memory_space<vmem_shared>>)
    %add3A_461 = arith.constant 720 : i32
    %add3A_462 = arith.addi %multiple_of3A, %add3A_461 : i32
    %dma_start3A_463 = arith.constant 0 : i32
    %dma_start3A_464 = arith.constant 0 : i32
    %dma_start3A_465 = tpu.memref_slice %arg7[%dma_start3A_464] : memref<2x!tpu.dma_semaphore, #tpu.memory_space<semaphore_mem>> -> memref<1x!tpu.dma_semaphore, #tpu.memory_space<semaphore_mem>>
    %dma_start3A_466 = tpu.memref_squeeze %dma_start3A_465 : memref<1x!tpu.dma_semaphore, #tpu.memory_space<semaphore_mem>> -> memref<!tpu.dma_semaphore, #tpu.memory_space<semaphore_mem>>
    %dma_start3A_467 = arith.constant 0 : i32
    %dma_start3A_468 = tpu.memref_slice %arg4[%add3A_462, %dma_start3A_467] : memref<100000x512xf32, #tpu.memory_space<hbm>> -> memref<240x256xf32, #tpu.memory_space<hbm>>
    %dma_start3A_469 = arith.constant 0 : i32
    %dma_start3A_470 = arith.constant 0 : i32
    %dma_start3A_471 = arith.constant 0 : i32
    %dma_start3A_472 = tpu.memref_slice %arg5[%arg1, %dma_start3A_469, %dma_start3A_470, %dma_start3A_471] : memref<16x2x240x256xf32, #tpu.memory_space<vmem_shared>> -> memref<1x2x240x256xf32, #tpu.memory_space<vmem_shared>>
    %dma_start3A_473 = tpu.memref_squeeze %dma_start3A_472 : memref<1x2x240x256xf32, #tpu.memory_space<vmem_shared>> -> memref<2x240x256xf32, #tpu.memory_space<vmem_shared>>
    %dma_start3A_474 = arith.constant 0 : i32
    %dma_start3A_475 = arith.constant 0 : i32
    %dma_start3A_476 = tpu.memref_slice %dma_start3A_473[%dma_start3A_463, %dma_start3A_474, %dma_start3A_475] : memref<2x240x256xf32, #tpu.memory_space<vmem_shared>> -> memref<1x240x256xf32, #tpu.memory_space<vmem_shared>>
    %dma_start3A_477 = tpu.memref_squeeze %dma_start3A_476 : memref<1x240x256xf32, #tpu.memory_space<vmem_shared>> -> memref<240x256xf32, #tpu.memory_space<vmem_shared>>
    tpu.enqueue_dma source(%dma_start3A_477 : memref<240x256xf32, #tpu.memory_space<vmem_shared>>) target(%dma_start3A_468 : memref<240x256xf32, #tpu.memory_space<hbm>>) target_semaphore(%dma_start3A_466 : memref<!tpu.dma_semaphore, #tpu.memory_space<semaphore_mem>>)
    %add3A_478 = arith.constant 720 : i32
    %add3A_479 = arith.addi %multiple_of3A, %add3A_478 : i32
    %dma_wait3A_480 = arith.constant 0 : i32
    %dma_wait3A_481 = arith.constant 0 : i32
    %dma_wait3A_482 = tpu.memref_slice %arg7[%dma_wait3A_481] : memref<2x!tpu.dma_semaphore, #tpu.memory_space<semaphore_mem>> -> memref<1x!tpu.dma_semaphore, #tpu.memory_space<semaphore_mem>>
    %dma_wait3A_483 = tpu.memref_squeeze %dma_wait3A_482 : memref<1x!tpu.dma_semaphore, #tpu.memory_space<semaphore_mem>> -> memref<!tpu.dma_semaphore, #tpu.memory_space<semaphore_mem>>
    %dma_wait3A_484 = arith.constant 0 : i32
    %dma_wait3A_485 = tpu.memref_slice %arg4[%add3A_479, %dma_wait3A_484] : memref<100000x512xf32, #tpu.memory_space<hbm>> -> memref<240x256xf32, #tpu.memory_space<hbm>>
    %dma_wait3A_486 = arith.constant 0 : i32
    %dma_wait3A_487 = arith.constant 0 : i32
    %dma_wait3A_488 = arith.constant 0 : i32
    %dma_wait3A_489 = tpu.memref_slice %arg5[%arg1, %dma_wait3A_486, %dma_wait3A_487, %dma_wait3A_488] : memref<16x2x240x256xf32, #tpu.memory_space<vmem_shared>> -> memref<1x2x240x256xf32, #tpu.memory_space<vmem_shared>>
    %dma_wait3A_490 = tpu.memref_squeeze %dma_wait3A_489 : memref<1x2x240x256xf32, #tpu.memory_space<vmem_shared>> -> memref<2x240x256xf32, #tpu.memory_space<vmem_shared>>
    %dma_wait3A_491 = arith.constant 0 : i32
    %dma_wait3A_492 = arith.constant 0 : i32
    %dma_wait3A_493 = tpu.memref_slice %dma_wait3A_490[%dma_wait3A_480, %dma_wait3A_491, %dma_wait3A_492] : memref<2x240x256xf32, #tpu.memory_space<vmem_shared>> -> memref<1x240x256xf32, #tpu.memory_space<vmem_shared>>
    %dma_wait3A_494 = tpu.memref_squeeze %dma_wait3A_493 : memref<1x240x256xf32, #tpu.memory_space<vmem_shared>> -> memref<240x256xf32, #tpu.memory_space<vmem_shared>>
    tpu.wait_dma2 semaphore(%dma_wait3A_483 : memref<!tpu.dma_semaphore, #tpu.memory_space<semaphore_mem>>) src(%dma_wait3A_494 : memref<240x256xf32, #tpu.memory_space<vmem_shared>>) dst(%dma_wait3A_485 : memref<240x256xf32, #tpu.memory_space<hbm>>)
    %add3A_495 = arith.constant 960 : i32
    %add3A_496 = arith.addi %multiple_of3A, %add3A_495 : i32
    %dma_start3A_497 = arith.constant 0 : i32
    %dma_start3A_498 = arith.constant 0 : i32
    %dma_start3A_499 = tpu.memref_slice %arg6[%dma_start3A_498] : memref<2x!tpu.dma_semaphore, #tpu.memory_space<semaphore_mem>> -> memref<1x!tpu.dma_semaphore, #tpu.memory_space<semaphore_mem>>
    %dma_start3A_500 = tpu.memref_squeeze %dma_start3A_499 : memref<1x!tpu.dma_semaphore, #tpu.memory_space<semaphore_mem>> -> memref<!tpu.dma_semaphore, #tpu.memory_space<semaphore_mem>>
    %dma_start3A_501 = arith.constant 0 : i32
    %dma_start3A_502 = arith.constant 0 : i32
    %dma_start3A_503 = arith.constant 0 : i32
    %dma_start3A_504 = tpu.memref_slice %arg5[%arg1, %dma_start3A_501, %dma_start3A_502, %dma_start3A_503] : memref<16x2x240x256xf32, #tpu.memory_space<vmem_shared>> -> memref<1x2x240x256xf32, #tpu.memory_space<vmem_shared>>
    %dma_start3A_505 = tpu.memref_squeeze %dma_start3A_504 : memref<1x2x240x256xf32, #tpu.memory_space<vmem_shared>> -> memref<2x240x256xf32, #tpu.memory_space<vmem_shared>>
    %dma_start3A_506 = arith.constant 0 : i32
    %dma_start3A_507 = arith.constant 0 : i32
    %dma_start3A_508 = tpu.memref_slice %dma_start3A_505[%dma_start3A_497, %dma_start3A_506, %dma_start3A_507] : memref<2x240x256xf32, #tpu.memory_space<vmem_shared>> -> memref<1x240x256xf32, #tpu.memory_space<vmem_shared>>
    %dma_start3A_509 = tpu.memref_squeeze %dma_start3A_508 : memref<1x240x256xf32, #tpu.memory_space<vmem_shared>> -> memref<240x256xf32, #tpu.memory_space<vmem_shared>>
    %dma_start3A_510 = arith.constant 0 : i32
    %dma_start3A_511 = tpu.memref_slice %arg2[%add3A_496, %dma_start3A_510] : memref<100000x256xf32, #tpu.memory_space<hbm>> -> memref<240x256xf32, #tpu.memory_space<hbm>>
    tpu.enqueue_dma source(%dma_start3A_511 : memref<240x256xf32, #tpu.memory_space<hbm>>) target(%dma_start3A_509 : memref<240x256xf32, #tpu.memory_space<vmem_shared>>) target_semaphore(%dma_start3A_500 : memref<!tpu.dma_semaphore, #tpu.memory_space<semaphore_mem>>)
    %add3A_512 = arith.constant 720 : i32
    %add3A_513 = arith.addi %multiple_of3A, %add3A_512 : i32
    %dma_wait3A_514 = arith.constant 1 : i32
    %dma_wait3A_515 = arith.constant 1 : i32
    %dma_wait3A_516 = tpu.memref_slice %arg6[%dma_wait3A_515] : memref<2x!tpu.dma_semaphore, #tpu.memory_space<semaphore_mem>> -> memref<1x!tpu.dma_semaphore, #tpu.memory_space<semaphore_mem>>
    %dma_wait3A_517 = tpu.memref_squeeze %dma_wait3A_516 : memref<1x!tpu.dma_semaphore, #tpu.memory_space<semaphore_mem>> -> memref<!tpu.dma_semaphore, #tpu.memory_space<semaphore_mem>>
    %dma_wait3A_518 = arith.constant 0 : i32
    %dma_wait3A_519 = arith.constant 0 : i32
    %dma_wait3A_520 = arith.constant 0 : i32
    %dma_wait3A_521 = tpu.memref_slice %arg5[%arg1, %dma_wait3A_518, %dma_wait3A_519, %dma_wait3A_520] : memref<16x2x240x256xf32, #tpu.memory_space<vmem_shared>> -> memref<1x2x240x256xf32, #tpu.memory_space<vmem_shared>>
    %dma_wait3A_522 = tpu.memref_squeeze %dma_wait3A_521 : memref<1x2x240x256xf32, #tpu.memory_space<vmem_shared>> -> memref<2x240x256xf32, #tpu.memory_space<vmem_shared>>
    %dma_wait3A_523 = arith.constant 0 : i32
    %dma_wait3A_524 = arith.constant 0 : i32
    %dma_wait3A_525 = tpu.memref_slice %dma_wait3A_522[%dma_wait3A_514, %dma_wait3A_523, %dma_wait3A_524] : memref<2x240x256xf32, #tpu.memory_space<vmem_shared>> -> memref<1x240x256xf32, #tpu.memory_space<vmem_shared>>
    %dma_wait3A_526 = tpu.memref_squeeze %dma_wait3A_525 : memref<1x240x256xf32, #tpu.memory_space<vmem_shared>> -> memref<240x256xf32, #tpu.memory_space<vmem_shared>>
    %dma_wait3A_527 = arith.constant 0 : i32
    %dma_wait3A_528 = tpu.memref_slice %arg3[%add3A_513, %dma_wait3A_527] : memref<100000x256xf32, #tpu.memory_space<hbm>> -> memref<240x256xf32, #tpu.memory_space<hbm>>
    tpu.wait_dma2 semaphore(%dma_wait3A_517 : memref<!tpu.dma_semaphore, #tpu.memory_space<semaphore_mem>>) src(%dma_wait3A_528 : memref<240x256xf32, #tpu.memory_space<hbm>>) dst(%dma_wait3A_526 : memref<240x256xf32, #tpu.memory_space<vmem_shared>>)
    %add3A_529 = arith.constant 720 : i32
    %add3A_530 = arith.addi %multiple_of3A, %add3A_529 : i32
    %dma_start3A_531 = arith.constant 1 : i32
    %dma_start3A_532 = arith.constant 1 : i32
    %dma_start3A_533 = tpu.memref_slice %arg7[%dma_start3A_532] : memref<2x!tpu.dma_semaphore, #tpu.memory_space<semaphore_mem>> -> memref<1x!tpu.dma_semaphore, #tpu.memory_space<semaphore_mem>>
    %dma_start3A_534 = tpu.memref_squeeze %dma_start3A_533 : memref<1x!tpu.dma_semaphore, #tpu.memory_space<semaphore_mem>> -> memref<!tpu.dma_semaphore, #tpu.memory_space<semaphore_mem>>
    %dma_start3A_535 = arith.constant 256 : i32
    %dma_start3A_536 = tpu.memref_slice %arg4[%add3A_530, %dma_start3A_535] : memref<100000x512xf32, #tpu.memory_space<hbm>> -> memref<240x256xf32, #tpu.memory_space<hbm>>
    %dma_start3A_537 = arith.constant 0 : i32
    %dma_start3A_538 = arith.constant 0 : i32
    %dma_start3A_539 = arith.constant 0 : i32
    %dma_start3A_540 = tpu.memref_slice %arg5[%arg1, %dma_start3A_537, %dma_start3A_538, %dma_start3A_539] : memref<16x2x240x256xf32, #tpu.memory_space<vmem_shared>> -> memref<1x2x240x256xf32, #tpu.memory_space<vmem_shared>>
    %dma_start3A_541 = tpu.memref_squeeze %dma_start3A_540 : memref<1x2x240x256xf32, #tpu.memory_space<vmem_shared>> -> memref<2x240x256xf32, #tpu.memory_space<vmem_shared>>
    %dma_start3A_542 = arith.constant 0 : i32
    %dma_start3A_543 = arith.constant 0 : i32
    %dma_start3A_544 = tpu.memref_slice %dma_start3A_541[%dma_start3A_531, %dma_start3A_542, %dma_start3A_543] : memref<2x240x256xf32, #tpu.memory_space<vmem_shared>> -> memref<1x240x256xf32, #tpu.memory_space<vmem_shared>>
    %dma_start3A_545 = tpu.memref_squeeze %dma_start3A_544 : memref<1x240x256xf32, #tpu.memory_space<vmem_shared>> -> memref<240x256xf32, #tpu.memory_space<vmem_shared>>
    tpu.enqueue_dma source(%dma_start3A_545 : memref<240x256xf32, #tpu.memory_space<vmem_shared>>) target(%dma_start3A_536 : memref<240x256xf32, #tpu.memory_space<hbm>>) target_semaphore(%dma_start3A_534 : memref<!tpu.dma_semaphore, #tpu.memory_space<semaphore_mem>>)
    %add3A_546 = arith.constant 720 : i32
    %add3A_547 = arith.addi %multiple_of3A, %add3A_546 : i32
    %dma_wait3A_548 = arith.constant 1 : i32
    %dma_wait3A_549 = arith.constant 1 : i32
    %dma_wait3A_550 = tpu.memref_slice %arg7[%dma_wait3A_549] : memref<2x!tpu.dma_semaphore, #tpu.memory_space<semaphore_mem>> -> memref<1x!tpu.dma_semaphore, #tpu.memory_space<semaphore_mem>>
    %dma_wait3A_551 = tpu.memref_squeeze %dma_wait3A_550 : memref<1x!tpu.dma_semaphore, #tpu.memory_space<semaphore_mem>> -> memref<!tpu.dma_semaphore, #tpu.memory_space<semaphore_mem>>
    %dma_wait3A_552 = arith.constant 256 : i32
    %dma_wait3A_553 = tpu.memref_slice %arg4[%add3A_547, %dma_wait3A_552] : memref<100000x512xf32, #tpu.memory_space<hbm>> -> memref<240x256xf32, #tpu.memory_space<hbm>>
    %dma_wait3A_554 = arith.constant 0 : i32
    %dma_wait3A_555 = arith.constant 0 : i32
    %dma_wait3A_556 = arith.constant 0 : i32
    %dma_wait3A_557 = tpu.memref_slice %arg5[%arg1, %dma_wait3A_554, %dma_wait3A_555, %dma_wait3A_556] : memref<16x2x240x256xf32, #tpu.memory_space<vmem_shared>> -> memref<1x2x240x256xf32, #tpu.memory_space<vmem_shared>>
    %dma_wait3A_558 = tpu.memref_squeeze %dma_wait3A_557 : memref<1x2x240x256xf32, #tpu.memory_space<vmem_shared>> -> memref<2x240x256xf32, #tpu.memory_space<vmem_shared>>
    %dma_wait3A_559 = arith.constant 0 : i32
    %dma_wait3A_560 = arith.constant 0 : i32
    %dma_wait3A_561 = tpu.memref_slice %dma_wait3A_558[%dma_wait3A_548, %dma_wait3A_559, %dma_wait3A_560] : memref<2x240x256xf32, #tpu.memory_space<vmem_shared>> -> memref<1x240x256xf32, #tpu.memory_space<vmem_shared>>
    %dma_wait3A_562 = tpu.memref_squeeze %dma_wait3A_561 : memref<1x240x256xf32, #tpu.memory_space<vmem_shared>> -> memref<240x256xf32, #tpu.memory_space<vmem_shared>>
    tpu.wait_dma2 semaphore(%dma_wait3A_551 : memref<!tpu.dma_semaphore, #tpu.memory_space<semaphore_mem>>) src(%dma_wait3A_562 : memref<240x256xf32, #tpu.memory_space<vmem_shared>>) dst(%dma_wait3A_553 : memref<240x256xf32, #tpu.memory_space<hbm>>)
    %add3A_563 = arith.constant 960 : i32
    %add3A_564 = arith.addi %multiple_of3A, %add3A_563 : i32
    %dma_start3A_565 = arith.constant 1 : i32
    %dma_start3A_566 = arith.constant 1 : i32
    %dma_start3A_567 = tpu.memref_slice %arg6[%dma_start3A_566] : memref<2x!tpu.dma_semaphore, #tpu.memory_space<semaphore_mem>> -> memref<1x!tpu.dma_semaphore, #tpu.memory_space<semaphore_mem>>
    %dma_start3A_568 = tpu.memref_squeeze %dma_start3A_567 : memref<1x!tpu.dma_semaphore, #tpu.memory_space<semaphore_mem>> -> memref<!tpu.dma_semaphore, #tpu.memory_space<semaphore_mem>>
    %dma_start3A_569 = arith.constant 0 : i32
    %dma_start3A_570 = arith.constant 0 : i32
    %dma_start3A_571 = arith.constant 0 : i32
    %dma_start3A_572 = tpu.memref_slice %arg5[%arg1, %dma_start3A_569, %dma_start3A_570, %dma_start3A_571] : memref<16x2x240x256xf32, #tpu.memory_space<vmem_shared>> -> memref<1x2x240x256xf32, #tpu.memory_space<vmem_shared>>
    %dma_start3A_573 = tpu.memref_squeeze %dma_start3A_572 : memref<1x2x240x256xf32, #tpu.memory_space<vmem_shared>> -> memref<2x240x256xf32, #tpu.memory_space<vmem_shared>>
    %dma_start3A_574 = arith.constant 0 : i32
    %dma_start3A_575 = arith.constant 0 : i32
    %dma_start3A_576 = tpu.memref_slice %dma_start3A_573[%dma_start3A_565, %dma_start3A_574, %dma_start3A_575] : memref<2x240x256xf32, #tpu.memory_space<vmem_shared>> -> memref<1x240x256xf32, #tpu.memory_space<vmem_shared>>
    %dma_start3A_577 = tpu.memref_squeeze %dma_start3A_576 : memref<1x240x256xf32, #tpu.memory_space<vmem_shared>> -> memref<240x256xf32, #tpu.memory_space<vmem_shared>>
    %dma_start3A_578 = arith.constant 0 : i32
    %dma_start3A_579 = tpu.memref_slice %arg3[%add3A_564, %dma_start3A_578] : memref<100000x256xf32, #tpu.memory_space<hbm>> -> memref<240x256xf32, #tpu.memory_space<hbm>>
    tpu.enqueue_dma source(%dma_start3A_579 : memref<240x256xf32, #tpu.memory_space<hbm>>) target(%dma_start3A_577 : memref<240x256xf32, #tpu.memory_space<vmem_shared>>) target_semaphore(%dma_start3A_568 : memref<!tpu.dma_semaphore, #tpu.memory_space<semaphore_mem>>)
    %add3A_580 = arith.constant 960 : i32
    %add3A_581 = arith.addi %multiple_of3A, %add3A_580 : i32
    %dma_wait3A_582 = arith.constant 0 : i32
    %dma_wait3A_583 = arith.constant 0 : i32
    %dma_wait3A_584 = tpu.memref_slice %arg6[%dma_wait3A_583] : memref<2x!tpu.dma_semaphore, #tpu.memory_space<semaphore_mem>> -> memref<1x!tpu.dma_semaphore, #tpu.memory_space<semaphore_mem>>
    %dma_wait3A_585 = tpu.memref_squeeze %dma_wait3A_584 : memref<1x!tpu.dma_semaphore, #tpu.memory_space<semaphore_mem>> -> memref<!tpu.dma_semaphore, #tpu.memory_space<semaphore_mem>>
    %dma_wait3A_586 = arith.constant 0 : i32
    %dma_wait3A_587 = arith.constant 0 : i32
    %dma_wait3A_588 = arith.constant 0 : i32
    %dma_wait3A_589 = tpu.memref_slice %arg5[%arg1, %dma_wait3A_586, %dma_wait3A_587, %dma_wait3A_588] : memref<16x2x240x256xf32, #tpu.memory_space<vmem_shared>> -> memref<1x2x240x256xf32, #tpu.memory_space<vmem_shared>>
    %dma_wait3A_590 = tpu.memref_squeeze %dma_wait3A_589 : memref<1x2x240x256xf32, #tpu.memory_space<vmem_shared>> -> memref<2x240x256xf32, #tpu.memory_space<vmem_shared>>
    %dma_wait3A_591 = arith.constant 0 : i32
    %dma_wait3A_592 = arith.constant 0 : i32
    %dma_wait3A_593 = tpu.memref_slice %dma_wait3A_590[%dma_wait3A_582, %dma_wait3A_591, %dma_wait3A_592] : memref<2x240x256xf32, #tpu.memory_space<vmem_shared>> -> memref<1x240x256xf32, #tpu.memory_space<vmem_shared>>
    %dma_wait3A_594 = tpu.memref_squeeze %dma_wait3A_593 : memref<1x240x256xf32, #tpu.memory_space<vmem_shared>> -> memref<240x256xf32, #tpu.memory_space<vmem_shared>>
    %dma_wait3A_595 = arith.constant 0 : i32
    %dma_wait3A_596 = tpu.memref_slice %arg2[%add3A_581, %dma_wait3A_595] : memref<100000x256xf32, #tpu.memory_space<hbm>> -> memref<240x256xf32, #tpu.memory_space<hbm>>
    tpu.wait_dma2 semaphore(%dma_wait3A_585 : memref<!tpu.dma_semaphore, #tpu.memory_space<semaphore_mem>>) src(%dma_wait3A_596 : memref<240x256xf32, #tpu.memory_space<hbm>>) dst(%dma_wait3A_594 : memref<240x256xf32, #tpu.memory_space<vmem_shared>>)
    %add3A_597 = arith.constant 960 : i32
    %add3A_598 = arith.addi %multiple_of3A, %add3A_597 : i32
    %dma_start3A_599 = arith.constant 0 : i32
    %dma_start3A_600 = arith.constant 0 : i32
    %dma_start3A_601 = tpu.memref_slice %arg7[%dma_start3A_600] : memref<2x!tpu.dma_semaphore, #tpu.memory_space<semaphore_mem>> -> memref<1x!tpu.dma_semaphore, #tpu.memory_space<semaphore_mem>>
    %dma_start3A_602 = tpu.memref_squeeze %dma_start3A_601 : memref<1x!tpu.dma_semaphore, #tpu.memory_space<semaphore_mem>> -> memref<!tpu.dma_semaphore, #tpu.memory_space<semaphore_mem>>
    %dma_start3A_603 = arith.constant 0 : i32
    %dma_start3A_604 = tpu.memref_slice %arg4[%add3A_598, %dma_start3A_603] : memref<100000x512xf32, #tpu.memory_space<hbm>> -> memref<240x256xf32, #tpu.memory_space<hbm>>
    %dma_start3A_605 = arith.constant 0 : i32
    %dma_start3A_606 = arith.constant 0 : i32
    %dma_start3A_607 = arith.constant 0 : i32
    %dma_start3A_608 = tpu.memref_slice %arg5[%arg1, %dma_start3A_605, %dma_start3A_606, %dma_start3A_607] : memref<16x2x240x256xf32, #tpu.memory_space<vmem_shared>> -> memref<1x2x240x256xf32, #tpu.memory_space<vmem_shared>>
    %dma_start3A_609 = tpu.memref_squeeze %dma_start3A_608 : memref<1x2x240x256xf32, #tpu.memory_space<vmem_shared>> -> memref<2x240x256xf32, #tpu.memory_space<vmem_shared>>
    %dma_start3A_610 = arith.constant 0 : i32
    %dma_start3A_611 = arith.constant 0 : i32
    %dma_start3A_612 = tpu.memref_slice %dma_start3A_609[%dma_start3A_599, %dma_start3A_610, %dma_start3A_611] : memref<2x240x256xf32, #tpu.memory_space<vmem_shared>> -> memref<1x240x256xf32, #tpu.memory_space<vmem_shared>>
    %dma_start3A_613 = tpu.memref_squeeze %dma_start3A_612 : memref<1x240x256xf32, #tpu.memory_space<vmem_shared>> -> memref<240x256xf32, #tpu.memory_space<vmem_shared>>
    tpu.enqueue_dma source(%dma_start3A_613 : memref<240x256xf32, #tpu.memory_space<vmem_shared>>) target(%dma_start3A_604 : memref<240x256xf32, #tpu.memory_space<hbm>>) target_semaphore(%dma_start3A_602 : memref<!tpu.dma_semaphore, #tpu.memory_space<semaphore_mem>>)
    %add3A_614 = arith.constant 960 : i32
    %add3A_615 = arith.addi %multiple_of3A, %add3A_614 : i32
    %dma_wait3A_616 = arith.constant 0 : i32
    %dma_wait3A_617 = arith.constant 0 : i32
    %dma_wait3A_618 = tpu.memref_slice %arg7[%dma_wait3A_617] : memref<2x!tpu.dma_semaphore, #tpu.memory_space<semaphore_mem>> -> memref<1x!tpu.dma_semaphore, #tpu.memory_space<semaphore_mem>>
    %dma_wait3A_619 = tpu.memref_squeeze %dma_wait3A_618 : memref<1x!tpu.dma_semaphore, #tpu.memory_space<semaphore_mem>> -> memref<!tpu.dma_semaphore, #tpu.memory_space<semaphore_mem>>
    %dma_wait3A_620 = arith.constant 0 : i32
    %dma_wait3A_621 = tpu.memref_slice %arg4[%add3A_615, %dma_wait3A_620] : memref<100000x512xf32, #tpu.memory_space<hbm>> -> memref<240x256xf32, #tpu.memory_space<hbm>>
    %dma_wait3A_622 = arith.constant 0 : i32
    %dma_wait3A_623 = arith.constant 0 : i32
    %dma_wait3A_624 = arith.constant 0 : i32
    %dma_wait3A_625 = tpu.memref_slice %arg5[%arg1, %dma_wait3A_622, %dma_wait3A_623, %dma_wait3A_624] : memref<16x2x240x256xf32, #tpu.memory_space<vmem_shared>> -> memref<1x2x240x256xf32, #tpu.memory_space<vmem_shared>>
    %dma_wait3A_626 = tpu.memref_squeeze %dma_wait3A_625 : memref<1x2x240x256xf32, #tpu.memory_space<vmem_shared>> -> memref<2x240x256xf32, #tpu.memory_space<vmem_shared>>
    %dma_wait3A_627 = arith.constant 0 : i32
    %dma_wait3A_628 = arith.constant 0 : i32
    %dma_wait3A_629 = tpu.memref_slice %dma_wait3A_626[%dma_wait3A_616, %dma_wait3A_627, %dma_wait3A_628] : memref<2x240x256xf32, #tpu.memory_space<vmem_shared>> -> memref<1x240x256xf32, #tpu.memory_space<vmem_shared>>
    %dma_wait3A_630 = tpu.memref_squeeze %dma_wait3A_629 : memref<1x240x256xf32, #tpu.memory_space<vmem_shared>> -> memref<240x256xf32, #tpu.memory_space<vmem_shared>>
    tpu.wait_dma2 semaphore(%dma_wait3A_619 : memref<!tpu.dma_semaphore, #tpu.memory_space<semaphore_mem>>) src(%dma_wait3A_630 : memref<240x256xf32, #tpu.memory_space<vmem_shared>>) dst(%dma_wait3A_621 : memref<240x256xf32, #tpu.memory_space<hbm>>)
    %add3A_631 = arith.constant 1200 : i32
    %add3A_632 = arith.addi %multiple_of3A, %add3A_631 : i32
    %dma_start3A_633 = arith.constant 0 : i32
    %dma_start3A_634 = arith.constant 0 : i32
    %dma_start3A_635 = tpu.memref_slice %arg6[%dma_start3A_634] : memref<2x!tpu.dma_semaphore, #tpu.memory_space<semaphore_mem>> -> memref<1x!tpu.dma_semaphore, #tpu.memory_space<semaphore_mem>>
    %dma_start3A_636 = tpu.memref_squeeze %dma_start3A_635 : memref<1x!tpu.dma_semaphore, #tpu.memory_space<semaphore_mem>> -> memref<!tpu.dma_semaphore, #tpu.memory_space<semaphore_mem>>
    %dma_start3A_637 = arith.constant 0 : i32
    %dma_start3A_638 = arith.constant 0 : i32
    %dma_start3A_639 = arith.constant 0 : i32
    %dma_start3A_640 = tpu.memref_slice %arg5[%arg1, %dma_start3A_637, %dma_start3A_638, %dma_start3A_639] : memref<16x2x240x256xf32, #tpu.memory_space<vmem_shared>> -> memref<1x2x240x256xf32, #tpu.memory_space<vmem_shared>>
    %dma_start3A_641 = tpu.memref_squeeze %dma_start3A_640 : memref<1x2x240x256xf32, #tpu.memory_space<vmem_shared>> -> memref<2x240x256xf32, #tpu.memory_space<vmem_shared>>
    %dma_start3A_642 = arith.constant 0 : i32
    %dma_start3A_643 = arith.constant 0 : i32
    %dma_start3A_644 = tpu.memref_slice %dma_start3A_641[%dma_start3A_633, %dma_start3A_642, %dma_start3A_643] : memref<2x240x256xf32, #tpu.memory_space<vmem_shared>> -> memref<1x240x256xf32, #tpu.memory_space<vmem_shared>>
    %dma_start3A_645 = tpu.memref_squeeze %dma_start3A_644 : memref<1x240x256xf32, #tpu.memory_space<vmem_shared>> -> memref<240x256xf32, #tpu.memory_space<vmem_shared>>
    %dma_start3A_646 = arith.constant 0 : i32
    %dma_start3A_647 = tpu.memref_slice %arg2[%add3A_632, %dma_start3A_646] : memref<100000x256xf32, #tpu.memory_space<hbm>> -> memref<240x256xf32, #tpu.memory_space<hbm>>
    tpu.enqueue_dma source(%dma_start3A_647 : memref<240x256xf32, #tpu.memory_space<hbm>>) target(%dma_start3A_645 : memref<240x256xf32, #tpu.memory_space<vmem_shared>>) target_semaphore(%dma_start3A_636 : memref<!tpu.dma_semaphore, #tpu.memory_space<semaphore_mem>>)
    %add3A_648 = arith.constant 960 : i32
    %add3A_649 = arith.addi %multiple_of3A, %add3A_648 : i32
    %dma_wait3A_650 = arith.constant 1 : i32
    %dma_wait3A_651 = arith.constant 1 : i32
    %dma_wait3A_652 = tpu.memref_slice %arg6[%dma_wait3A_651] : memref<2x!tpu.dma_semaphore, #tpu.memory_space<semaphore_mem>> -> memref<1x!tpu.dma_semaphore, #tpu.memory_space<semaphore_mem>>
    %dma_wait3A_653 = tpu.memref_squeeze %dma_wait3A_652 : memref<1x!tpu.dma_semaphore, #tpu.memory_space<semaphore_mem>> -> memref<!tpu.dma_semaphore, #tpu.memory_space<semaphore_mem>>
    %dma_wait3A_654 = arith.constant 0 : i32
    %dma_wait3A_655 = arith.constant 0 : i32
    %dma_wait3A_656 = arith.constant 0 : i32
    %dma_wait3A_657 = tpu.memref_slice %arg5[%arg1, %dma_wait3A_654, %dma_wait3A_655, %dma_wait3A_656] : memref<16x2x240x256xf32, #tpu.memory_space<vmem_shared>> -> memref<1x2x240x256xf32, #tpu.memory_space<vmem_shared>>
    %dma_wait3A_658 = tpu.memref_squeeze %dma_wait3A_657 : memref<1x2x240x256xf32, #tpu.memory_space<vmem_shared>> -> memref<2x240x256xf32, #tpu.memory_space<vmem_shared>>
    %dma_wait3A_659 = arith.constant 0 : i32
    %dma_wait3A_660 = arith.constant 0 : i32
    %dma_wait3A_661 = tpu.memref_slice %dma_wait3A_658[%dma_wait3A_650, %dma_wait3A_659, %dma_wait3A_660] : memref<2x240x256xf32, #tpu.memory_space<vmem_shared>> -> memref<1x240x256xf32, #tpu.memory_space<vmem_shared>>
    %dma_wait3A_662 = tpu.memref_squeeze %dma_wait3A_661 : memref<1x240x256xf32, #tpu.memory_space<vmem_shared>> -> memref<240x256xf32, #tpu.memory_space<vmem_shared>>
    %dma_wait3A_663 = arith.constant 0 : i32
    %dma_wait3A_664 = tpu.memref_slice %arg3[%add3A_649, %dma_wait3A_663] : memref<100000x256xf32, #tpu.memory_space<hbm>> -> memref<240x256xf32, #tpu.memory_space<hbm>>
    tpu.wait_dma2 semaphore(%dma_wait3A_653 : memref<!tpu.dma_semaphore, #tpu.memory_space<semaphore_mem>>) src(%dma_wait3A_664 : memref<240x256xf32, #tpu.memory_space<hbm>>) dst(%dma_wait3A_662 : memref<240x256xf32, #tpu.memory_space<vmem_shared>>)
    %add3A_665 = arith.constant 960 : i32
    %add3A_666 = arith.addi %multiple_of3A, %add3A_665 : i32
    %dma_start3A_667 = arith.constant 1 : i32
    %dma_start3A_668 = arith.constant 1 : i32
    %dma_start3A_669 = tpu.memref_slice %arg7[%dma_start3A_668] : memref<2x!tpu.dma_semaphore, #tpu.memory_space<semaphore_mem>> -> memref<1x!tpu.dma_semaphore, #tpu.memory_space<semaphore_mem>>
    %dma_start3A_670 = tpu.memref_squeeze %dma_start3A_669 : memref<1x!tpu.dma_semaphore, #tpu.memory_space<semaphore_mem>> -> memref<!tpu.dma_semaphore, #tpu.memory_space<semaphore_mem>>
    %dma_start3A_671 = arith.constant 256 : i32
    %dma_start3A_672 = tpu.memref_slice %arg4[%add3A_666, %dma_start3A_671] : memref<100000x512xf32, #tpu.memory_space<hbm>> -> memref<240x256xf32, #tpu.memory_space<hbm>>
    %dma_start3A_673 = arith.constant 0 : i32
    %dma_start3A_674 = arith.constant 0 : i32
    %dma_start3A_675 = arith.constant 0 : i32
    %dma_start3A_676 = tpu.memref_slice %arg5[%arg1, %dma_start3A_673, %dma_start3A_674, %dma_start3A_675] : memref<16x2x240x256xf32, #tpu.memory_space<vmem_shared>> -> memref<1x2x240x256xf32, #tpu.memory_space<vmem_shared>>
    %dma_start3A_677 = tpu.memref_squeeze %dma_start3A_676 : memref<1x2x240x256xf32, #tpu.memory_space<vmem_shared>> -> memref<2x240x256xf32, #tpu.memory_space<vmem_shared>>
    %dma_start3A_678 = arith.constant 0 : i32
    %dma_start3A_679 = arith.constant 0 : i32
    %dma_start3A_680 = tpu.memref_slice %dma_start3A_677[%dma_start3A_667, %dma_start3A_678, %dma_start3A_679] : memref<2x240x256xf32, #tpu.memory_space<vmem_shared>> -> memref<1x240x256xf32, #tpu.memory_space<vmem_shared>>
    %dma_start3A_681 = tpu.memref_squeeze %dma_start3A_680 : memref<1x240x256xf32, #tpu.memory_space<vmem_shared>> -> memref<240x256xf32, #tpu.memory_space<vmem_shared>>
    tpu.enqueue_dma source(%dma_start3A_681 : memref<240x256xf32, #tpu.memory_space<vmem_shared>>) target(%dma_start3A_672 : memref<240x256xf32, #tpu.memory_space<hbm>>) target_semaphore(%dma_start3A_670 : memref<!tpu.dma_semaphore, #tpu.memory_space<semaphore_mem>>)
    %add3A_682 = arith.constant 960 : i32
    %add3A_683 = arith.addi %multiple_of3A, %add3A_682 : i32
    %dma_wait3A_684 = arith.constant 1 : i32
    %dma_wait3A_685 = arith.constant 1 : i32
    %dma_wait3A_686 = tpu.memref_slice %arg7[%dma_wait3A_685] : memref<2x!tpu.dma_semaphore, #tpu.memory_space<semaphore_mem>> -> memref<1x!tpu.dma_semaphore, #tpu.memory_space<semaphore_mem>>
    %dma_wait3A_687 = tpu.memref_squeeze %dma_wait3A_686 : memref<1x!tpu.dma_semaphore, #tpu.memory_space<semaphore_mem>> -> memref<!tpu.dma_semaphore, #tpu.memory_space<semaphore_mem>>
    %dma_wait3A_688 = arith.constant 256 : i32
    %dma_wait3A_689 = tpu.memref_slice %arg4[%add3A_683, %dma_wait3A_688] : memref<100000x512xf32, #tpu.memory_space<hbm>> -> memref<240x256xf32, #tpu.memory_space<hbm>>
    %dma_wait3A_690 = arith.constant 0 : i32
    %dma_wait3A_691 = arith.constant 0 : i32
    %dma_wait3A_692 = arith.constant 0 : i32
    %dma_wait3A_693 = tpu.memref_slice %arg5[%arg1, %dma_wait3A_690, %dma_wait3A_691, %dma_wait3A_692] : memref<16x2x240x256xf32, #tpu.memory_space<vmem_shared>> -> memref<1x2x240x256xf32, #tpu.memory_space<vmem_shared>>
    %dma_wait3A_694 = tpu.memref_squeeze %dma_wait3A_693 : memref<1x2x240x256xf32, #tpu.memory_space<vmem_shared>> -> memref<2x240x256xf32, #tpu.memory_space<vmem_shared>>
    %dma_wait3A_695 = arith.constant 0 : i32
    %dma_wait3A_696 = arith.constant 0 : i32
    %dma_wait3A_697 = tpu.memref_slice %dma_wait3A_694[%dma_wait3A_684, %dma_wait3A_695, %dma_wait3A_696] : memref<2x240x256xf32, #tpu.memory_space<vmem_shared>> -> memref<1x240x256xf32, #tpu.memory_space<vmem_shared>>
    %dma_wait3A_698 = tpu.memref_squeeze %dma_wait3A_697 : memref<1x240x256xf32, #tpu.memory_space<vmem_shared>> -> memref<240x256xf32, #tpu.memory_space<vmem_shared>>
    tpu.wait_dma2 semaphore(%dma_wait3A_687 : memref<!tpu.dma_semaphore, #tpu.memory_space<semaphore_mem>>) src(%dma_wait3A_698 : memref<240x256xf32, #tpu.memory_space<vmem_shared>>) dst(%dma_wait3A_689 : memref<240x256xf32, #tpu.memory_space<hbm>>)
    %add3A_699 = arith.constant 1200 : i32
    %add3A_700 = arith.addi %multiple_of3A, %add3A_699 : i32
    %dma_start3A_701 = arith.constant 1 : i32
    %dma_start3A_702 = arith.constant 1 : i32
    %dma_start3A_703 = tpu.memref_slice %arg6[%dma_start3A_702] : memref<2x!tpu.dma_semaphore, #tpu.memory_space<semaphore_mem>> -> memref<1x!tpu.dma_semaphore, #tpu.memory_space<semaphore_mem>>
    %dma_start3A_704 = tpu.memref_squeeze %dma_start3A_703 : memref<1x!tpu.dma_semaphore, #tpu.memory_space<semaphore_mem>> -> memref<!tpu.dma_semaphore, #tpu.memory_space<semaphore_mem>>
    %dma_start3A_705 = arith.constant 0 : i32
    %dma_start3A_706 = arith.constant 0 : i32
    %dma_start3A_707 = arith.constant 0 : i32
    %dma_start3A_708 = tpu.memref_slice %arg5[%arg1, %dma_start3A_705, %dma_start3A_706, %dma_start3A_707] : memref<16x2x240x256xf32, #tpu.memory_space<vmem_shared>> -> memref<1x2x240x256xf32, #tpu.memory_space<vmem_shared>>
    %dma_start3A_709 = tpu.memref_squeeze %dma_start3A_708 : memref<1x2x240x256xf32, #tpu.memory_space<vmem_shared>> -> memref<2x240x256xf32, #tpu.memory_space<vmem_shared>>
    %dma_start3A_710 = arith.constant 0 : i32
    %dma_start3A_711 = arith.constant 0 : i32
    %dma_start3A_712 = tpu.memref_slice %dma_start3A_709[%dma_start3A_701, %dma_start3A_710, %dma_start3A_711] : memref<2x240x256xf32, #tpu.memory_space<vmem_shared>> -> memref<1x240x256xf32, #tpu.memory_space<vmem_shared>>
    %dma_start3A_713 = tpu.memref_squeeze %dma_start3A_712 : memref<1x240x256xf32, #tpu.memory_space<vmem_shared>> -> memref<240x256xf32, #tpu.memory_space<vmem_shared>>
    %dma_start3A_714 = arith.constant 0 : i32
    %dma_start3A_715 = tpu.memref_slice %arg3[%add3A_700, %dma_start3A_714] : memref<100000x256xf32, #tpu.memory_space<hbm>> -> memref<240x256xf32, #tpu.memory_space<hbm>>
    tpu.enqueue_dma source(%dma_start3A_715 : memref<240x256xf32, #tpu.memory_space<hbm>>) target(%dma_start3A_713 : memref<240x256xf32, #tpu.memory_space<vmem_shared>>) target_semaphore(%dma_start3A_704 : memref<!tpu.dma_semaphore, #tpu.memory_space<semaphore_mem>>)
    %add3A_716 = arith.constant 1200 : i32
    %add3A_717 = arith.addi %multiple_of3A, %add3A_716 : i32
    %dma_wait3A_718 = arith.constant 0 : i32
    %dma_wait3A_719 = arith.constant 0 : i32
    %dma_wait3A_720 = tpu.memref_slice %arg6[%dma_wait3A_719] : memref<2x!tpu.dma_semaphore, #tpu.memory_space<semaphore_mem>> -> memref<1x!tpu.dma_semaphore, #tpu.memory_space<semaphore_mem>>
    %dma_wait3A_721 = tpu.memref_squeeze %dma_wait3A_720 : memref<1x!tpu.dma_semaphore, #tpu.memory_space<semaphore_mem>> -> memref<!tpu.dma_semaphore, #tpu.memory_space<semaphore_mem>>
    %dma_wait3A_722 = arith.constant 0 : i32
    %dma_wait3A_723 = arith.constant 0 : i32
    %dma_wait3A_724 = arith.constant 0 : i32
    %dma_wait3A_725 = tpu.memref_slice %arg5[%arg1, %dma_wait3A_722, %dma_wait3A_723, %dma_wait3A_724] : memref<16x2x240x256xf32, #tpu.memory_space<vmem_shared>> -> memref<1x2x240x256xf32, #tpu.memory_space<vmem_shared>>
    %dma_wait3A_726 = tpu.memref_squeeze %dma_wait3A_725 : memref<1x2x240x256xf32, #tpu.memory_space<vmem_shared>> -> memref<2x240x256xf32, #tpu.memory_space<vmem_shared>>
    %dma_wait3A_727 = arith.constant 0 : i32
    %dma_wait3A_728 = arith.constant 0 : i32
    %dma_wait3A_729 = tpu.memref_slice %dma_wait3A_726[%dma_wait3A_718, %dma_wait3A_727, %dma_wait3A_728] : memref<2x240x256xf32, #tpu.memory_space<vmem_shared>> -> memref<1x240x256xf32, #tpu.memory_space<vmem_shared>>
    %dma_wait3A_730 = tpu.memref_squeeze %dma_wait3A_729 : memref<1x240x256xf32, #tpu.memory_space<vmem_shared>> -> memref<240x256xf32, #tpu.memory_space<vmem_shared>>
    %dma_wait3A_731 = arith.constant 0 : i32
    %dma_wait3A_732 = tpu.memref_slice %arg2[%add3A_717, %dma_wait3A_731] : memref<100000x256xf32, #tpu.memory_space<hbm>> -> memref<240x256xf32, #tpu.memory_space<hbm>>
    tpu.wait_dma2 semaphore(%dma_wait3A_721 : memref<!tpu.dma_semaphore, #tpu.memory_space<semaphore_mem>>) src(%dma_wait3A_732 : memref<240x256xf32, #tpu.memory_space<hbm>>) dst(%dma_wait3A_730 : memref<240x256xf32, #tpu.memory_space<vmem_shared>>)
    %add3A_733 = arith.constant 1200 : i32
    %add3A_734 = arith.addi %multiple_of3A, %add3A_733 : i32
    %dma_start3A_735 = arith.constant 0 : i32
    %dma_start3A_736 = arith.constant 0 : i32
    %dma_start3A_737 = tpu.memref_slice %arg7[%dma_start3A_736] : memref<2x!tpu.dma_semaphore, #tpu.memory_space<semaphore_mem>> -> memref<1x!tpu.dma_semaphore, #tpu.memory_space<semaphore_mem>>
    %dma_start3A_738 = tpu.memref_squeeze %dma_start3A_737 : memref<1x!tpu.dma_semaphore, #tpu.memory_space<semaphore_mem>> -> memref<!tpu.dma_semaphore, #tpu.memory_space<semaphore_mem>>
    %dma_start3A_739 = arith.constant 0 : i32
    %dma_start3A_740 = tpu.memref_slice %arg4[%add3A_734, %dma_start3A_739] : memref<100000x512xf32, #tpu.memory_space<hbm>> -> memref<240x256xf32, #tpu.memory_space<hbm>>
    %dma_start3A_741 = arith.constant 0 : i32
    %dma_start3A_742 = arith.constant 0 : i32
    %dma_start3A_743 = arith.constant 0 : i32
    %dma_start3A_744 = tpu.memref_slice %arg5[%arg1, %dma_start3A_741, %dma_start3A_742, %dma_start3A_743] : memref<16x2x240x256xf32, #tpu.memory_space<vmem_shared>> -> memref<1x2x240x256xf32, #tpu.memory_space<vmem_shared>>
    %dma_start3A_745 = tpu.memref_squeeze %dma_start3A_744 : memref<1x2x240x256xf32, #tpu.memory_space<vmem_shared>> -> memref<2x240x256xf32, #tpu.memory_space<vmem_shared>>
    %dma_start3A_746 = arith.constant 0 : i32
    %dma_start3A_747 = arith.constant 0 : i32
    %dma_start3A_748 = tpu.memref_slice %dma_start3A_745[%dma_start3A_735, %dma_start3A_746, %dma_start3A_747] : memref<2x240x256xf32, #tpu.memory_space<vmem_shared>> -> memref<1x240x256xf32, #tpu.memory_space<vmem_shared>>
    %dma_start3A_749 = tpu.memref_squeeze %dma_start3A_748 : memref<1x240x256xf32, #tpu.memory_space<vmem_shared>> -> memref<240x256xf32, #tpu.memory_space<vmem_shared>>
    tpu.enqueue_dma source(%dma_start3A_749 : memref<240x256xf32, #tpu.memory_space<vmem_shared>>) target(%dma_start3A_740 : memref<240x256xf32, #tpu.memory_space<hbm>>) target_semaphore(%dma_start3A_738 : memref<!tpu.dma_semaphore, #tpu.memory_space<semaphore_mem>>)
    %add3A_750 = arith.constant 1200 : i32
    %add3A_751 = arith.addi %multiple_of3A, %add3A_750 : i32
    %dma_wait3A_752 = arith.constant 0 : i32
    %dma_wait3A_753 = arith.constant 0 : i32
    %dma_wait3A_754 = tpu.memref_slice %arg7[%dma_wait3A_753] : memref<2x!tpu.dma_semaphore, #tpu.memory_space<semaphore_mem>> -> memref<1x!tpu.dma_semaphore, #tpu.memory_space<semaphore_mem>>
    %dma_wait3A_755 = tpu.memref_squeeze %dma_wait3A_754 : memref<1x!tpu.dma_semaphore, #tpu.memory_space<semaphore_mem>> -> memref<!tpu.dma_semaphore, #tpu.memory_space<semaphore_mem>>
    %dma_wait3A_756 = arith.constant 0 : i32
    %dma_wait3A_757 = tpu.memref_slice %arg4[%add3A_751, %dma_wait3A_756] : memref<100000x512xf32, #tpu.memory_space<hbm>> -> memref<240x256xf32, #tpu.memory_space<hbm>>
    %dma_wait3A_758 = arith.constant 0 : i32
    %dma_wait3A_759 = arith.constant 0 : i32
    %dma_wait3A_760 = arith.constant 0 : i32
    %dma_wait3A_761 = tpu.memref_slice %arg5[%arg1, %dma_wait3A_758, %dma_wait3A_759, %dma_wait3A_760] : memref<16x2x240x256xf32, #tpu.memory_space<vmem_shared>> -> memref<1x2x240x256xf32, #tpu.memory_space<vmem_shared>>
    %dma_wait3A_762 = tpu.memref_squeeze %dma_wait3A_761 : memref<1x2x240x256xf32, #tpu.memory_space<vmem_shared>> -> memref<2x240x256xf32, #tpu.memory_space<vmem_shared>>
    %dma_wait3A_763 = arith.constant 0 : i32
    %dma_wait3A_764 = arith.constant 0 : i32
    %dma_wait3A_765 = tpu.memref_slice %dma_wait3A_762[%dma_wait3A_752, %dma_wait3A_763, %dma_wait3A_764] : memref<2x240x256xf32, #tpu.memory_space<vmem_shared>> -> memref<1x240x256xf32, #tpu.memory_space<vmem_shared>>
    %dma_wait3A_766 = tpu.memref_squeeze %dma_wait3A_765 : memref<1x240x256xf32, #tpu.memory_space<vmem_shared>> -> memref<240x256xf32, #tpu.memory_space<vmem_shared>>
    tpu.wait_dma2 semaphore(%dma_wait3A_755 : memref<!tpu.dma_semaphore, #tpu.memory_space<semaphore_mem>>) src(%dma_wait3A_766 : memref<240x256xf32, #tpu.memory_space<vmem_shared>>) dst(%dma_wait3A_757 : memref<240x256xf32, #tpu.memory_space<hbm>>)
    %add3A_767 = arith.constant 1440 : i32
    %add3A_768 = arith.addi %multiple_of3A, %add3A_767 : i32
    %dma_start3A_769 = arith.constant 0 : i32
    %dma_start3A_770 = arith.constant 0 : i32
    %dma_start3A_771 = tpu.memref_slice %arg6[%dma_start3A_770] : memref<2x!tpu.dma_semaphore, #tpu.memory_space<semaphore_mem>> -> memref<1x!tpu.dma_semaphore, #tpu.memory_space<semaphore_mem>>
    %dma_start3A_772 = tpu.memref_squeeze %dma_start3A_771 : memref<1x!tpu.dma_semaphore, #tpu.memory_space<semaphore_mem>> -> memref<!tpu.dma_semaphore, #tpu.memory_space<semaphore_mem>>
    %dma_start3A_773 = arith.constant 0 : i32
    %dma_start3A_774 = arith.constant 0 : i32
    %dma_start3A_775 = arith.constant 0 : i32
    %dma_start3A_776 = tpu.memref_slice %arg5[%arg1, %dma_start3A_773, %dma_start3A_774, %dma_start3A_775] : memref<16x2x240x256xf32, #tpu.memory_space<vmem_shared>> -> memref<1x2x240x256xf32, #tpu.memory_space<vmem_shared>>
    %dma_start3A_777 = tpu.memref_squeeze %dma_start3A_776 : memref<1x2x240x256xf32, #tpu.memory_space<vmem_shared>> -> memref<2x240x256xf32, #tpu.memory_space<vmem_shared>>
    %dma_start3A_778 = arith.constant 0 : i32
    %dma_start3A_779 = arith.constant 0 : i32
    %dma_start3A_780 = tpu.memref_slice %dma_start3A_777[%dma_start3A_769, %dma_start3A_778, %dma_start3A_779] : memref<2x240x256xf32, #tpu.memory_space<vmem_shared>> -> memref<1x240x256xf32, #tpu.memory_space<vmem_shared>>
    %dma_start3A_781 = tpu.memref_squeeze %dma_start3A_780 : memref<1x240x256xf32, #tpu.memory_space<vmem_shared>> -> memref<240x256xf32, #tpu.memory_space<vmem_shared>>
    %dma_start3A_782 = arith.constant 0 : i32
    %dma_start3A_783 = tpu.memref_slice %arg2[%add3A_768, %dma_start3A_782] : memref<100000x256xf32, #tpu.memory_space<hbm>> -> memref<240x256xf32, #tpu.memory_space<hbm>>
    tpu.enqueue_dma source(%dma_start3A_783 : memref<240x256xf32, #tpu.memory_space<hbm>>) target(%dma_start3A_781 : memref<240x256xf32, #tpu.memory_space<vmem_shared>>) target_semaphore(%dma_start3A_772 : memref<!tpu.dma_semaphore, #tpu.memory_space<semaphore_mem>>)
    %add3A_784 = arith.constant 1200 : i32
    %add3A_785 = arith.addi %multiple_of3A, %add3A_784 : i32
    %dma_wait3A_786 = arith.constant 1 : i32
    %dma_wait3A_787 = arith.constant 1 : i32
    %dma_wait3A_788 = tpu.memref_slice %arg6[%dma_wait3A_787] : memref<2x!tpu.dma_semaphore, #tpu.memory_space<semaphore_mem>> -> memref<1x!tpu.dma_semaphore, #tpu.memory_space<semaphore_mem>>
    %dma_wait3A_789 = tpu.memref_squeeze %dma_wait3A_788 : memref<1x!tpu.dma_semaphore, #tpu.memory_space<semaphore_mem>> -> memref<!tpu.dma_semaphore, #tpu.memory_space<semaphore_mem>>
    %dma_wait3A_790 = arith.constant 0 : i32
    %dma_wait3A_791 = arith.constant 0 : i32
    %dma_wait3A_792 = arith.constant 0 : i32
    %dma_wait3A_793 = tpu.memref_slice %arg5[%arg1, %dma_wait3A_790, %dma_wait3A_791, %dma_wait3A_792] : memref<16x2x240x256xf32, #tpu.memory_space<vmem_shared>> -> memref<1x2x240x256xf32, #tpu.memory_space<vmem_shared>>
    %dma_wait3A_794 = tpu.memref_squeeze %dma_wait3A_793 : memref<1x2x240x256xf32, #tpu.memory_space<vmem_shared>> -> memref<2x240x256xf32, #tpu.memory_space<vmem_shared>>
    %dma_wait3A_795 = arith.constant 0 : i32
    %dma_wait3A_796 = arith.constant 0 : i32
    %dma_wait3A_797 = tpu.memref_slice %dma_wait3A_794[%dma_wait3A_786, %dma_wait3A_795, %dma_wait3A_796] : memref<2x240x256xf32, #tpu.memory_space<vmem_shared>> -> memref<1x240x256xf32, #tpu.memory_space<vmem_shared>>
    %dma_wait3A_798 = tpu.memref_squeeze %dma_wait3A_797 : memref<1x240x256xf32, #tpu.memory_space<vmem_shared>> -> memref<240x256xf32, #tpu.memory_space<vmem_shared>>
    %dma_wait3A_799 = arith.constant 0 : i32
    %dma_wait3A_800 = tpu.memref_slice %arg3[%add3A_785, %dma_wait3A_799] : memref<100000x256xf32, #tpu.memory_space<hbm>> -> memref<240x256xf32, #tpu.memory_space<hbm>>
    tpu.wait_dma2 semaphore(%dma_wait3A_789 : memref<!tpu.dma_semaphore, #tpu.memory_space<semaphore_mem>>) src(%dma_wait3A_800 : memref<240x256xf32, #tpu.memory_space<hbm>>) dst(%dma_wait3A_798 : memref<240x256xf32, #tpu.memory_space<vmem_shared>>)
    %add3A_801 = arith.constant 1200 : i32
    %add3A_802 = arith.addi %multiple_of3A, %add3A_801 : i32
    %dma_start3A_803 = arith.constant 1 : i32
    %dma_start3A_804 = arith.constant 1 : i32
    %dma_start3A_805 = tpu.memref_slice %arg7[%dma_start3A_804] : memref<2x!tpu.dma_semaphore, #tpu.memory_space<semaphore_mem>> -> memref<1x!tpu.dma_semaphore, #tpu.memory_space<semaphore_mem>>
    %dma_start3A_806 = tpu.memref_squeeze %dma_start3A_805 : memref<1x!tpu.dma_semaphore, #tpu.memory_space<semaphore_mem>> -> memref<!tpu.dma_semaphore, #tpu.memory_space<semaphore_mem>>
    %dma_start3A_807 = arith.constant 256 : i32
    %dma_start3A_808 = tpu.memref_slice %arg4[%add3A_802, %dma_start3A_807] : memref<100000x512xf32, #tpu.memory_space<hbm>> -> memref<240x256xf32, #tpu.memory_space<hbm>>
    %dma_start3A_809 = arith.constant 0 : i32
    %dma_start3A_810 = arith.constant 0 : i32
    %dma_start3A_811 = arith.constant 0 : i32
    %dma_start3A_812 = tpu.memref_slice %arg5[%arg1, %dma_start3A_809, %dma_start3A_810, %dma_start3A_811] : memref<16x2x240x256xf32, #tpu.memory_space<vmem_shared>> -> memref<1x2x240x256xf32, #tpu.memory_space<vmem_shared>>
    %dma_start3A_813 = tpu.memref_squeeze %dma_start3A_812 : memref<1x2x240x256xf32, #tpu.memory_space<vmem_shared>> -> memref<2x240x256xf32, #tpu.memory_space<vmem_shared>>
    %dma_start3A_814 = arith.constant 0 : i32
    %dma_start3A_815 = arith.constant 0 : i32
    %dma_start3A_816 = tpu.memref_slice %dma_start3A_813[%dma_start3A_803, %dma_start3A_814, %dma_start3A_815] : memref<2x240x256xf32, #tpu.memory_space<vmem_shared>> -> memref<1x240x256xf32, #tpu.memory_space<vmem_shared>>
    %dma_start3A_817 = tpu.memref_squeeze %dma_start3A_816 : memref<1x240x256xf32, #tpu.memory_space<vmem_shared>> -> memref<240x256xf32, #tpu.memory_space<vmem_shared>>
    tpu.enqueue_dma source(%dma_start3A_817 : memref<240x256xf32, #tpu.memory_space<vmem_shared>>) target(%dma_start3A_808 : memref<240x256xf32, #tpu.memory_space<hbm>>) target_semaphore(%dma_start3A_806 : memref<!tpu.dma_semaphore, #tpu.memory_space<semaphore_mem>>)
    %add3A_818 = arith.constant 1200 : i32
    %add3A_819 = arith.addi %multiple_of3A, %add3A_818 : i32
    %dma_wait3A_820 = arith.constant 1 : i32
    %dma_wait3A_821 = arith.constant 1 : i32
    %dma_wait3A_822 = tpu.memref_slice %arg7[%dma_wait3A_821] : memref<2x!tpu.dma_semaphore, #tpu.memory_space<semaphore_mem>> -> memref<1x!tpu.dma_semaphore, #tpu.memory_space<semaphore_mem>>
    %dma_wait3A_823 = tpu.memref_squeeze %dma_wait3A_822 : memref<1x!tpu.dma_semaphore, #tpu.memory_space<semaphore_mem>> -> memref<!tpu.dma_semaphore, #tpu.memory_space<semaphore_mem>>
    %dma_wait3A_824 = arith.constant 256 : i32
    %dma_wait3A_825 = tpu.memref_slice %arg4[%add3A_819, %dma_wait3A_824] : memref<100000x512xf32, #tpu.memory_space<hbm>> -> memref<240x256xf32, #tpu.memory_space<hbm>>
    %dma_wait3A_826 = arith.constant 0 : i32
    %dma_wait3A_827 = arith.constant 0 : i32
    %dma_wait3A_828 = arith.constant 0 : i32
    %dma_wait3A_829 = tpu.memref_slice %arg5[%arg1, %dma_wait3A_826, %dma_wait3A_827, %dma_wait3A_828] : memref<16x2x240x256xf32, #tpu.memory_space<vmem_shared>> -> memref<1x2x240x256xf32, #tpu.memory_space<vmem_shared>>
    %dma_wait3A_830 = tpu.memref_squeeze %dma_wait3A_829 : memref<1x2x240x256xf32, #tpu.memory_space<vmem_shared>> -> memref<2x240x256xf32, #tpu.memory_space<vmem_shared>>
    %dma_wait3A_831 = arith.constant 0 : i32
    %dma_wait3A_832 = arith.constant 0 : i32
    %dma_wait3A_833 = tpu.memref_slice %dma_wait3A_830[%dma_wait3A_820, %dma_wait3A_831, %dma_wait3A_832] : memref<2x240x256xf32, #tpu.memory_space<vmem_shared>> -> memref<1x240x256xf32, #tpu.memory_space<vmem_shared>>
    %dma_wait3A_834 = tpu.memref_squeeze %dma_wait3A_833 : memref<1x240x256xf32, #tpu.memory_space<vmem_shared>> -> memref<240x256xf32, #tpu.memory_space<vmem_shared>>
    tpu.wait_dma2 semaphore(%dma_wait3A_823 : memref<!tpu.dma_semaphore, #tpu.memory_space<semaphore_mem>>) src(%dma_wait3A_834 : memref<240x256xf32, #tpu.memory_space<vmem_shared>>) dst(%dma_wait3A_825 : memref<240x256xf32, #tpu.memory_space<hbm>>)
    %add3A_835 = arith.constant 1440 : i32
    %add3A_836 = arith.addi %multiple_of3A, %add3A_835 : i32
    %dma_start3A_837 = arith.constant 1 : i32
    %dma_start3A_838 = arith.constant 1 : i32
    %dma_start3A_839 = tpu.memref_slice %arg6[%dma_start3A_838] : memref<2x!tpu.dma_semaphore, #tpu.memory_space<semaphore_mem>> -> memref<1x!tpu.dma_semaphore, #tpu.memory_space<semaphore_mem>>
    %dma_start3A_840 = tpu.memref_squeeze %dma_start3A_839 : memref<1x!tpu.dma_semaphore, #tpu.memory_space<semaphore_mem>> -> memref<!tpu.dma_semaphore, #tpu.memory_space<semaphore_mem>>
    %dma_start3A_841 = arith.constant 0 : i32
    %dma_start3A_842 = arith.constant 0 : i32
    %dma_start3A_843 = arith.constant 0 : i32
    %dma_start3A_844 = tpu.memref_slice %arg5[%arg1, %dma_start3A_841, %dma_start3A_842, %dma_start3A_843] : memref<16x2x240x256xf32, #tpu.memory_space<vmem_shared>> -> memref<1x2x240x256xf32, #tpu.memory_space<vmem_shared>>
    %dma_start3A_845 = tpu.memref_squeeze %dma_start3A_844 : memref<1x2x240x256xf32, #tpu.memory_space<vmem_shared>> -> memref<2x240x256xf32, #tpu.memory_space<vmem_shared>>
    %dma_start3A_846 = arith.constant 0 : i32
    %dma_start3A_847 = arith.constant 0 : i32
    %dma_start3A_848 = tpu.memref_slice %dma_start3A_845[%dma_start3A_837, %dma_start3A_846, %dma_start3A_847] : memref<2x240x256xf32, #tpu.memory_space<vmem_shared>> -> memref<1x240x256xf32, #tpu.memory_space<vmem_shared>>
    %dma_start3A_849 = tpu.memref_squeeze %dma_start3A_848 : memref<1x240x256xf32, #tpu.memory_space<vmem_shared>> -> memref<240x256xf32, #tpu.memory_space<vmem_shared>>
    %dma_start3A_850 = arith.constant 0 : i32
    %dma_start3A_851 = tpu.memref_slice %arg3[%add3A_836, %dma_start3A_850] : memref<100000x256xf32, #tpu.memory_space<hbm>> -> memref<240x256xf32, #tpu.memory_space<hbm>>
    tpu.enqueue_dma source(%dma_start3A_851 : memref<240x256xf32, #tpu.memory_space<hbm>>) target(%dma_start3A_849 : memref<240x256xf32, #tpu.memory_space<vmem_shared>>) target_semaphore(%dma_start3A_840 : memref<!tpu.dma_semaphore, #tpu.memory_space<semaphore_mem>>)
    %add3A_852 = arith.constant 1440 : i32
    %add3A_853 = arith.addi %multiple_of3A, %add3A_852 : i32
    %dma_wait3A_854 = arith.constant 0 : i32
    %dma_wait3A_855 = arith.constant 0 : i32
    %dma_wait3A_856 = tpu.memref_slice %arg6[%dma_wait3A_855] : memref<2x!tpu.dma_semaphore, #tpu.memory_space<semaphore_mem>> -> memref<1x!tpu.dma_semaphore, #tpu.memory_space<semaphore_mem>>
    %dma_wait3A_857 = tpu.memref_squeeze %dma_wait3A_856 : memref<1x!tpu.dma_semaphore, #tpu.memory_space<semaphore_mem>> -> memref<!tpu.dma_semaphore, #tpu.memory_space<semaphore_mem>>
    %dma_wait3A_858 = arith.constant 0 : i32
    %dma_wait3A_859 = arith.constant 0 : i32
    %dma_wait3A_860 = arith.constant 0 : i32
    %dma_wait3A_861 = tpu.memref_slice %arg5[%arg1, %dma_wait3A_858, %dma_wait3A_859, %dma_wait3A_860] : memref<16x2x240x256xf32, #tpu.memory_space<vmem_shared>> -> memref<1x2x240x256xf32, #tpu.memory_space<vmem_shared>>
    %dma_wait3A_862 = tpu.memref_squeeze %dma_wait3A_861 : memref<1x2x240x256xf32, #tpu.memory_space<vmem_shared>> -> memref<2x240x256xf32, #tpu.memory_space<vmem_shared>>
    %dma_wait3A_863 = arith.constant 0 : i32
    %dma_wait3A_864 = arith.constant 0 : i32
    %dma_wait3A_865 = tpu.memref_slice %dma_wait3A_862[%dma_wait3A_854, %dma_wait3A_863, %dma_wait3A_864] : memref<2x240x256xf32, #tpu.memory_space<vmem_shared>> -> memref<1x240x256xf32, #tpu.memory_space<vmem_shared>>
    %dma_wait3A_866 = tpu.memref_squeeze %dma_wait3A_865 : memref<1x240x256xf32, #tpu.memory_space<vmem_shared>> -> memref<240x256xf32, #tpu.memory_space<vmem_shared>>
    %dma_wait3A_867 = arith.constant 0 : i32
    %dma_wait3A_868 = tpu.memref_slice %arg2[%add3A_853, %dma_wait3A_867] : memref<100000x256xf32, #tpu.memory_space<hbm>> -> memref<240x256xf32, #tpu.memory_space<hbm>>
    tpu.wait_dma2 semaphore(%dma_wait3A_857 : memref<!tpu.dma_semaphore, #tpu.memory_space<semaphore_mem>>) src(%dma_wait3A_868 : memref<240x256xf32, #tpu.memory_space<hbm>>) dst(%dma_wait3A_866 : memref<240x256xf32, #tpu.memory_space<vmem_shared>>)
    %add3A_869 = arith.constant 1440 : i32
    %add3A_870 = arith.addi %multiple_of3A, %add3A_869 : i32
    %dma_start3A_871 = arith.constant 0 : i32
    %dma_start3A_872 = arith.constant 0 : i32
    %dma_start3A_873 = tpu.memref_slice %arg7[%dma_start3A_872] : memref<2x!tpu.dma_semaphore, #tpu.memory_space<semaphore_mem>> -> memref<1x!tpu.dma_semaphore, #tpu.memory_space<semaphore_mem>>
    %dma_start3A_874 = tpu.memref_squeeze %dma_start3A_873 : memref<1x!tpu.dma_semaphore, #tpu.memory_space<semaphore_mem>> -> memref<!tpu.dma_semaphore, #tpu.memory_space<semaphore_mem>>
    %dma_start3A_875 = arith.constant 0 : i32
    %dma_start3A_876 = tpu.memref_slice %arg4[%add3A_870, %dma_start3A_875] : memref<100000x512xf32, #tpu.memory_space<hbm>> -> memref<240x256xf32, #tpu.memory_space<hbm>>
    %dma_start3A_877 = arith.constant 0 : i32
    %dma_start3A_878 = arith.constant 0 : i32
    %dma_start3A_879 = arith.constant 0 : i32
    %dma_start3A_880 = tpu.memref_slice %arg5[%arg1, %dma_start3A_877, %dma_start3A_878, %dma_start3A_879] : memref<16x2x240x256xf32, #tpu.memory_space<vmem_shared>> -> memref<1x2x240x256xf32, #tpu.memory_space<vmem_shared>>
    %dma_start3A_881 = tpu.memref_squeeze %dma_start3A_880 : memref<1x2x240x256xf32, #tpu.memory_space<vmem_shared>> -> memref<2x240x256xf32, #tpu.memory_space<vmem_shared>>
    %dma_start3A_882 = arith.constant 0 : i32
    %dma_start3A_883 = arith.constant 0 : i32
    %dma_start3A_884 = tpu.memref_slice %dma_start3A_881[%dma_start3A_871, %dma_start3A_882, %dma_start3A_883] : memref<2x240x256xf32, #tpu.memory_space<vmem_shared>> -> memref<1x240x256xf32, #tpu.memory_space<vmem_shared>>
    %dma_start3A_885 = tpu.memref_squeeze %dma_start3A_884 : memref<1x240x256xf32, #tpu.memory_space<vmem_shared>> -> memref<240x256xf32, #tpu.memory_space<vmem_shared>>
    tpu.enqueue_dma source(%dma_start3A_885 : memref<240x256xf32, #tpu.memory_space<vmem_shared>>) target(%dma_start3A_876 : memref<240x256xf32, #tpu.memory_space<hbm>>) target_semaphore(%dma_start3A_874 : memref<!tpu.dma_semaphore, #tpu.memory_space<semaphore_mem>>)
    %add3A_886 = arith.constant 1440 : i32
    %add3A_887 = arith.addi %multiple_of3A, %add3A_886 : i32
    %dma_wait3A_888 = arith.constant 0 : i32
    %dma_wait3A_889 = arith.constant 0 : i32
    %dma_wait3A_890 = tpu.memref_slice %arg7[%dma_wait3A_889] : memref<2x!tpu.dma_semaphore, #tpu.memory_space<semaphore_mem>> -> memref<1x!tpu.dma_semaphore, #tpu.memory_space<semaphore_mem>>
    %dma_wait3A_891 = tpu.memref_squeeze %dma_wait3A_890 : memref<1x!tpu.dma_semaphore, #tpu.memory_space<semaphore_mem>> -> memref<!tpu.dma_semaphore, #tpu.memory_space<semaphore_mem>>
    %dma_wait3A_892 = arith.constant 0 : i32
    %dma_wait3A_893 = tpu.memref_slice %arg4[%add3A_887, %dma_wait3A_892] : memref<100000x512xf32, #tpu.memory_space<hbm>> -> memref<240x256xf32, #tpu.memory_space<hbm>>
    %dma_wait3A_894 = arith.constant 0 : i32
    %dma_wait3A_895 = arith.constant 0 : i32
    %dma_wait3A_896 = arith.constant 0 : i32
    %dma_wait3A_897 = tpu.memref_slice %arg5[%arg1, %dma_wait3A_894, %dma_wait3A_895, %dma_wait3A_896] : memref<16x2x240x256xf32, #tpu.memory_space<vmem_shared>> -> memref<1x2x240x256xf32, #tpu.memory_space<vmem_shared>>
    %dma_wait3A_898 = tpu.memref_squeeze %dma_wait3A_897 : memref<1x2x240x256xf32, #tpu.memory_space<vmem_shared>> -> memref<2x240x256xf32, #tpu.memory_space<vmem_shared>>
    %dma_wait3A_899 = arith.constant 0 : i32
    %dma_wait3A_900 = arith.constant 0 : i32
    %dma_wait3A_901 = tpu.memref_slice %dma_wait3A_898[%dma_wait3A_888, %dma_wait3A_899, %dma_wait3A_900] : memref<2x240x256xf32, #tpu.memory_space<vmem_shared>> -> memref<1x240x256xf32, #tpu.memory_space<vmem_shared>>
    %dma_wait3A_902 = tpu.memref_squeeze %dma_wait3A_901 : memref<1x240x256xf32, #tpu.memory_space<vmem_shared>> -> memref<240x256xf32, #tpu.memory_space<vmem_shared>>
    tpu.wait_dma2 semaphore(%dma_wait3A_891 : memref<!tpu.dma_semaphore, #tpu.memory_space<semaphore_mem>>) src(%dma_wait3A_902 : memref<240x256xf32, #tpu.memory_space<vmem_shared>>) dst(%dma_wait3A_893 : memref<240x256xf32, #tpu.memory_space<hbm>>)
    %add3A_903 = arith.constant 1680 : i32
    %add3A_904 = arith.addi %multiple_of3A, %add3A_903 : i32
    %dma_start3A_905 = arith.constant 0 : i32
    %dma_start3A_906 = arith.constant 0 : i32
    %dma_start3A_907 = tpu.memref_slice %arg6[%dma_start3A_906] : memref<2x!tpu.dma_semaphore, #tpu.memory_space<semaphore_mem>> -> memref<1x!tpu.dma_semaphore, #tpu.memory_space<semaphore_mem>>
    %dma_start3A_908 = tpu.memref_squeeze %dma_start3A_907 : memref<1x!tpu.dma_semaphore, #tpu.memory_space<semaphore_mem>> -> memref<!tpu.dma_semaphore, #tpu.memory_space<semaphore_mem>>
    %dma_start3A_909 = arith.constant 0 : i32
    %dma_start3A_910 = arith.constant 0 : i32
    %dma_start3A_911 = arith.constant 0 : i32
    %dma_start3A_912 = tpu.memref_slice %arg5[%arg1, %dma_start3A_909, %dma_start3A_910, %dma_start3A_911] : memref<16x2x240x256xf32, #tpu.memory_space<vmem_shared>> -> memref<1x2x240x256xf32, #tpu.memory_space<vmem_shared>>
    %dma_start3A_913 = tpu.memref_squeeze %dma_start3A_912 : memref<1x2x240x256xf32, #tpu.memory_space<vmem_shared>> -> memref<2x240x256xf32, #tpu.memory_space<vmem_shared>>
    %dma_start3A_914 = arith.constant 0 : i32
    %dma_start3A_915 = arith.constant 0 : i32
    %dma_start3A_916 = tpu.memref_slice %dma_start3A_913[%dma_start3A_905, %dma_start3A_914, %dma_start3A_915] : memref<2x240x256xf32, #tpu.memory_space<vmem_shared>> -> memref<1x240x256xf32, #tpu.memory_space<vmem_shared>>
    %dma_start3A_917 = tpu.memref_squeeze %dma_start3A_916 : memref<1x240x256xf32, #tpu.memory_space<vmem_shared>> -> memref<240x256xf32, #tpu.memory_space<vmem_shared>>
    %dma_start3A_918 = arith.constant 0 : i32
    %dma_start3A_919 = tpu.memref_slice %arg2[%add3A_904, %dma_start3A_918] : memref<100000x256xf32, #tpu.memory_space<hbm>> -> memref<240x256xf32, #tpu.memory_space<hbm>>
    tpu.enqueue_dma source(%dma_start3A_919 : memref<240x256xf32, #tpu.memory_space<hbm>>) target(%dma_start3A_917 : memref<240x256xf32, #tpu.memory_space<vmem_shared>>) target_semaphore(%dma_start3A_908 : memref<!tpu.dma_semaphore, #tpu.memory_space<semaphore_mem>>)
    %add3A_920 = arith.constant 1440 : i32
    %add3A_921 = arith.addi %multiple_of3A, %add3A_920 : i32
    %dma_wait3A_922 = arith.constant 1 : i32
    %dma_wait3A_923 = arith.constant 1 : i32
    %dma_wait3A_924 = tpu.memref_slice %arg6[%dma_wait3A_923] : memref<2x!tpu.dma_semaphore, #tpu.memory_space<semaphore_mem>> -> memref<1x!tpu.dma_semaphore, #tpu.memory_space<semaphore_mem>>
    %dma_wait3A_925 = tpu.memref_squeeze %dma_wait3A_924 : memref<1x!tpu.dma_semaphore, #tpu.memory_space<semaphore_mem>> -> memref<!tpu.dma_semaphore, #tpu.memory_space<semaphore_mem>>
    %dma_wait3A_926 = arith.constant 0 : i32
    %dma_wait3A_927 = arith.constant 0 : i32
    %dma_wait3A_928 = arith.constant 0 : i32
    %dma_wait3A_929 = tpu.memref_slice %arg5[%arg1, %dma_wait3A_926, %dma_wait3A_927, %dma_wait3A_928] : memref<16x2x240x256xf32, #tpu.memory_space<vmem_shared>> -> memref<1x2x240x256xf32, #tpu.memory_space<vmem_shared>>
    %dma_wait3A_930 = tpu.memref_squeeze %dma_wait3A_929 : memref<1x2x240x256xf32, #tpu.memory_space<vmem_shared>> -> memref<2x240x256xf32, #tpu.memory_space<vmem_shared>>
    %dma_wait3A_931 = arith.constant 0 : i32
    %dma_wait3A_932 = arith.constant 0 : i32
    %dma_wait3A_933 = tpu.memref_slice %dma_wait3A_930[%dma_wait3A_922, %dma_wait3A_931, %dma_wait3A_932] : memref<2x240x256xf32, #tpu.memory_space<vmem_shared>> -> memref<1x240x256xf32, #tpu.memory_space<vmem_shared>>
    %dma_wait3A_934 = tpu.memref_squeeze %dma_wait3A_933 : memref<1x240x256xf32, #tpu.memory_space<vmem_shared>> -> memref<240x256xf32, #tpu.memory_space<vmem_shared>>
    %dma_wait3A_935 = arith.constant 0 : i32
    %dma_wait3A_936 = tpu.memref_slice %arg3[%add3A_921, %dma_wait3A_935] : memref<100000x256xf32, #tpu.memory_space<hbm>> -> memref<240x256xf32, #tpu.memory_space<hbm>>
    tpu.wait_dma2 semaphore(%dma_wait3A_925 : memref<!tpu.dma_semaphore, #tpu.memory_space<semaphore_mem>>) src(%dma_wait3A_936 : memref<240x256xf32, #tpu.memory_space<hbm>>) dst(%dma_wait3A_934 : memref<240x256xf32, #tpu.memory_space<vmem_shared>>)
    %add3A_937 = arith.constant 1440 : i32
    %add3A_938 = arith.addi %multiple_of3A, %add3A_937 : i32
    %dma_start3A_939 = arith.constant 1 : i32
    %dma_start3A_940 = arith.constant 1 : i32
    %dma_start3A_941 = tpu.memref_slice %arg7[%dma_start3A_940] : memref<2x!tpu.dma_semaphore, #tpu.memory_space<semaphore_mem>> -> memref<1x!tpu.dma_semaphore, #tpu.memory_space<semaphore_mem>>
    %dma_start3A_942 = tpu.memref_squeeze %dma_start3A_941 : memref<1x!tpu.dma_semaphore, #tpu.memory_space<semaphore_mem>> -> memref<!tpu.dma_semaphore, #tpu.memory_space<semaphore_mem>>
    %dma_start3A_943 = arith.constant 256 : i32
    %dma_start3A_944 = tpu.memref_slice %arg4[%add3A_938, %dma_start3A_943] : memref<100000x512xf32, #tpu.memory_space<hbm>> -> memref<240x256xf32, #tpu.memory_space<hbm>>
    %dma_start3A_945 = arith.constant 0 : i32
    %dma_start3A_946 = arith.constant 0 : i32
    %dma_start3A_947 = arith.constant 0 : i32
    %dma_start3A_948 = tpu.memref_slice %arg5[%arg1, %dma_start3A_945, %dma_start3A_946, %dma_start3A_947] : memref<16x2x240x256xf32, #tpu.memory_space<vmem_shared>> -> memref<1x2x240x256xf32, #tpu.memory_space<vmem_shared>>
    %dma_start3A_949 = tpu.memref_squeeze %dma_start3A_948 : memref<1x2x240x256xf32, #tpu.memory_space<vmem_shared>> -> memref<2x240x256xf32, #tpu.memory_space<vmem_shared>>
    %dma_start3A_950 = arith.constant 0 : i32
    %dma_start3A_951 = arith.constant 0 : i32
    %dma_start3A_952 = tpu.memref_slice %dma_start3A_949[%dma_start3A_939, %dma_start3A_950, %dma_start3A_951] : memref<2x240x256xf32, #tpu.memory_space<vmem_shared>> -> memref<1x240x256xf32, #tpu.memory_space<vmem_shared>>
    %dma_start3A_953 = tpu.memref_squeeze %dma_start3A_952 : memref<1x240x256xf32, #tpu.memory_space<vmem_shared>> -> memref<240x256xf32, #tpu.memory_space<vmem_shared>>
    tpu.enqueue_dma source(%dma_start3A_953 : memref<240x256xf32, #tpu.memory_space<vmem_shared>>) target(%dma_start3A_944 : memref<240x256xf32, #tpu.memory_space<hbm>>) target_semaphore(%dma_start3A_942 : memref<!tpu.dma_semaphore, #tpu.memory_space<semaphore_mem>>)
    %add3A_954 = arith.constant 1440 : i32
    %add3A_955 = arith.addi %multiple_of3A, %add3A_954 : i32
    %dma_wait3A_956 = arith.constant 1 : i32
    %dma_wait3A_957 = arith.constant 1 : i32
    %dma_wait3A_958 = tpu.memref_slice %arg7[%dma_wait3A_957] : memref<2x!tpu.dma_semaphore, #tpu.memory_space<semaphore_mem>> -> memref<1x!tpu.dma_semaphore, #tpu.memory_space<semaphore_mem>>
    %dma_wait3A_959 = tpu.memref_squeeze %dma_wait3A_958 : memref<1x!tpu.dma_semaphore, #tpu.memory_space<semaphore_mem>> -> memref<!tpu.dma_semaphore, #tpu.memory_space<semaphore_mem>>
    %dma_wait3A_960 = arith.constant 256 : i32
    %dma_wait3A_961 = tpu.memref_slice %arg4[%add3A_955, %dma_wait3A_960] : memref<100000x512xf32, #tpu.memory_space<hbm>> -> memref<240x256xf32, #tpu.memory_space<hbm>>
    %dma_wait3A_962 = arith.constant 0 : i32
    %dma_wait3A_963 = arith.constant 0 : i32
    %dma_wait3A_964 = arith.constant 0 : i32
    %dma_wait3A_965 = tpu.memref_slice %arg5[%arg1, %dma_wait3A_962, %dma_wait3A_963, %dma_wait3A_964] : memref<16x2x240x256xf32, #tpu.memory_space<vmem_shared>> -> memref<1x2x240x256xf32, #tpu.memory_space<vmem_shared>>
    %dma_wait3A_966 = tpu.memref_squeeze %dma_wait3A_965 : memref<1x2x240x256xf32, #tpu.memory_space<vmem_shared>> -> memref<2x240x256xf32, #tpu.memory_space<vmem_shared>>
    %dma_wait3A_967 = arith.constant 0 : i32
    %dma_wait3A_968 = arith.constant 0 : i32
    %dma_wait3A_969 = tpu.memref_slice %dma_wait3A_966[%dma_wait3A_956, %dma_wait3A_967, %dma_wait3A_968] : memref<2x240x256xf32, #tpu.memory_space<vmem_shared>> -> memref<1x240x256xf32, #tpu.memory_space<vmem_shared>>
    %dma_wait3A_970 = tpu.memref_squeeze %dma_wait3A_969 : memref<1x240x256xf32, #tpu.memory_space<vmem_shared>> -> memref<240x256xf32, #tpu.memory_space<vmem_shared>>
    tpu.wait_dma2 semaphore(%dma_wait3A_959 : memref<!tpu.dma_semaphore, #tpu.memory_space<semaphore_mem>>) src(%dma_wait3A_970 : memref<240x256xf32, #tpu.memory_space<vmem_shared>>) dst(%dma_wait3A_961 : memref<240x256xf32, #tpu.memory_space<hbm>>)
    %add3A_971 = arith.constant 1680 : i32
    %add3A_972 = arith.addi %multiple_of3A, %add3A_971 : i32
    %dma_start3A_973 = arith.constant 1 : i32
    %dma_start3A_974 = arith.constant 1 : i32
    %dma_start3A_975 = tpu.memref_slice %arg6[%dma_start3A_974] : memref<2x!tpu.dma_semaphore, #tpu.memory_space<semaphore_mem>> -> memref<1x!tpu.dma_semaphore, #tpu.memory_space<semaphore_mem>>
    %dma_start3A_976 = tpu.memref_squeeze %dma_start3A_975 : memref<1x!tpu.dma_semaphore, #tpu.memory_space<semaphore_mem>> -> memref<!tpu.dma_semaphore, #tpu.memory_space<semaphore_mem>>
    %dma_start3A_977 = arith.constant 0 : i32
    %dma_start3A_978 = arith.constant 0 : i32
    %dma_start3A_979 = arith.constant 0 : i32
    %dma_start3A_980 = tpu.memref_slice %arg5[%arg1, %dma_start3A_977, %dma_start3A_978, %dma_start3A_979] : memref<16x2x240x256xf32, #tpu.memory_space<vmem_shared>> -> memref<1x2x240x256xf32, #tpu.memory_space<vmem_shared>>
    %dma_start3A_981 = tpu.memref_squeeze %dma_start3A_980 : memref<1x2x240x256xf32, #tpu.memory_space<vmem_shared>> -> memref<2x240x256xf32, #tpu.memory_space<vmem_shared>>
    %dma_start3A_982 = arith.constant 0 : i32
    %dma_start3A_983 = arith.constant 0 : i32
    %dma_start3A_984 = tpu.memref_slice %dma_start3A_981[%dma_start3A_973, %dma_start3A_982, %dma_start3A_983] : memref<2x240x256xf32, #tpu.memory_space<vmem_shared>> -> memref<1x240x256xf32, #tpu.memory_space<vmem_shared>>
    %dma_start3A_985 = tpu.memref_squeeze %dma_start3A_984 : memref<1x240x256xf32, #tpu.memory_space<vmem_shared>> -> memref<240x256xf32, #tpu.memory_space<vmem_shared>>
    %dma_start3A_986 = arith.constant 0 : i32
    %dma_start3A_987 = tpu.memref_slice %arg3[%add3A_972, %dma_start3A_986] : memref<100000x256xf32, #tpu.memory_space<hbm>> -> memref<240x256xf32, #tpu.memory_space<hbm>>
    tpu.enqueue_dma source(%dma_start3A_987 : memref<240x256xf32, #tpu.memory_space<hbm>>) target(%dma_start3A_985 : memref<240x256xf32, #tpu.memory_space<vmem_shared>>) target_semaphore(%dma_start3A_976 : memref<!tpu.dma_semaphore, #tpu.memory_space<semaphore_mem>>)
    %add3A_988 = arith.constant 1680 : i32
    %add3A_989 = arith.addi %multiple_of3A, %add3A_988 : i32
    %dma_wait3A_990 = arith.constant 0 : i32
    %dma_wait3A_991 = arith.constant 0 : i32
    %dma_wait3A_992 = tpu.memref_slice %arg6[%dma_wait3A_991] : memref<2x!tpu.dma_semaphore, #tpu.memory_space<semaphore_mem>> -> memref<1x!tpu.dma_semaphore, #tpu.memory_space<semaphore_mem>>
    %dma_wait3A_993 = tpu.memref_squeeze %dma_wait3A_992 : memref<1x!tpu.dma_semaphore, #tpu.memory_space<semaphore_mem>> -> memref<!tpu.dma_semaphore, #tpu.memory_space<semaphore_mem>>
    %dma_wait3A_994 = arith.constant 0 : i32
    %dma_wait3A_995 = arith.constant 0 : i32
    %dma_wait3A_996 = arith.constant 0 : i32
    %dma_wait3A_997 = tpu.memref_slice %arg5[%arg1, %dma_wait3A_994, %dma_wait3A_995, %dma_wait3A_996] : memref<16x2x240x256xf32, #tpu.memory_space<vmem_shared>> -> memref<1x2x240x256xf32, #tpu.memory_space<vmem_shared>>
    %dma_wait3A_998 = tpu.memref_squeeze %dma_wait3A_997 : memref<1x2x240x256xf32, #tpu.memory_space<vmem_shared>> -> memref<2x240x256xf32, #tpu.memory_space<vmem_shared>>
    %dma_wait3A_999 = arith.constant 0 : i32
    %dma_wait3A_1000 = arith.constant 0 : i32
    %dma_wait3A_1001 = tpu.memref_slice %dma_wait3A_998[%dma_wait3A_990, %dma_wait3A_999, %dma_wait3A_1000] : memref<2x240x256xf32, #tpu.memory_space<vmem_shared>> -> memref<1x240x256xf32, #tpu.memory_space<vmem_shared>>
    %dma_wait3A_1002 = tpu.memref_squeeze %dma_wait3A_1001 : memref<1x240x256xf32, #tpu.memory_space<vmem_shared>> -> memref<240x256xf32, #tpu.memory_space<vmem_shared>>
    %dma_wait3A_1003 = arith.constant 0 : i32
    %dma_wait3A_1004 = tpu.memref_slice %arg2[%add3A_989, %dma_wait3A_1003] : memref<100000x256xf32, #tpu.memory_space<hbm>> -> memref<240x256xf32, #tpu.memory_space<hbm>>
    tpu.wait_dma2 semaphore(%dma_wait3A_993 : memref<!tpu.dma_semaphore, #tpu.memory_space<semaphore_mem>>) src(%dma_wait3A_1004 : memref<240x256xf32, #tpu.memory_space<hbm>>) dst(%dma_wait3A_1002 : memref<240x256xf32, #tpu.memory_space<vmem_shared>>)
    %add3A_1005 = arith.constant 1680 : i32
    %add3A_1006 = arith.addi %multiple_of3A, %add3A_1005 : i32
    %dma_start3A_1007 = arith.constant 0 : i32
    %dma_start3A_1008 = arith.constant 0 : i32
    %dma_start3A_1009 = tpu.memref_slice %arg7[%dma_start3A_1008] : memref<2x!tpu.dma_semaphore, #tpu.memory_space<semaphore_mem>> -> memref<1x!tpu.dma_semaphore, #tpu.memory_space<semaphore_mem>>
    %dma_start3A_1010 = tpu.memref_squeeze %dma_start3A_1009 : memref<1x!tpu.dma_semaphore, #tpu.memory_space<semaphore_mem>> -> memref<!tpu.dma_semaphore, #tpu.memory_space<semaphore_mem>>
    %dma_start3A_1011 = arith.constant 0 : i32
    %dma_start3A_1012 = tpu.memref_slice %arg4[%add3A_1006, %dma_start3A_1011] : memref<100000x512xf32, #tpu.memory_space<hbm>> -> memref<240x256xf32, #tpu.memory_space<hbm>>
    %dma_start3A_1013 = arith.constant 0 : i32
    %dma_start3A_1014 = arith.constant 0 : i32
    %dma_start3A_1015 = arith.constant 0 : i32
    %dma_start3A_1016 = tpu.memref_slice %arg5[%arg1, %dma_start3A_1013, %dma_start3A_1014, %dma_start3A_1015] : memref<16x2x240x256xf32, #tpu.memory_space<vmem_shared>> -> memref<1x2x240x256xf32, #tpu.memory_space<vmem_shared>>
    %dma_start3A_1017 = tpu.memref_squeeze %dma_start3A_1016 : memref<1x2x240x256xf32, #tpu.memory_space<vmem_shared>> -> memref<2x240x256xf32, #tpu.memory_space<vmem_shared>>
    %dma_start3A_1018 = arith.constant 0 : i32
    %dma_start3A_1019 = arith.constant 0 : i32
    %dma_start3A_1020 = tpu.memref_slice %dma_start3A_1017[%dma_start3A_1007, %dma_start3A_1018, %dma_start3A_1019] : memref<2x240x256xf32, #tpu.memory_space<vmem_shared>> -> memref<1x240x256xf32, #tpu.memory_space<vmem_shared>>
    %dma_start3A_1021 = tpu.memref_squeeze %dma_start3A_1020 : memref<1x240x256xf32, #tpu.memory_space<vmem_shared>> -> memref<240x256xf32, #tpu.memory_space<vmem_shared>>
    tpu.enqueue_dma source(%dma_start3A_1021 : memref<240x256xf32, #tpu.memory_space<vmem_shared>>) target(%dma_start3A_1012 : memref<240x256xf32, #tpu.memory_space<hbm>>) target_semaphore(%dma_start3A_1010 : memref<!tpu.dma_semaphore, #tpu.memory_space<semaphore_mem>>)
    %add3A_1022 = arith.constant 1680 : i32
    %add3A_1023 = arith.addi %multiple_of3A, %add3A_1022 : i32
    %dma_wait3A_1024 = arith.constant 0 : i32
    %dma_wait3A_1025 = arith.constant 0 : i32
    %dma_wait3A_1026 = tpu.memref_slice %arg7[%dma_wait3A_1025] : memref<2x!tpu.dma_semaphore, #tpu.memory_space<semaphore_mem>> -> memref<1x!tpu.dma_semaphore, #tpu.memory_space<semaphore_mem>>
    %dma_wait3A_1027 = tpu.memref_squeeze %dma_wait3A_1026 : memref<1x!tpu.dma_semaphore, #tpu.memory_space<semaphore_mem>> -> memref<!tpu.dma_semaphore, #tpu.memory_space<semaphore_mem>>
    %dma_wait3A_1028 = arith.constant 0 : i32
    %dma_wait3A_1029 = tpu.memref_slice %arg4[%add3A_1023, %dma_wait3A_1028] : memref<100000x512xf32, #tpu.memory_space<hbm>> -> memref<240x256xf32, #tpu.memory_space<hbm>>
    %dma_wait3A_1030 = arith.constant 0 : i32
    %dma_wait3A_1031 = arith.constant 0 : i32
    %dma_wait3A_1032 = arith.constant 0 : i32
    %dma_wait3A_1033 = tpu.memref_slice %arg5[%arg1, %dma_wait3A_1030, %dma_wait3A_1031, %dma_wait3A_1032] : memref<16x2x240x256xf32, #tpu.memory_space<vmem_shared>> -> memref<1x2x240x256xf32, #tpu.memory_space<vmem_shared>>
    %dma_wait3A_1034 = tpu.memref_squeeze %dma_wait3A_1033 : memref<1x2x240x256xf32, #tpu.memory_space<vmem_shared>> -> memref<2x240x256xf32, #tpu.memory_space<vmem_shared>>
    %dma_wait3A_1035 = arith.constant 0 : i32
    %dma_wait3A_1036 = arith.constant 0 : i32
    %dma_wait3A_1037 = tpu.memref_slice %dma_wait3A_1034[%dma_wait3A_1024, %dma_wait3A_1035, %dma_wait3A_1036] : memref<2x240x256xf32, #tpu.memory_space<vmem_shared>> -> memref<1x240x256xf32, #tpu.memory_space<vmem_shared>>
    %dma_wait3A_1038 = tpu.memref_squeeze %dma_wait3A_1037 : memref<1x240x256xf32, #tpu.memory_space<vmem_shared>> -> memref<240x256xf32, #tpu.memory_space<vmem_shared>>
    tpu.wait_dma2 semaphore(%dma_wait3A_1027 : memref<!tpu.dma_semaphore, #tpu.memory_space<semaphore_mem>>) src(%dma_wait3A_1038 : memref<240x256xf32, #tpu.memory_space<vmem_shared>>) dst(%dma_wait3A_1029 : memref<240x256xf32, #tpu.memory_space<hbm>>)
    %add3A_1039 = arith.constant 1920 : i32
    %add3A_1040 = arith.addi %multiple_of3A, %add3A_1039 : i32
    %dma_start3A_1041 = arith.constant 0 : i32
    %dma_start3A_1042 = arith.constant 0 : i32
    %dma_start3A_1043 = tpu.memref_slice %arg6[%dma_start3A_1042] : memref<2x!tpu.dma_semaphore, #tpu.memory_space<semaphore_mem>> -> memref<1x!tpu.dma_semaphore, #tpu.memory_space<semaphore_mem>>
    %dma_start3A_1044 = tpu.memref_squeeze %dma_start3A_1043 : memref<1x!tpu.dma_semaphore, #tpu.memory_space<semaphore_mem>> -> memref<!tpu.dma_semaphore, #tpu.memory_space<semaphore_mem>>
    %dma_start3A_1045 = arith.constant 0 : i32
    %dma_start3A_1046 = arith.constant 0 : i32
    %dma_start3A_1047 = arith.constant 0 : i32
    %dma_start3A_1048 = tpu.memref_slice %arg5[%arg1, %dma_start3A_1045, %dma_start3A_1046, %dma_start3A_1047] : memref<16x2x240x256xf32, #tpu.memory_space<vmem_shared>> -> memref<1x2x240x256xf32, #tpu.memory_space<vmem_shared>>
    %dma_start3A_1049 = tpu.memref_squeeze %dma_start3A_1048 : memref<1x2x240x256xf32, #tpu.memory_space<vmem_shared>> -> memref<2x240x256xf32, #tpu.memory_space<vmem_shared>>
    %dma_start3A_1050 = arith.constant 0 : i32
    %dma_start3A_1051 = arith.constant 0 : i32
    %dma_start3A_1052 = tpu.memref_slice %dma_start3A_1049[%dma_start3A_1041, %dma_start3A_1050, %dma_start3A_1051] : memref<2x240x256xf32, #tpu.memory_space<vmem_shared>> -> memref<1x240x256xf32, #tpu.memory_space<vmem_shared>>
    %dma_start3A_1053 = tpu.memref_squeeze %dma_start3A_1052 : memref<1x240x256xf32, #tpu.memory_space<vmem_shared>> -> memref<240x256xf32, #tpu.memory_space<vmem_shared>>
    %dma_start3A_1054 = arith.constant 0 : i32
    %dma_start3A_1055 = tpu.memref_slice %arg2[%add3A_1040, %dma_start3A_1054] : memref<100000x256xf32, #tpu.memory_space<hbm>> -> memref<240x256xf32, #tpu.memory_space<hbm>>
    tpu.enqueue_dma source(%dma_start3A_1055 : memref<240x256xf32, #tpu.memory_space<hbm>>) target(%dma_start3A_1053 : memref<240x256xf32, #tpu.memory_space<vmem_shared>>) target_semaphore(%dma_start3A_1044 : memref<!tpu.dma_semaphore, #tpu.memory_space<semaphore_mem>>)
    %add3A_1056 = arith.constant 1680 : i32
    %add3A_1057 = arith.addi %multiple_of3A, %add3A_1056 : i32
    %dma_wait3A_1058 = arith.constant 1 : i32
    %dma_wait3A_1059 = arith.constant 1 : i32
    %dma_wait3A_1060 = tpu.memref_slice %arg6[%dma_wait3A_1059] : memref<2x!tpu.dma_semaphore, #tpu.memory_space<semaphore_mem>> -> memref<1x!tpu.dma_semaphore, #tpu.memory_space<semaphore_mem>>
    %dma_wait3A_1061 = tpu.memref_squeeze %dma_wait3A_1060 : memref<1x!tpu.dma_semaphore, #tpu.memory_space<semaphore_mem>> -> memref<!tpu.dma_semaphore, #tpu.memory_space<semaphore_mem>>
    %dma_wait3A_1062 = arith.constant 0 : i32
    %dma_wait3A_1063 = arith.constant 0 : i32
    %dma_wait3A_1064 = arith.constant 0 : i32
    %dma_wait3A_1065 = tpu.memref_slice %arg5[%arg1, %dma_wait3A_1062, %dma_wait3A_1063, %dma_wait3A_1064] : memref<16x2x240x256xf32, #tpu.memory_space<vmem_shared>> -> memref<1x2x240x256xf32, #tpu.memory_space<vmem_shared>>
    %dma_wait3A_1066 = tpu.memref_squeeze %dma_wait3A_1065 : memref<1x2x240x256xf32, #tpu.memory_space<vmem_shared>> -> memref<2x240x256xf32, #tpu.memory_space<vmem_shared>>
    %dma_wait3A_1067 = arith.constant 0 : i32
    %dma_wait3A_1068 = arith.constant 0 : i32
    %dma_wait3A_1069 = tpu.memref_slice %dma_wait3A_1066[%dma_wait3A_1058, %dma_wait3A_1067, %dma_wait3A_1068] : memref<2x240x256xf32, #tpu.memory_space<vmem_shared>> -> memref<1x240x256xf32, #tpu.memory_space<vmem_shared>>
    %dma_wait3A_1070 = tpu.memref_squeeze %dma_wait3A_1069 : memref<1x240x256xf32, #tpu.memory_space<vmem_shared>> -> memref<240x256xf32, #tpu.memory_space<vmem_shared>>
    %dma_wait3A_1071 = arith.constant 0 : i32
    %dma_wait3A_1072 = tpu.memref_slice %arg3[%add3A_1057, %dma_wait3A_1071] : memref<100000x256xf32, #tpu.memory_space<hbm>> -> memref<240x256xf32, #tpu.memory_space<hbm>>
    tpu.wait_dma2 semaphore(%dma_wait3A_1061 : memref<!tpu.dma_semaphore, #tpu.memory_space<semaphore_mem>>) src(%dma_wait3A_1072 : memref<240x256xf32, #tpu.memory_space<hbm>>) dst(%dma_wait3A_1070 : memref<240x256xf32, #tpu.memory_space<vmem_shared>>)
    %add3A_1073 = arith.constant 1680 : i32
    %add3A_1074 = arith.addi %multiple_of3A, %add3A_1073 : i32
    %dma_start3A_1075 = arith.constant 1 : i32
    %dma_start3A_1076 = arith.constant 1 : i32
    %dma_start3A_1077 = tpu.memref_slice %arg7[%dma_start3A_1076] : memref<2x!tpu.dma_semaphore, #tpu.memory_space<semaphore_mem>> -> memref<1x!tpu.dma_semaphore, #tpu.memory_space<semaphore_mem>>
    %dma_start3A_1078 = tpu.memref_squeeze %dma_start3A_1077 : memref<1x!tpu.dma_semaphore, #tpu.memory_space<semaphore_mem>> -> memref<!tpu.dma_semaphore, #tpu.memory_space<semaphore_mem>>
    %dma_start3A_1079 = arith.constant 256 : i32
    %dma_start3A_1080 = tpu.memref_slice %arg4[%add3A_1074, %dma_start3A_1079] : memref<100000x512xf32, #tpu.memory_space<hbm>> -> memref<240x256xf32, #tpu.memory_space<hbm>>
    %dma_start3A_1081 = arith.constant 0 : i32
    %dma_start3A_1082 = arith.constant 0 : i32
    %dma_start3A_1083 = arith.constant 0 : i32
    %dma_start3A_1084 = tpu.memref_slice %arg5[%arg1, %dma_start3A_1081, %dma_start3A_1082, %dma_start3A_1083] : memref<16x2x240x256xf32, #tpu.memory_space<vmem_shared>> -> memref<1x2x240x256xf32, #tpu.memory_space<vmem_shared>>
    %dma_start3A_1085 = tpu.memref_squeeze %dma_start3A_1084 : memref<1x2x240x256xf32, #tpu.memory_space<vmem_shared>> -> memref<2x240x256xf32, #tpu.memory_space<vmem_shared>>
    %dma_start3A_1086 = arith.constant 0 : i32
    %dma_start3A_1087 = arith.constant 0 : i32
    %dma_start3A_1088 = tpu.memref_slice %dma_start3A_1085[%dma_start3A_1075, %dma_start3A_1086, %dma_start3A_1087] : memref<2x240x256xf32, #tpu.memory_space<vmem_shared>> -> memref<1x240x256xf32, #tpu.memory_space<vmem_shared>>
    %dma_start3A_1089 = tpu.memref_squeeze %dma_start3A_1088 : memref<1x240x256xf32, #tpu.memory_space<vmem_shared>> -> memref<240x256xf32, #tpu.memory_space<vmem_shared>>
    tpu.enqueue_dma source(%dma_start3A_1089 : memref<240x256xf32, #tpu.memory_space<vmem_shared>>) target(%dma_start3A_1080 : memref<240x256xf32, #tpu.memory_space<hbm>>) target_semaphore(%dma_start3A_1078 : memref<!tpu.dma_semaphore, #tpu.memory_space<semaphore_mem>>)
    %add3A_1090 = arith.constant 1680 : i32
    %add3A_1091 = arith.addi %multiple_of3A, %add3A_1090 : i32
    %dma_wait3A_1092 = arith.constant 1 : i32
    %dma_wait3A_1093 = arith.constant 1 : i32
    %dma_wait3A_1094 = tpu.memref_slice %arg7[%dma_wait3A_1093] : memref<2x!tpu.dma_semaphore, #tpu.memory_space<semaphore_mem>> -> memref<1x!tpu.dma_semaphore, #tpu.memory_space<semaphore_mem>>
    %dma_wait3A_1095 = tpu.memref_squeeze %dma_wait3A_1094 : memref<1x!tpu.dma_semaphore, #tpu.memory_space<semaphore_mem>> -> memref<!tpu.dma_semaphore, #tpu.memory_space<semaphore_mem>>
    %dma_wait3A_1096 = arith.constant 256 : i32
    %dma_wait3A_1097 = tpu.memref_slice %arg4[%add3A_1091, %dma_wait3A_1096] : memref<100000x512xf32, #tpu.memory_space<hbm>> -> memref<240x256xf32, #tpu.memory_space<hbm>>
    %dma_wait3A_1098 = arith.constant 0 : i32
    %dma_wait3A_1099 = arith.constant 0 : i32
    %dma_wait3A_1100 = arith.constant 0 : i32
    %dma_wait3A_1101 = tpu.memref_slice %arg5[%arg1, %dma_wait3A_1098, %dma_wait3A_1099, %dma_wait3A_1100] : memref<16x2x240x256xf32, #tpu.memory_space<vmem_shared>> -> memref<1x2x240x256xf32, #tpu.memory_space<vmem_shared>>
    %dma_wait3A_1102 = tpu.memref_squeeze %dma_wait3A_1101 : memref<1x2x240x256xf32, #tpu.memory_space<vmem_shared>> -> memref<2x240x256xf32, #tpu.memory_space<vmem_shared>>
    %dma_wait3A_1103 = arith.constant 0 : i32
    %dma_wait3A_1104 = arith.constant 0 : i32
    %dma_wait3A_1105 = tpu.memref_slice %dma_wait3A_1102[%dma_wait3A_1092, %dma_wait3A_1103, %dma_wait3A_1104] : memref<2x240x256xf32, #tpu.memory_space<vmem_shared>> -> memref<1x240x256xf32, #tpu.memory_space<vmem_shared>>
    %dma_wait3A_1106 = tpu.memref_squeeze %dma_wait3A_1105 : memref<1x240x256xf32, #tpu.memory_space<vmem_shared>> -> memref<240x256xf32, #tpu.memory_space<vmem_shared>>
    tpu.wait_dma2 semaphore(%dma_wait3A_1095 : memref<!tpu.dma_semaphore, #tpu.memory_space<semaphore_mem>>) src(%dma_wait3A_1106 : memref<240x256xf32, #tpu.memory_space<vmem_shared>>) dst(%dma_wait3A_1097 : memref<240x256xf32, #tpu.memory_space<hbm>>)
    %add3A_1107 = arith.constant 1920 : i32
    %add3A_1108 = arith.addi %multiple_of3A, %add3A_1107 : i32
    %dma_start3A_1109 = arith.constant 1 : i32
    %dma_start3A_1110 = arith.constant 1 : i32
    %dma_start3A_1111 = tpu.memref_slice %arg6[%dma_start3A_1110] : memref<2x!tpu.dma_semaphore, #tpu.memory_space<semaphore_mem>> -> memref<1x!tpu.dma_semaphore, #tpu.memory_space<semaphore_mem>>
    %dma_start3A_1112 = tpu.memref_squeeze %dma_start3A_1111 : memref<1x!tpu.dma_semaphore, #tpu.memory_space<semaphore_mem>> -> memref<!tpu.dma_semaphore, #tpu.memory_space<semaphore_mem>>
    %dma_start3A_1113 = arith.constant 0 : i32
    %dma_start3A_1114 = arith.constant 0 : i32
    %dma_start3A_1115 = arith.constant 0 : i32
    %dma_start3A_1116 = tpu.memref_slice %arg5[%arg1, %dma_start3A_1113, %dma_start3A_1114, %dma_start3A_1115] : memref<16x2x240x256xf32, #tpu.memory_space<vmem_shared>> -> memref<1x2x240x256xf32, #tpu.memory_space<vmem_shared>>
    %dma_start3A_1117 = tpu.memref_squeeze %dma_start3A_1116 : memref<1x2x240x256xf32, #tpu.memory_space<vmem_shared>> -> memref<2x240x256xf32, #tpu.memory_space<vmem_shared>>
    %dma_start3A_1118 = arith.constant 0 : i32
    %dma_start3A_1119 = arith.constant 0 : i32
    %dma_start3A_1120 = tpu.memref_slice %dma_start3A_1117[%dma_start3A_1109, %dma_start3A_1118, %dma_start3A_1119] : memref<2x240x256xf32, #tpu.memory_space<vmem_shared>> -> memref<1x240x256xf32, #tpu.memory_space<vmem_shared>>
    %dma_start3A_1121 = tpu.memref_squeeze %dma_start3A_1120 : memref<1x240x256xf32, #tpu.memory_space<vmem_shared>> -> memref<240x256xf32, #tpu.memory_space<vmem_shared>>
    %dma_start3A_1122 = arith.constant 0 : i32
    %dma_start3A_1123 = tpu.memref_slice %arg3[%add3A_1108, %dma_start3A_1122] : memref<100000x256xf32, #tpu.memory_space<hbm>> -> memref<240x256xf32, #tpu.memory_space<hbm>>
    tpu.enqueue_dma source(%dma_start3A_1123 : memref<240x256xf32, #tpu.memory_space<hbm>>) target(%dma_start3A_1121 : memref<240x256xf32, #tpu.memory_space<vmem_shared>>) target_semaphore(%dma_start3A_1112 : memref<!tpu.dma_semaphore, #tpu.memory_space<semaphore_mem>>)
    %add3A_1124 = arith.constant 1920 : i32
    %add3A_1125 = arith.addi %multiple_of3A, %add3A_1124 : i32
    %dma_wait3A_1126 = arith.constant 0 : i32
    %dma_wait3A_1127 = arith.constant 0 : i32
    %dma_wait3A_1128 = tpu.memref_slice %arg6[%dma_wait3A_1127] : memref<2x!tpu.dma_semaphore, #tpu.memory_space<semaphore_mem>> -> memref<1x!tpu.dma_semaphore, #tpu.memory_space<semaphore_mem>>
    %dma_wait3A_1129 = tpu.memref_squeeze %dma_wait3A_1128 : memref<1x!tpu.dma_semaphore, #tpu.memory_space<semaphore_mem>> -> memref<!tpu.dma_semaphore, #tpu.memory_space<semaphore_mem>>
    %dma_wait3A_1130 = arith.constant 0 : i32
    %dma_wait3A_1131 = arith.constant 0 : i32
    %dma_wait3A_1132 = arith.constant 0 : i32
    %dma_wait3A_1133 = tpu.memref_slice %arg5[%arg1, %dma_wait3A_1130, %dma_wait3A_1131, %dma_wait3A_1132] : memref<16x2x240x256xf32, #tpu.memory_space<vmem_shared>> -> memref<1x2x240x256xf32, #tpu.memory_space<vmem_shared>>
    %dma_wait3A_1134 = tpu.memref_squeeze %dma_wait3A_1133 : memref<1x2x240x256xf32, #tpu.memory_space<vmem_shared>> -> memref<2x240x256xf32, #tpu.memory_space<vmem_shared>>
    %dma_wait3A_1135 = arith.constant 0 : i32
    %dma_wait3A_1136 = arith.constant 0 : i32
    %dma_wait3A_1137 = tpu.memref_slice %dma_wait3A_1134[%dma_wait3A_1126, %dma_wait3A_1135, %dma_wait3A_1136] : memref<2x240x256xf32, #tpu.memory_space<vmem_shared>> -> memref<1x240x256xf32, #tpu.memory_space<vmem_shared>>
    %dma_wait3A_1138 = tpu.memref_squeeze %dma_wait3A_1137 : memref<1x240x256xf32, #tpu.memory_space<vmem_shared>> -> memref<240x256xf32, #tpu.memory_space<vmem_shared>>
    %dma_wait3A_1139 = arith.constant 0 : i32
    %dma_wait3A_1140 = tpu.memref_slice %arg2[%add3A_1125, %dma_wait3A_1139] : memref<100000x256xf32, #tpu.memory_space<hbm>> -> memref<240x256xf32, #tpu.memory_space<hbm>>
    tpu.wait_dma2 semaphore(%dma_wait3A_1129 : memref<!tpu.dma_semaphore, #tpu.memory_space<semaphore_mem>>) src(%dma_wait3A_1140 : memref<240x256xf32, #tpu.memory_space<hbm>>) dst(%dma_wait3A_1138 : memref<240x256xf32, #tpu.memory_space<vmem_shared>>)
    %add3A_1141 = arith.constant 1920 : i32
    %add3A_1142 = arith.addi %multiple_of3A, %add3A_1141 : i32
    %dma_start3A_1143 = arith.constant 0 : i32
    %dma_start3A_1144 = arith.constant 0 : i32
    %dma_start3A_1145 = tpu.memref_slice %arg7[%dma_start3A_1144] : memref<2x!tpu.dma_semaphore, #tpu.memory_space<semaphore_mem>> -> memref<1x!tpu.dma_semaphore, #tpu.memory_space<semaphore_mem>>
    %dma_start3A_1146 = tpu.memref_squeeze %dma_start3A_1145 : memref<1x!tpu.dma_semaphore, #tpu.memory_space<semaphore_mem>> -> memref<!tpu.dma_semaphore, #tpu.memory_space<semaphore_mem>>
    %dma_start3A_1147 = arith.constant 0 : i32
    %dma_start3A_1148 = tpu.memref_slice %arg4[%add3A_1142, %dma_start3A_1147] : memref<100000x512xf32, #tpu.memory_space<hbm>> -> memref<240x256xf32, #tpu.memory_space<hbm>>
    %dma_start3A_1149 = arith.constant 0 : i32
    %dma_start3A_1150 = arith.constant 0 : i32
    %dma_start3A_1151 = arith.constant 0 : i32
    %dma_start3A_1152 = tpu.memref_slice %arg5[%arg1, %dma_start3A_1149, %dma_start3A_1150, %dma_start3A_1151] : memref<16x2x240x256xf32, #tpu.memory_space<vmem_shared>> -> memref<1x2x240x256xf32, #tpu.memory_space<vmem_shared>>
    %dma_start3A_1153 = tpu.memref_squeeze %dma_start3A_1152 : memref<1x2x240x256xf32, #tpu.memory_space<vmem_shared>> -> memref<2x240x256xf32, #tpu.memory_space<vmem_shared>>
    %dma_start3A_1154 = arith.constant 0 : i32
    %dma_start3A_1155 = arith.constant 0 : i32
    %dma_start3A_1156 = tpu.memref_slice %dma_start3A_1153[%dma_start3A_1143, %dma_start3A_1154, %dma_start3A_1155] : memref<2x240x256xf32, #tpu.memory_space<vmem_shared>> -> memref<1x240x256xf32, #tpu.memory_space<vmem_shared>>
    %dma_start3A_1157 = tpu.memref_squeeze %dma_start3A_1156 : memref<1x240x256xf32, #tpu.memory_space<vmem_shared>> -> memref<240x256xf32, #tpu.memory_space<vmem_shared>>
    tpu.enqueue_dma source(%dma_start3A_1157 : memref<240x256xf32, #tpu.memory_space<vmem_shared>>) target(%dma_start3A_1148 : memref<240x256xf32, #tpu.memory_space<hbm>>) target_semaphore(%dma_start3A_1146 : memref<!tpu.dma_semaphore, #tpu.memory_space<semaphore_mem>>)
    %add3A_1158 = arith.constant 1920 : i32
    %add3A_1159 = arith.addi %multiple_of3A, %add3A_1158 : i32
    %dma_wait3A_1160 = arith.constant 0 : i32
    %dma_wait3A_1161 = arith.constant 0 : i32
    %dma_wait3A_1162 = tpu.memref_slice %arg7[%dma_wait3A_1161] : memref<2x!tpu.dma_semaphore, #tpu.memory_space<semaphore_mem>> -> memref<1x!tpu.dma_semaphore, #tpu.memory_space<semaphore_mem>>
    %dma_wait3A_1163 = tpu.memref_squeeze %dma_wait3A_1162 : memref<1x!tpu.dma_semaphore, #tpu.memory_space<semaphore_mem>> -> memref<!tpu.dma_semaphore, #tpu.memory_space<semaphore_mem>>
    %dma_wait3A_1164 = arith.constant 0 : i32
    %dma_wait3A_1165 = tpu.memref_slice %arg4[%add3A_1159, %dma_wait3A_1164] : memref<100000x512xf32, #tpu.memory_space<hbm>> -> memref<240x256xf32, #tpu.memory_space<hbm>>
    %dma_wait3A_1166 = arith.constant 0 : i32
    %dma_wait3A_1167 = arith.constant 0 : i32
    %dma_wait3A_1168 = arith.constant 0 : i32
    %dma_wait3A_1169 = tpu.memref_slice %arg5[%arg1, %dma_wait3A_1166, %dma_wait3A_1167, %dma_wait3A_1168] : memref<16x2x240x256xf32, #tpu.memory_space<vmem_shared>> -> memref<1x2x240x256xf32, #tpu.memory_space<vmem_shared>>
    %dma_wait3A_1170 = tpu.memref_squeeze %dma_wait3A_1169 : memref<1x2x240x256xf32, #tpu.memory_space<vmem_shared>> -> memref<2x240x256xf32, #tpu.memory_space<vmem_shared>>
    %dma_wait3A_1171 = arith.constant 0 : i32
    %dma_wait3A_1172 = arith.constant 0 : i32
    %dma_wait3A_1173 = tpu.memref_slice %dma_wait3A_1170[%dma_wait3A_1160, %dma_wait3A_1171, %dma_wait3A_1172] : memref<2x240x256xf32, #tpu.memory_space<vmem_shared>> -> memref<1x240x256xf32, #tpu.memory_space<vmem_shared>>
    %dma_wait3A_1174 = tpu.memref_squeeze %dma_wait3A_1173 : memref<1x240x256xf32, #tpu.memory_space<vmem_shared>> -> memref<240x256xf32, #tpu.memory_space<vmem_shared>>
    tpu.wait_dma2 semaphore(%dma_wait3A_1163 : memref<!tpu.dma_semaphore, #tpu.memory_space<semaphore_mem>>) src(%dma_wait3A_1174 : memref<240x256xf32, #tpu.memory_space<vmem_shared>>) dst(%dma_wait3A_1165 : memref<240x256xf32, #tpu.memory_space<hbm>>)
    %add3A_1175 = arith.constant 2160 : i32
    %add3A_1176 = arith.addi %multiple_of3A, %add3A_1175 : i32
    %dma_start3A_1177 = arith.constant 0 : i32
    %dma_start3A_1178 = arith.constant 0 : i32
    %dma_start3A_1179 = tpu.memref_slice %arg6[%dma_start3A_1178] : memref<2x!tpu.dma_semaphore, #tpu.memory_space<semaphore_mem>> -> memref<1x!tpu.dma_semaphore, #tpu.memory_space<semaphore_mem>>
    %dma_start3A_1180 = tpu.memref_squeeze %dma_start3A_1179 : memref<1x!tpu.dma_semaphore, #tpu.memory_space<semaphore_mem>> -> memref<!tpu.dma_semaphore, #tpu.memory_space<semaphore_mem>>
    %dma_start3A_1181 = arith.constant 0 : i32
    %dma_start3A_1182 = arith.constant 0 : i32
    %dma_start3A_1183 = arith.constant 0 : i32
    %dma_start3A_1184 = tpu.memref_slice %arg5[%arg1, %dma_start3A_1181, %dma_start3A_1182, %dma_start3A_1183] : memref<16x2x240x256xf32, #tpu.memory_space<vmem_shared>> -> memref<1x2x240x256xf32, #tpu.memory_space<vmem_shared>>
    %dma_start3A_1185 = tpu.memref_squeeze %dma_start3A_1184 : memref<1x2x240x256xf32, #tpu.memory_space<vmem_shared>> -> memref<2x240x256xf32, #tpu.memory_space<vmem_shared>>
    %dma_start3A_1186 = arith.constant 0 : i32
    %dma_start3A_1187 = arith.constant 0 : i32
    %dma_start3A_1188 = tpu.memref_slice %dma_start3A_1185[%dma_start3A_1177, %dma_start3A_1186, %dma_start3A_1187] : memref<2x240x256xf32, #tpu.memory_space<vmem_shared>> -> memref<1x240x256xf32, #tpu.memory_space<vmem_shared>>
    %dma_start3A_1189 = tpu.memref_squeeze %dma_start3A_1188 : memref<1x240x256xf32, #tpu.memory_space<vmem_shared>> -> memref<240x256xf32, #tpu.memory_space<vmem_shared>>
    %dma_start3A_1190 = arith.constant 0 : i32
    %dma_start3A_1191 = tpu.memref_slice %arg2[%add3A_1176, %dma_start3A_1190] : memref<100000x256xf32, #tpu.memory_space<hbm>> -> memref<240x256xf32, #tpu.memory_space<hbm>>
    tpu.enqueue_dma source(%dma_start3A_1191 : memref<240x256xf32, #tpu.memory_space<hbm>>) target(%dma_start3A_1189 : memref<240x256xf32, #tpu.memory_space<vmem_shared>>) target_semaphore(%dma_start3A_1180 : memref<!tpu.dma_semaphore, #tpu.memory_space<semaphore_mem>>)
    %add3A_1192 = arith.constant 1920 : i32
    %add3A_1193 = arith.addi %multiple_of3A, %add3A_1192 : i32
    %dma_wait3A_1194 = arith.constant 1 : i32
    %dma_wait3A_1195 = arith.constant 1 : i32
    %dma_wait3A_1196 = tpu.memref_slice %arg6[%dma_wait3A_1195] : memref<2x!tpu.dma_semaphore, #tpu.memory_space<semaphore_mem>> -> memref<1x!tpu.dma_semaphore, #tpu.memory_space<semaphore_mem>>
    %dma_wait3A_1197 = tpu.memref_squeeze %dma_wait3A_1196 : memref<1x!tpu.dma_semaphore, #tpu.memory_space<semaphore_mem>> -> memref<!tpu.dma_semaphore, #tpu.memory_space<semaphore_mem>>
    %dma_wait3A_1198 = arith.constant 0 : i32
    %dma_wait3A_1199 = arith.constant 0 : i32
    %dma_wait3A_1200 = arith.constant 0 : i32
    %dma_wait3A_1201 = tpu.memref_slice %arg5[%arg1, %dma_wait3A_1198, %dma_wait3A_1199, %dma_wait3A_1200] : memref<16x2x240x256xf32, #tpu.memory_space<vmem_shared>> -> memref<1x2x240x256xf32, #tpu.memory_space<vmem_shared>>
    %dma_wait3A_1202 = tpu.memref_squeeze %dma_wait3A_1201 : memref<1x2x240x256xf32, #tpu.memory_space<vmem_shared>> -> memref<2x240x256xf32, #tpu.memory_space<vmem_shared>>
    %dma_wait3A_1203 = arith.constant 0 : i32
    %dma_wait3A_1204 = arith.constant 0 : i32
    %dma_wait3A_1205 = tpu.memref_slice %dma_wait3A_1202[%dma_wait3A_1194, %dma_wait3A_1203, %dma_wait3A_1204] : memref<2x240x256xf32, #tpu.memory_space<vmem_shared>> -> memref<1x240x256xf32, #tpu.memory_space<vmem_shared>>
    %dma_wait3A_1206 = tpu.memref_squeeze %dma_wait3A_1205 : memref<1x240x256xf32, #tpu.memory_space<vmem_shared>> -> memref<240x256xf32, #tpu.memory_space<vmem_shared>>
    %dma_wait3A_1207 = arith.constant 0 : i32
    %dma_wait3A_1208 = tpu.memref_slice %arg3[%add3A_1193, %dma_wait3A_1207] : memref<100000x256xf32, #tpu.memory_space<hbm>> -> memref<240x256xf32, #tpu.memory_space<hbm>>
    tpu.wait_dma2 semaphore(%dma_wait3A_1197 : memref<!tpu.dma_semaphore, #tpu.memory_space<semaphore_mem>>) src(%dma_wait3A_1208 : memref<240x256xf32, #tpu.memory_space<hbm>>) dst(%dma_wait3A_1206 : memref<240x256xf32, #tpu.memory_space<vmem_shared>>)
    %add3A_1209 = arith.constant 1920 : i32
    %add3A_1210 = arith.addi %multiple_of3A, %add3A_1209 : i32
    %dma_start3A_1211 = arith.constant 1 : i32
    %dma_start3A_1212 = arith.constant 1 : i32
    %dma_start3A_1213 = tpu.memref_slice %arg7[%dma_start3A_1212] : memref<2x!tpu.dma_semaphore, #tpu.memory_space<semaphore_mem>> -> memref<1x!tpu.dma_semaphore, #tpu.memory_space<semaphore_mem>>
    %dma_start3A_1214 = tpu.memref_squeeze %dma_start3A_1213 : memref<1x!tpu.dma_semaphore, #tpu.memory_space<semaphore_mem>> -> memref<!tpu.dma_semaphore, #tpu.memory_space<semaphore_mem>>
    %dma_start3A_1215 = arith.constant 256 : i32
    %dma_start3A_1216 = tpu.memref_slice %arg4[%add3A_1210, %dma_start3A_1215] : memref<100000x512xf32, #tpu.memory_space<hbm>> -> memref<240x256xf32, #tpu.memory_space<hbm>>
    %dma_start3A_1217 = arith.constant 0 : i32
    %dma_start3A_1218 = arith.constant 0 : i32
    %dma_start3A_1219 = arith.constant 0 : i32
    %dma_start3A_1220 = tpu.memref_slice %arg5[%arg1, %dma_start3A_1217, %dma_start3A_1218, %dma_start3A_1219] : memref<16x2x240x256xf32, #tpu.memory_space<vmem_shared>> -> memref<1x2x240x256xf32, #tpu.memory_space<vmem_shared>>
    %dma_start3A_1221 = tpu.memref_squeeze %dma_start3A_1220 : memref<1x2x240x256xf32, #tpu.memory_space<vmem_shared>> -> memref<2x240x256xf32, #tpu.memory_space<vmem_shared>>
    %dma_start3A_1222 = arith.constant 0 : i32
    %dma_start3A_1223 = arith.constant 0 : i32
    %dma_start3A_1224 = tpu.memref_slice %dma_start3A_1221[%dma_start3A_1211, %dma_start3A_1222, %dma_start3A_1223] : memref<2x240x256xf32, #tpu.memory_space<vmem_shared>> -> memref<1x240x256xf32, #tpu.memory_space<vmem_shared>>
    %dma_start3A_1225 = tpu.memref_squeeze %dma_start3A_1224 : memref<1x240x256xf32, #tpu.memory_space<vmem_shared>> -> memref<240x256xf32, #tpu.memory_space<vmem_shared>>
    tpu.enqueue_dma source(%dma_start3A_1225 : memref<240x256xf32, #tpu.memory_space<vmem_shared>>) target(%dma_start3A_1216 : memref<240x256xf32, #tpu.memory_space<hbm>>) target_semaphore(%dma_start3A_1214 : memref<!tpu.dma_semaphore, #tpu.memory_space<semaphore_mem>>)
    %add3A_1226 = arith.constant 1920 : i32
    %add3A_1227 = arith.addi %multiple_of3A, %add3A_1226 : i32
    %dma_wait3A_1228 = arith.constant 1 : i32
    %dma_wait3A_1229 = arith.constant 1 : i32
    %dma_wait3A_1230 = tpu.memref_slice %arg7[%dma_wait3A_1229] : memref<2x!tpu.dma_semaphore, #tpu.memory_space<semaphore_mem>> -> memref<1x!tpu.dma_semaphore, #tpu.memory_space<semaphore_mem>>
    %dma_wait3A_1231 = tpu.memref_squeeze %dma_wait3A_1230 : memref<1x!tpu.dma_semaphore, #tpu.memory_space<semaphore_mem>> -> memref<!tpu.dma_semaphore, #tpu.memory_space<semaphore_mem>>
    %dma_wait3A_1232 = arith.constant 256 : i32
    %dma_wait3A_1233 = tpu.memref_slice %arg4[%add3A_1227, %dma_wait3A_1232] : memref<100000x512xf32, #tpu.memory_space<hbm>> -> memref<240x256xf32, #tpu.memory_space<hbm>>
    %dma_wait3A_1234 = arith.constant 0 : i32
    %dma_wait3A_1235 = arith.constant 0 : i32
    %dma_wait3A_1236 = arith.constant 0 : i32
    %dma_wait3A_1237 = tpu.memref_slice %arg5[%arg1, %dma_wait3A_1234, %dma_wait3A_1235, %dma_wait3A_1236] : memref<16x2x240x256xf32, #tpu.memory_space<vmem_shared>> -> memref<1x2x240x256xf32, #tpu.memory_space<vmem_shared>>
    %dma_wait3A_1238 = tpu.memref_squeeze %dma_wait3A_1237 : memref<1x2x240x256xf32, #tpu.memory_space<vmem_shared>> -> memref<2x240x256xf32, #tpu.memory_space<vmem_shared>>
    %dma_wait3A_1239 = arith.constant 0 : i32
    %dma_wait3A_1240 = arith.constant 0 : i32
    %dma_wait3A_1241 = tpu.memref_slice %dma_wait3A_1238[%dma_wait3A_1228, %dma_wait3A_1239, %dma_wait3A_1240] : memref<2x240x256xf32, #tpu.memory_space<vmem_shared>> -> memref<1x240x256xf32, #tpu.memory_space<vmem_shared>>
    %dma_wait3A_1242 = tpu.memref_squeeze %dma_wait3A_1241 : memref<1x240x256xf32, #tpu.memory_space<vmem_shared>> -> memref<240x256xf32, #tpu.memory_space<vmem_shared>>
    tpu.wait_dma2 semaphore(%dma_wait3A_1231 : memref<!tpu.dma_semaphore, #tpu.memory_space<semaphore_mem>>) src(%dma_wait3A_1242 : memref<240x256xf32, #tpu.memory_space<vmem_shared>>) dst(%dma_wait3A_1233 : memref<240x256xf32, #tpu.memory_space<hbm>>)
    %add3A_1243 = arith.constant 2160 : i32
    %add3A_1244 = arith.addi %multiple_of3A, %add3A_1243 : i32
    %dma_start3A_1245 = arith.constant 1 : i32
    %dma_start3A_1246 = arith.constant 1 : i32
    %dma_start3A_1247 = tpu.memref_slice %arg6[%dma_start3A_1246] : memref<2x!tpu.dma_semaphore, #tpu.memory_space<semaphore_mem>> -> memref<1x!tpu.dma_semaphore, #tpu.memory_space<semaphore_mem>>
    %dma_start3A_1248 = tpu.memref_squeeze %dma_start3A_1247 : memref<1x!tpu.dma_semaphore, #tpu.memory_space<semaphore_mem>> -> memref<!tpu.dma_semaphore, #tpu.memory_space<semaphore_mem>>
    %dma_start3A_1249 = arith.constant 0 : i32
    %dma_start3A_1250 = arith.constant 0 : i32
    %dma_start3A_1251 = arith.constant 0 : i32
    %dma_start3A_1252 = tpu.memref_slice %arg5[%arg1, %dma_start3A_1249, %dma_start3A_1250, %dma_start3A_1251] : memref<16x2x240x256xf32, #tpu.memory_space<vmem_shared>> -> memref<1x2x240x256xf32, #tpu.memory_space<vmem_shared>>
    %dma_start3A_1253 = tpu.memref_squeeze %dma_start3A_1252 : memref<1x2x240x256xf32, #tpu.memory_space<vmem_shared>> -> memref<2x240x256xf32, #tpu.memory_space<vmem_shared>>
    %dma_start3A_1254 = arith.constant 0 : i32
    %dma_start3A_1255 = arith.constant 0 : i32
    %dma_start3A_1256 = tpu.memref_slice %dma_start3A_1253[%dma_start3A_1245, %dma_start3A_1254, %dma_start3A_1255] : memref<2x240x256xf32, #tpu.memory_space<vmem_shared>> -> memref<1x240x256xf32, #tpu.memory_space<vmem_shared>>
    %dma_start3A_1257 = tpu.memref_squeeze %dma_start3A_1256 : memref<1x240x256xf32, #tpu.memory_space<vmem_shared>> -> memref<240x256xf32, #tpu.memory_space<vmem_shared>>
    %dma_start3A_1258 = arith.constant 0 : i32
    %dma_start3A_1259 = tpu.memref_slice %arg3[%add3A_1244, %dma_start3A_1258] : memref<100000x256xf32, #tpu.memory_space<hbm>> -> memref<240x256xf32, #tpu.memory_space<hbm>>
    tpu.enqueue_dma source(%dma_start3A_1259 : memref<240x256xf32, #tpu.memory_space<hbm>>) target(%dma_start3A_1257 : memref<240x256xf32, #tpu.memory_space<vmem_shared>>) target_semaphore(%dma_start3A_1248 : memref<!tpu.dma_semaphore, #tpu.memory_space<semaphore_mem>>)
    %add3A_1260 = arith.constant 2160 : i32
    %add3A_1261 = arith.addi %multiple_of3A, %add3A_1260 : i32
    %dma_wait3A_1262 = arith.constant 0 : i32
    %dma_wait3A_1263 = arith.constant 0 : i32
    %dma_wait3A_1264 = tpu.memref_slice %arg6[%dma_wait3A_1263] : memref<2x!tpu.dma_semaphore, #tpu.memory_space<semaphore_mem>> -> memref<1x!tpu.dma_semaphore, #tpu.memory_space<semaphore_mem>>
    %dma_wait3A_1265 = tpu.memref_squeeze %dma_wait3A_1264 : memref<1x!tpu.dma_semaphore, #tpu.memory_space<semaphore_mem>> -> memref<!tpu.dma_semaphore, #tpu.memory_space<semaphore_mem>>
    %dma_wait3A_1266 = arith.constant 0 : i32
    %dma_wait3A_1267 = arith.constant 0 : i32
    %dma_wait3A_1268 = arith.constant 0 : i32
    %dma_wait3A_1269 = tpu.memref_slice %arg5[%arg1, %dma_wait3A_1266, %dma_wait3A_1267, %dma_wait3A_1268] : memref<16x2x240x256xf32, #tpu.memory_space<vmem_shared>> -> memref<1x2x240x256xf32, #tpu.memory_space<vmem_shared>>
    %dma_wait3A_1270 = tpu.memref_squeeze %dma_wait3A_1269 : memref<1x2x240x256xf32, #tpu.memory_space<vmem_shared>> -> memref<2x240x256xf32, #tpu.memory_space<vmem_shared>>
    %dma_wait3A_1271 = arith.constant 0 : i32
    %dma_wait3A_1272 = arith.constant 0 : i32
    %dma_wait3A_1273 = tpu.memref_slice %dma_wait3A_1270[%dma_wait3A_1262, %dma_wait3A_1271, %dma_wait3A_1272] : memref<2x240x256xf32, #tpu.memory_space<vmem_shared>> -> memref<1x240x256xf32, #tpu.memory_space<vmem_shared>>
    %dma_wait3A_1274 = tpu.memref_squeeze %dma_wait3A_1273 : memref<1x240x256xf32, #tpu.memory_space<vmem_shared>> -> memref<240x256xf32, #tpu.memory_space<vmem_shared>>
    %dma_wait3A_1275 = arith.constant 0 : i32
    %dma_wait3A_1276 = tpu.memref_slice %arg2[%add3A_1261, %dma_wait3A_1275] : memref<100000x256xf32, #tpu.memory_space<hbm>> -> memref<240x256xf32, #tpu.memory_space<hbm>>
    tpu.wait_dma2 semaphore(%dma_wait3A_1265 : memref<!tpu.dma_semaphore, #tpu.memory_space<semaphore_mem>>) src(%dma_wait3A_1276 : memref<240x256xf32, #tpu.memory_space<hbm>>) dst(%dma_wait3A_1274 : memref<240x256xf32, #tpu.memory_space<vmem_shared>>)
    %add3A_1277 = arith.constant 2160 : i32
    %add3A_1278 = arith.addi %multiple_of3A, %add3A_1277 : i32
    %dma_start3A_1279 = arith.constant 0 : i32
    %dma_start3A_1280 = arith.constant 0 : i32
    %dma_start3A_1281 = tpu.memref_slice %arg7[%dma_start3A_1280] : memref<2x!tpu.dma_semaphore, #tpu.memory_space<semaphore_mem>> -> memref<1x!tpu.dma_semaphore, #tpu.memory_space<semaphore_mem>>
    %dma_start3A_1282 = tpu.memref_squeeze %dma_start3A_1281 : memref<1x!tpu.dma_semaphore, #tpu.memory_space<semaphore_mem>> -> memref<!tpu.dma_semaphore, #tpu.memory_space<semaphore_mem>>
    %dma_start3A_1283 = arith.constant 0 : i32
    %dma_start3A_1284 = tpu.memref_slice %arg4[%add3A_1278, %dma_start3A_1283] : memref<100000x512xf32, #tpu.memory_space<hbm>> -> memref<240x256xf32, #tpu.memory_space<hbm>>
    %dma_start3A_1285 = arith.constant 0 : i32
    %dma_start3A_1286 = arith.constant 0 : i32
    %dma_start3A_1287 = arith.constant 0 : i32
    %dma_start3A_1288 = tpu.memref_slice %arg5[%arg1, %dma_start3A_1285, %dma_start3A_1286, %dma_start3A_1287] : memref<16x2x240x256xf32, #tpu.memory_space<vmem_shared>> -> memref<1x2x240x256xf32, #tpu.memory_space<vmem_shared>>
    %dma_start3A_1289 = tpu.memref_squeeze %dma_start3A_1288 : memref<1x2x240x256xf32, #tpu.memory_space<vmem_shared>> -> memref<2x240x256xf32, #tpu.memory_space<vmem_shared>>
    %dma_start3A_1290 = arith.constant 0 : i32
    %dma_start3A_1291 = arith.constant 0 : i32
    %dma_start3A_1292 = tpu.memref_slice %dma_start3A_1289[%dma_start3A_1279, %dma_start3A_1290, %dma_start3A_1291] : memref<2x240x256xf32, #tpu.memory_space<vmem_shared>> -> memref<1x240x256xf32, #tpu.memory_space<vmem_shared>>
    %dma_start3A_1293 = tpu.memref_squeeze %dma_start3A_1292 : memref<1x240x256xf32, #tpu.memory_space<vmem_shared>> -> memref<240x256xf32, #tpu.memory_space<vmem_shared>>
    tpu.enqueue_dma source(%dma_start3A_1293 : memref<240x256xf32, #tpu.memory_space<vmem_shared>>) target(%dma_start3A_1284 : memref<240x256xf32, #tpu.memory_space<hbm>>) target_semaphore(%dma_start3A_1282 : memref<!tpu.dma_semaphore, #tpu.memory_space<semaphore_mem>>)
    %add3A_1294 = arith.constant 2160 : i32
    %add3A_1295 = arith.addi %multiple_of3A, %add3A_1294 : i32
    %dma_wait3A_1296 = arith.constant 0 : i32
    %dma_wait3A_1297 = arith.constant 0 : i32
    %dma_wait3A_1298 = tpu.memref_slice %arg7[%dma_wait3A_1297] : memref<2x!tpu.dma_semaphore, #tpu.memory_space<semaphore_mem>> -> memref<1x!tpu.dma_semaphore, #tpu.memory_space<semaphore_mem>>
    %dma_wait3A_1299 = tpu.memref_squeeze %dma_wait3A_1298 : memref<1x!tpu.dma_semaphore, #tpu.memory_space<semaphore_mem>> -> memref<!tpu.dma_semaphore, #tpu.memory_space<semaphore_mem>>
    %dma_wait3A_1300 = arith.constant 0 : i32
    %dma_wait3A_1301 = tpu.memref_slice %arg4[%add3A_1295, %dma_wait3A_1300] : memref<100000x512xf32, #tpu.memory_space<hbm>> -> memref<240x256xf32, #tpu.memory_space<hbm>>
    %dma_wait3A_1302 = arith.constant 0 : i32
    %dma_wait3A_1303 = arith.constant 0 : i32
    %dma_wait3A_1304 = arith.constant 0 : i32
    %dma_wait3A_1305 = tpu.memref_slice %arg5[%arg1, %dma_wait3A_1302, %dma_wait3A_1303, %dma_wait3A_1304] : memref<16x2x240x256xf32, #tpu.memory_space<vmem_shared>> -> memref<1x2x240x256xf32, #tpu.memory_space<vmem_shared>>
    %dma_wait3A_1306 = tpu.memref_squeeze %dma_wait3A_1305 : memref<1x2x240x256xf32, #tpu.memory_space<vmem_shared>> -> memref<2x240x256xf32, #tpu.memory_space<vmem_shared>>
    %dma_wait3A_1307 = arith.constant 0 : i32
    %dma_wait3A_1308 = arith.constant 0 : i32
    %dma_wait3A_1309 = tpu.memref_slice %dma_wait3A_1306[%dma_wait3A_1296, %dma_wait3A_1307, %dma_wait3A_1308] : memref<2x240x256xf32, #tpu.memory_space<vmem_shared>> -> memref<1x240x256xf32, #tpu.memory_space<vmem_shared>>
    %dma_wait3A_1310 = tpu.memref_squeeze %dma_wait3A_1309 : memref<1x240x256xf32, #tpu.memory_space<vmem_shared>> -> memref<240x256xf32, #tpu.memory_space<vmem_shared>>
    tpu.wait_dma2 semaphore(%dma_wait3A_1299 : memref<!tpu.dma_semaphore, #tpu.memory_space<semaphore_mem>>) src(%dma_wait3A_1310 : memref<240x256xf32, #tpu.memory_space<vmem_shared>>) dst(%dma_wait3A_1301 : memref<240x256xf32, #tpu.memory_space<hbm>>)
    %add3A_1311 = arith.constant 2400 : i32
    %add3A_1312 = arith.addi %multiple_of3A, %add3A_1311 : i32
    %dma_start3A_1313 = arith.constant 0 : i32
    %dma_start3A_1314 = arith.constant 0 : i32
    %dma_start3A_1315 = tpu.memref_slice %arg6[%dma_start3A_1314] : memref<2x!tpu.dma_semaphore, #tpu.memory_space<semaphore_mem>> -> memref<1x!tpu.dma_semaphore, #tpu.memory_space<semaphore_mem>>
    %dma_start3A_1316 = tpu.memref_squeeze %dma_start3A_1315 : memref<1x!tpu.dma_semaphore, #tpu.memory_space<semaphore_mem>> -> memref<!tpu.dma_semaphore, #tpu.memory_space<semaphore_mem>>
    %dma_start3A_1317 = arith.constant 0 : i32
    %dma_start3A_1318 = arith.constant 0 : i32
    %dma_start3A_1319 = arith.constant 0 : i32
    %dma_start3A_1320 = tpu.memref_slice %arg5[%arg1, %dma_start3A_1317, %dma_start3A_1318, %dma_start3A_1319] : memref<16x2x240x256xf32, #tpu.memory_space<vmem_shared>> -> memref<1x2x240x256xf32, #tpu.memory_space<vmem_shared>>
    %dma_start3A_1321 = tpu.memref_squeeze %dma_start3A_1320 : memref<1x2x240x256xf32, #tpu.memory_space<vmem_shared>> -> memref<2x240x256xf32, #tpu.memory_space<vmem_shared>>
    %dma_start3A_1322 = arith.constant 0 : i32
    %dma_start3A_1323 = arith.constant 0 : i32
    %dma_start3A_1324 = tpu.memref_slice %dma_start3A_1321[%dma_start3A_1313, %dma_start3A_1322, %dma_start3A_1323] : memref<2x240x256xf32, #tpu.memory_space<vmem_shared>> -> memref<1x240x256xf32, #tpu.memory_space<vmem_shared>>
    %dma_start3A_1325 = tpu.memref_squeeze %dma_start3A_1324 : memref<1x240x256xf32, #tpu.memory_space<vmem_shared>> -> memref<240x256xf32, #tpu.memory_space<vmem_shared>>
    %dma_start3A_1326 = arith.constant 0 : i32
    %dma_start3A_1327 = tpu.memref_slice %arg2[%add3A_1312, %dma_start3A_1326] : memref<100000x256xf32, #tpu.memory_space<hbm>> -> memref<240x256xf32, #tpu.memory_space<hbm>>
    tpu.enqueue_dma source(%dma_start3A_1327 : memref<240x256xf32, #tpu.memory_space<hbm>>) target(%dma_start3A_1325 : memref<240x256xf32, #tpu.memory_space<vmem_shared>>) target_semaphore(%dma_start3A_1316 : memref<!tpu.dma_semaphore, #tpu.memory_space<semaphore_mem>>)
    %add3A_1328 = arith.constant 2160 : i32
    %add3A_1329 = arith.addi %multiple_of3A, %add3A_1328 : i32
    %dma_wait3A_1330 = arith.constant 1 : i32
    %dma_wait3A_1331 = arith.constant 1 : i32
    %dma_wait3A_1332 = tpu.memref_slice %arg6[%dma_wait3A_1331] : memref<2x!tpu.dma_semaphore, #tpu.memory_space<semaphore_mem>> -> memref<1x!tpu.dma_semaphore, #tpu.memory_space<semaphore_mem>>
    %dma_wait3A_1333 = tpu.memref_squeeze %dma_wait3A_1332 : memref<1x!tpu.dma_semaphore, #tpu.memory_space<semaphore_mem>> -> memref<!tpu.dma_semaphore, #tpu.memory_space<semaphore_mem>>
    %dma_wait3A_1334 = arith.constant 0 : i32
    %dma_wait3A_1335 = arith.constant 0 : i32
    %dma_wait3A_1336 = arith.constant 0 : i32
    %dma_wait3A_1337 = tpu.memref_slice %arg5[%arg1, %dma_wait3A_1334, %dma_wait3A_1335, %dma_wait3A_1336] : memref<16x2x240x256xf32, #tpu.memory_space<vmem_shared>> -> memref<1x2x240x256xf32, #tpu.memory_space<vmem_shared>>
    %dma_wait3A_1338 = tpu.memref_squeeze %dma_wait3A_1337 : memref<1x2x240x256xf32, #tpu.memory_space<vmem_shared>> -> memref<2x240x256xf32, #tpu.memory_space<vmem_shared>>
    %dma_wait3A_1339 = arith.constant 0 : i32
    %dma_wait3A_1340 = arith.constant 0 : i32
    %dma_wait3A_1341 = tpu.memref_slice %dma_wait3A_1338[%dma_wait3A_1330, %dma_wait3A_1339, %dma_wait3A_1340] : memref<2x240x256xf32, #tpu.memory_space<vmem_shared>> -> memref<1x240x256xf32, #tpu.memory_space<vmem_shared>>
    %dma_wait3A_1342 = tpu.memref_squeeze %dma_wait3A_1341 : memref<1x240x256xf32, #tpu.memory_space<vmem_shared>> -> memref<240x256xf32, #tpu.memory_space<vmem_shared>>
    %dma_wait3A_1343 = arith.constant 0 : i32
    %dma_wait3A_1344 = tpu.memref_slice %arg3[%add3A_1329, %dma_wait3A_1343] : memref<100000x256xf32, #tpu.memory_space<hbm>> -> memref<240x256xf32, #tpu.memory_space<hbm>>
    tpu.wait_dma2 semaphore(%dma_wait3A_1333 : memref<!tpu.dma_semaphore, #tpu.memory_space<semaphore_mem>>) src(%dma_wait3A_1344 : memref<240x256xf32, #tpu.memory_space<hbm>>) dst(%dma_wait3A_1342 : memref<240x256xf32, #tpu.memory_space<vmem_shared>>)
    %add3A_1345 = arith.constant 2160 : i32
    %add3A_1346 = arith.addi %multiple_of3A, %add3A_1345 : i32
    %dma_start3A_1347 = arith.constant 1 : i32
    %dma_start3A_1348 = arith.constant 1 : i32
    %dma_start3A_1349 = tpu.memref_slice %arg7[%dma_start3A_1348] : memref<2x!tpu.dma_semaphore, #tpu.memory_space<semaphore_mem>> -> memref<1x!tpu.dma_semaphore, #tpu.memory_space<semaphore_mem>>
    %dma_start3A_1350 = tpu.memref_squeeze %dma_start3A_1349 : memref<1x!tpu.dma_semaphore, #tpu.memory_space<semaphore_mem>> -> memref<!tpu.dma_semaphore, #tpu.memory_space<semaphore_mem>>
    %dma_start3A_1351 = arith.constant 256 : i32
    %dma_start3A_1352 = tpu.memref_slice %arg4[%add3A_1346, %dma_start3A_1351] : memref<100000x512xf32, #tpu.memory_space<hbm>> -> memref<240x256xf32, #tpu.memory_space<hbm>>
    %dma_start3A_1353 = arith.constant 0 : i32
    %dma_start3A_1354 = arith.constant 0 : i32
    %dma_start3A_1355 = arith.constant 0 : i32
    %dma_start3A_1356 = tpu.memref_slice %arg5[%arg1, %dma_start3A_1353, %dma_start3A_1354, %dma_start3A_1355] : memref<16x2x240x256xf32, #tpu.memory_space<vmem_shared>> -> memref<1x2x240x256xf32, #tpu.memory_space<vmem_shared>>
    %dma_start3A_1357 = tpu.memref_squeeze %dma_start3A_1356 : memref<1x2x240x256xf32, #tpu.memory_space<vmem_shared>> -> memref<2x240x256xf32, #tpu.memory_space<vmem_shared>>
    %dma_start3A_1358 = arith.constant 0 : i32
    %dma_start3A_1359 = arith.constant 0 : i32
    %dma_start3A_1360 = tpu.memref_slice %dma_start3A_1357[%dma_start3A_1347, %dma_start3A_1358, %dma_start3A_1359] : memref<2x240x256xf32, #tpu.memory_space<vmem_shared>> -> memref<1x240x256xf32, #tpu.memory_space<vmem_shared>>
    %dma_start3A_1361 = tpu.memref_squeeze %dma_start3A_1360 : memref<1x240x256xf32, #tpu.memory_space<vmem_shared>> -> memref<240x256xf32, #tpu.memory_space<vmem_shared>>
    tpu.enqueue_dma source(%dma_start3A_1361 : memref<240x256xf32, #tpu.memory_space<vmem_shared>>) target(%dma_start3A_1352 : memref<240x256xf32, #tpu.memory_space<hbm>>) target_semaphore(%dma_start3A_1350 : memref<!tpu.dma_semaphore, #tpu.memory_space<semaphore_mem>>)
    %add3A_1362 = arith.constant 2160 : i32
    %add3A_1363 = arith.addi %multiple_of3A, %add3A_1362 : i32
    %dma_wait3A_1364 = arith.constant 1 : i32
    %dma_wait3A_1365 = arith.constant 1 : i32
    %dma_wait3A_1366 = tpu.memref_slice %arg7[%dma_wait3A_1365] : memref<2x!tpu.dma_semaphore, #tpu.memory_space<semaphore_mem>> -> memref<1x!tpu.dma_semaphore, #tpu.memory_space<semaphore_mem>>
    %dma_wait3A_1367 = tpu.memref_squeeze %dma_wait3A_1366 : memref<1x!tpu.dma_semaphore, #tpu.memory_space<semaphore_mem>> -> memref<!tpu.dma_semaphore, #tpu.memory_space<semaphore_mem>>
    %dma_wait3A_1368 = arith.constant 256 : i32
    %dma_wait3A_1369 = tpu.memref_slice %arg4[%add3A_1363, %dma_wait3A_1368] : memref<100000x512xf32, #tpu.memory_space<hbm>> -> memref<240x256xf32, #tpu.memory_space<hbm>>
    %dma_wait3A_1370 = arith.constant 0 : i32
    %dma_wait3A_1371 = arith.constant 0 : i32
    %dma_wait3A_1372 = arith.constant 0 : i32
    %dma_wait3A_1373 = tpu.memref_slice %arg5[%arg1, %dma_wait3A_1370, %dma_wait3A_1371, %dma_wait3A_1372] : memref<16x2x240x256xf32, #tpu.memory_space<vmem_shared>> -> memref<1x2x240x256xf32, #tpu.memory_space<vmem_shared>>
    %dma_wait3A_1374 = tpu.memref_squeeze %dma_wait3A_1373 : memref<1x2x240x256xf32, #tpu.memory_space<vmem_shared>> -> memref<2x240x256xf32, #tpu.memory_space<vmem_shared>>
    %dma_wait3A_1375 = arith.constant 0 : i32
    %dma_wait3A_1376 = arith.constant 0 : i32
    %dma_wait3A_1377 = tpu.memref_slice %dma_wait3A_1374[%dma_wait3A_1364, %dma_wait3A_1375, %dma_wait3A_1376] : memref<2x240x256xf32, #tpu.memory_space<vmem_shared>> -> memref<1x240x256xf32, #tpu.memory_space<vmem_shared>>
    %dma_wait3A_1378 = tpu.memref_squeeze %dma_wait3A_1377 : memref<1x240x256xf32, #tpu.memory_space<vmem_shared>> -> memref<240x256xf32, #tpu.memory_space<vmem_shared>>
    tpu.wait_dma2 semaphore(%dma_wait3A_1367 : memref<!tpu.dma_semaphore, #tpu.memory_space<semaphore_mem>>) src(%dma_wait3A_1378 : memref<240x256xf32, #tpu.memory_space<vmem_shared>>) dst(%dma_wait3A_1369 : memref<240x256xf32, #tpu.memory_space<hbm>>)
    %add3A_1379 = arith.constant 2400 : i32
    %add3A_1380 = arith.addi %multiple_of3A, %add3A_1379 : i32
    %dma_start3A_1381 = arith.constant 1 : i32
    %dma_start3A_1382 = arith.constant 1 : i32
    %dma_start3A_1383 = tpu.memref_slice %arg6[%dma_start3A_1382] : memref<2x!tpu.dma_semaphore, #tpu.memory_space<semaphore_mem>> -> memref<1x!tpu.dma_semaphore, #tpu.memory_space<semaphore_mem>>
    %dma_start3A_1384 = tpu.memref_squeeze %dma_start3A_1383 : memref<1x!tpu.dma_semaphore, #tpu.memory_space<semaphore_mem>> -> memref<!tpu.dma_semaphore, #tpu.memory_space<semaphore_mem>>
    %dma_start3A_1385 = arith.constant 0 : i32
    %dma_start3A_1386 = arith.constant 0 : i32
    %dma_start3A_1387 = arith.constant 0 : i32
    %dma_start3A_1388 = tpu.memref_slice %arg5[%arg1, %dma_start3A_1385, %dma_start3A_1386, %dma_start3A_1387] : memref<16x2x240x256xf32, #tpu.memory_space<vmem_shared>> -> memref<1x2x240x256xf32, #tpu.memory_space<vmem_shared>>
    %dma_start3A_1389 = tpu.memref_squeeze %dma_start3A_1388 : memref<1x2x240x256xf32, #tpu.memory_space<vmem_shared>> -> memref<2x240x256xf32, #tpu.memory_space<vmem_shared>>
    %dma_start3A_1390 = arith.constant 0 : i32
    %dma_start3A_1391 = arith.constant 0 : i32
    %dma_start3A_1392 = tpu.memref_slice %dma_start3A_1389[%dma_start3A_1381, %dma_start3A_1390, %dma_start3A_1391] : memref<2x240x256xf32, #tpu.memory_space<vmem_shared>> -> memref<1x240x256xf32, #tpu.memory_space<vmem_shared>>
    %dma_start3A_1393 = tpu.memref_squeeze %dma_start3A_1392 : memref<1x240x256xf32, #tpu.memory_space<vmem_shared>> -> memref<240x256xf32, #tpu.memory_space<vmem_shared>>
    %dma_start3A_1394 = arith.constant 0 : i32
    %dma_start3A_1395 = tpu.memref_slice %arg3[%add3A_1380, %dma_start3A_1394] : memref<100000x256xf32, #tpu.memory_space<hbm>> -> memref<240x256xf32, #tpu.memory_space<hbm>>
    tpu.enqueue_dma source(%dma_start3A_1395 : memref<240x256xf32, #tpu.memory_space<hbm>>) target(%dma_start3A_1393 : memref<240x256xf32, #tpu.memory_space<vmem_shared>>) target_semaphore(%dma_start3A_1384 : memref<!tpu.dma_semaphore, #tpu.memory_space<semaphore_mem>>)
    %add3A_1396 = arith.constant 2400 : i32
    %add3A_1397 = arith.addi %multiple_of3A, %add3A_1396 : i32
    %dma_wait3A_1398 = arith.constant 0 : i32
    %dma_wait3A_1399 = arith.constant 0 : i32
    %dma_wait3A_1400 = tpu.memref_slice %arg6[%dma_wait3A_1399] : memref<2x!tpu.dma_semaphore, #tpu.memory_space<semaphore_mem>> -> memref<1x!tpu.dma_semaphore, #tpu.memory_space<semaphore_mem>>
    %dma_wait3A_1401 = tpu.memref_squeeze %dma_wait3A_1400 : memref<1x!tpu.dma_semaphore, #tpu.memory_space<semaphore_mem>> -> memref<!tpu.dma_semaphore, #tpu.memory_space<semaphore_mem>>
    %dma_wait3A_1402 = arith.constant 0 : i32
    %dma_wait3A_1403 = arith.constant 0 : i32
    %dma_wait3A_1404 = arith.constant 0 : i32
    %dma_wait3A_1405 = tpu.memref_slice %arg5[%arg1, %dma_wait3A_1402, %dma_wait3A_1403, %dma_wait3A_1404] : memref<16x2x240x256xf32, #tpu.memory_space<vmem_shared>> -> memref<1x2x240x256xf32, #tpu.memory_space<vmem_shared>>
    %dma_wait3A_1406 = tpu.memref_squeeze %dma_wait3A_1405 : memref<1x2x240x256xf32, #tpu.memory_space<vmem_shared>> -> memref<2x240x256xf32, #tpu.memory_space<vmem_shared>>
    %dma_wait3A_1407 = arith.constant 0 : i32
    %dma_wait3A_1408 = arith.constant 0 : i32
    %dma_wait3A_1409 = tpu.memref_slice %dma_wait3A_1406[%dma_wait3A_1398, %dma_wait3A_1407, %dma_wait3A_1408] : memref<2x240x256xf32, #tpu.memory_space<vmem_shared>> -> memref<1x240x256xf32, #tpu.memory_space<vmem_shared>>
    %dma_wait3A_1410 = tpu.memref_squeeze %dma_wait3A_1409 : memref<1x240x256xf32, #tpu.memory_space<vmem_shared>> -> memref<240x256xf32, #tpu.memory_space<vmem_shared>>
    %dma_wait3A_1411 = arith.constant 0 : i32
    %dma_wait3A_1412 = tpu.memref_slice %arg2[%add3A_1397, %dma_wait3A_1411] : memref<100000x256xf32, #tpu.memory_space<hbm>> -> memref<240x256xf32, #tpu.memory_space<hbm>>
    tpu.wait_dma2 semaphore(%dma_wait3A_1401 : memref<!tpu.dma_semaphore, #tpu.memory_space<semaphore_mem>>) src(%dma_wait3A_1412 : memref<240x256xf32, #tpu.memory_space<hbm>>) dst(%dma_wait3A_1410 : memref<240x256xf32, #tpu.memory_space<vmem_shared>>)
    %add3A_1413 = arith.constant 2400 : i32
    %add3A_1414 = arith.addi %multiple_of3A, %add3A_1413 : i32
    %dma_start3A_1415 = arith.constant 0 : i32
    %dma_start3A_1416 = arith.constant 0 : i32
    %dma_start3A_1417 = tpu.memref_slice %arg7[%dma_start3A_1416] : memref<2x!tpu.dma_semaphore, #tpu.memory_space<semaphore_mem>> -> memref<1x!tpu.dma_semaphore, #tpu.memory_space<semaphore_mem>>
    %dma_start3A_1418 = tpu.memref_squeeze %dma_start3A_1417 : memref<1x!tpu.dma_semaphore, #tpu.memory_space<semaphore_mem>> -> memref<!tpu.dma_semaphore, #tpu.memory_space<semaphore_mem>>
    %dma_start3A_1419 = arith.constant 0 : i32
    %dma_start3A_1420 = tpu.memref_slice %arg4[%add3A_1414, %dma_start3A_1419] : memref<100000x512xf32, #tpu.memory_space<hbm>> -> memref<240x256xf32, #tpu.memory_space<hbm>>
    %dma_start3A_1421 = arith.constant 0 : i32
    %dma_start3A_1422 = arith.constant 0 : i32
    %dma_start3A_1423 = arith.constant 0 : i32
    %dma_start3A_1424 = tpu.memref_slice %arg5[%arg1, %dma_start3A_1421, %dma_start3A_1422, %dma_start3A_1423] : memref<16x2x240x256xf32, #tpu.memory_space<vmem_shared>> -> memref<1x2x240x256xf32, #tpu.memory_space<vmem_shared>>
    %dma_start3A_1425 = tpu.memref_squeeze %dma_start3A_1424 : memref<1x2x240x256xf32, #tpu.memory_space<vmem_shared>> -> memref<2x240x256xf32, #tpu.memory_space<vmem_shared>>
    %dma_start3A_1426 = arith.constant 0 : i32
    %dma_start3A_1427 = arith.constant 0 : i32
    %dma_start3A_1428 = tpu.memref_slice %dma_start3A_1425[%dma_start3A_1415, %dma_start3A_1426, %dma_start3A_1427] : memref<2x240x256xf32, #tpu.memory_space<vmem_shared>> -> memref<1x240x256xf32, #tpu.memory_space<vmem_shared>>
    %dma_start3A_1429 = tpu.memref_squeeze %dma_start3A_1428 : memref<1x240x256xf32, #tpu.memory_space<vmem_shared>> -> memref<240x256xf32, #tpu.memory_space<vmem_shared>>
    tpu.enqueue_dma source(%dma_start3A_1429 : memref<240x256xf32, #tpu.memory_space<vmem_shared>>) target(%dma_start3A_1420 : memref<240x256xf32, #tpu.memory_space<hbm>>) target_semaphore(%dma_start3A_1418 : memref<!tpu.dma_semaphore, #tpu.memory_space<semaphore_mem>>)
    %add3A_1430 = arith.constant 2400 : i32
    %add3A_1431 = arith.addi %multiple_of3A, %add3A_1430 : i32
    %dma_wait3A_1432 = arith.constant 0 : i32
    %dma_wait3A_1433 = arith.constant 0 : i32
    %dma_wait3A_1434 = tpu.memref_slice %arg7[%dma_wait3A_1433] : memref<2x!tpu.dma_semaphore, #tpu.memory_space<semaphore_mem>> -> memref<1x!tpu.dma_semaphore, #tpu.memory_space<semaphore_mem>>
    %dma_wait3A_1435 = tpu.memref_squeeze %dma_wait3A_1434 : memref<1x!tpu.dma_semaphore, #tpu.memory_space<semaphore_mem>> -> memref<!tpu.dma_semaphore, #tpu.memory_space<semaphore_mem>>
    %dma_wait3A_1436 = arith.constant 0 : i32
    %dma_wait3A_1437 = tpu.memref_slice %arg4[%add3A_1431, %dma_wait3A_1436] : memref<100000x512xf32, #tpu.memory_space<hbm>> -> memref<240x256xf32, #tpu.memory_space<hbm>>
    %dma_wait3A_1438 = arith.constant 0 : i32
    %dma_wait3A_1439 = arith.constant 0 : i32
    %dma_wait3A_1440 = arith.constant 0 : i32
    %dma_wait3A_1441 = tpu.memref_slice %arg5[%arg1, %dma_wait3A_1438, %dma_wait3A_1439, %dma_wait3A_1440] : memref<16x2x240x256xf32, #tpu.memory_space<vmem_shared>> -> memref<1x2x240x256xf32, #tpu.memory_space<vmem_shared>>
    %dma_wait3A_1442 = tpu.memref_squeeze %dma_wait3A_1441 : memref<1x2x240x256xf32, #tpu.memory_space<vmem_shared>> -> memref<2x240x256xf32, #tpu.memory_space<vmem_shared>>
    %dma_wait3A_1443 = arith.constant 0 : i32
    %dma_wait3A_1444 = arith.constant 0 : i32
    %dma_wait3A_1445 = tpu.memref_slice %dma_wait3A_1442[%dma_wait3A_1432, %dma_wait3A_1443, %dma_wait3A_1444] : memref<2x240x256xf32, #tpu.memory_space<vmem_shared>> -> memref<1x240x256xf32, #tpu.memory_space<vmem_shared>>
    %dma_wait3A_1446 = tpu.memref_squeeze %dma_wait3A_1445 : memref<1x240x256xf32, #tpu.memory_space<vmem_shared>> -> memref<240x256xf32, #tpu.memory_space<vmem_shared>>
    tpu.wait_dma2 semaphore(%dma_wait3A_1435 : memref<!tpu.dma_semaphore, #tpu.memory_space<semaphore_mem>>) src(%dma_wait3A_1446 : memref<240x256xf32, #tpu.memory_space<vmem_shared>>) dst(%dma_wait3A_1437 : memref<240x256xf32, #tpu.memory_space<hbm>>)
    %add3A_1447 = arith.constant 2640 : i32
    %add3A_1448 = arith.addi %multiple_of3A, %add3A_1447 : i32
    %dma_start3A_1449 = arith.constant 0 : i32
    %dma_start3A_1450 = arith.constant 0 : i32
    %dma_start3A_1451 = tpu.memref_slice %arg6[%dma_start3A_1450] : memref<2x!tpu.dma_semaphore, #tpu.memory_space<semaphore_mem>> -> memref<1x!tpu.dma_semaphore, #tpu.memory_space<semaphore_mem>>
    %dma_start3A_1452 = tpu.memref_squeeze %dma_start3A_1451 : memref<1x!tpu.dma_semaphore, #tpu.memory_space<semaphore_mem>> -> memref<!tpu.dma_semaphore, #tpu.memory_space<semaphore_mem>>
    %dma_start3A_1453 = arith.constant 0 : i32
    %dma_start3A_1454 = arith.constant 0 : i32
    %dma_start3A_1455 = arith.constant 0 : i32
    %dma_start3A_1456 = tpu.memref_slice %arg5[%arg1, %dma_start3A_1453, %dma_start3A_1454, %dma_start3A_1455] : memref<16x2x240x256xf32, #tpu.memory_space<vmem_shared>> -> memref<1x2x240x256xf32, #tpu.memory_space<vmem_shared>>
    %dma_start3A_1457 = tpu.memref_squeeze %dma_start3A_1456 : memref<1x2x240x256xf32, #tpu.memory_space<vmem_shared>> -> memref<2x240x256xf32, #tpu.memory_space<vmem_shared>>
    %dma_start3A_1458 = arith.constant 0 : i32
    %dma_start3A_1459 = arith.constant 0 : i32
    %dma_start3A_1460 = tpu.memref_slice %dma_start3A_1457[%dma_start3A_1449, %dma_start3A_1458, %dma_start3A_1459] : memref<2x240x256xf32, #tpu.memory_space<vmem_shared>> -> memref<1x240x256xf32, #tpu.memory_space<vmem_shared>>
    %dma_start3A_1461 = tpu.memref_squeeze %dma_start3A_1460 : memref<1x240x256xf32, #tpu.memory_space<vmem_shared>> -> memref<240x256xf32, #tpu.memory_space<vmem_shared>>
    %dma_start3A_1462 = arith.constant 0 : i32
    %dma_start3A_1463 = tpu.memref_slice %arg2[%add3A_1448, %dma_start3A_1462] : memref<100000x256xf32, #tpu.memory_space<hbm>> -> memref<240x256xf32, #tpu.memory_space<hbm>>
    tpu.enqueue_dma source(%dma_start3A_1463 : memref<240x256xf32, #tpu.memory_space<hbm>>) target(%dma_start3A_1461 : memref<240x256xf32, #tpu.memory_space<vmem_shared>>) target_semaphore(%dma_start3A_1452 : memref<!tpu.dma_semaphore, #tpu.memory_space<semaphore_mem>>)
    %add3A_1464 = arith.constant 2400 : i32
    %add3A_1465 = arith.addi %multiple_of3A, %add3A_1464 : i32
    %dma_wait3A_1466 = arith.constant 1 : i32
    %dma_wait3A_1467 = arith.constant 1 : i32
    %dma_wait3A_1468 = tpu.memref_slice %arg6[%dma_wait3A_1467] : memref<2x!tpu.dma_semaphore, #tpu.memory_space<semaphore_mem>> -> memref<1x!tpu.dma_semaphore, #tpu.memory_space<semaphore_mem>>
    %dma_wait3A_1469 = tpu.memref_squeeze %dma_wait3A_1468 : memref<1x!tpu.dma_semaphore, #tpu.memory_space<semaphore_mem>> -> memref<!tpu.dma_semaphore, #tpu.memory_space<semaphore_mem>>
    %dma_wait3A_1470 = arith.constant 0 : i32
    %dma_wait3A_1471 = arith.constant 0 : i32
    %dma_wait3A_1472 = arith.constant 0 : i32
    %dma_wait3A_1473 = tpu.memref_slice %arg5[%arg1, %dma_wait3A_1470, %dma_wait3A_1471, %dma_wait3A_1472] : memref<16x2x240x256xf32, #tpu.memory_space<vmem_shared>> -> memref<1x2x240x256xf32, #tpu.memory_space<vmem_shared>>
    %dma_wait3A_1474 = tpu.memref_squeeze %dma_wait3A_1473 : memref<1x2x240x256xf32, #tpu.memory_space<vmem_shared>> -> memref<2x240x256xf32, #tpu.memory_space<vmem_shared>>
    %dma_wait3A_1475 = arith.constant 0 : i32
    %dma_wait3A_1476 = arith.constant 0 : i32
    %dma_wait3A_1477 = tpu.memref_slice %dma_wait3A_1474[%dma_wait3A_1466, %dma_wait3A_1475, %dma_wait3A_1476] : memref<2x240x256xf32, #tpu.memory_space<vmem_shared>> -> memref<1x240x256xf32, #tpu.memory_space<vmem_shared>>
    %dma_wait3A_1478 = tpu.memref_squeeze %dma_wait3A_1477 : memref<1x240x256xf32, #tpu.memory_space<vmem_shared>> -> memref<240x256xf32, #tpu.memory_space<vmem_shared>>
    %dma_wait3A_1479 = arith.constant 0 : i32
    %dma_wait3A_1480 = tpu.memref_slice %arg3[%add3A_1465, %dma_wait3A_1479] : memref<100000x256xf32, #tpu.memory_space<hbm>> -> memref<240x256xf32, #tpu.memory_space<hbm>>
    tpu.wait_dma2 semaphore(%dma_wait3A_1469 : memref<!tpu.dma_semaphore, #tpu.memory_space<semaphore_mem>>) src(%dma_wait3A_1480 : memref<240x256xf32, #tpu.memory_space<hbm>>) dst(%dma_wait3A_1478 : memref<240x256xf32, #tpu.memory_space<vmem_shared>>)
    %add3A_1481 = arith.constant 2400 : i32
    %add3A_1482 = arith.addi %multiple_of3A, %add3A_1481 : i32
    %dma_start3A_1483 = arith.constant 1 : i32
    %dma_start3A_1484 = arith.constant 1 : i32
    %dma_start3A_1485 = tpu.memref_slice %arg7[%dma_start3A_1484] : memref<2x!tpu.dma_semaphore, #tpu.memory_space<semaphore_mem>> -> memref<1x!tpu.dma_semaphore, #tpu.memory_space<semaphore_mem>>
    %dma_start3A_1486 = tpu.memref_squeeze %dma_start3A_1485 : memref<1x!tpu.dma_semaphore, #tpu.memory_space<semaphore_mem>> -> memref<!tpu.dma_semaphore, #tpu.memory_space<semaphore_mem>>
    %dma_start3A_1487 = arith.constant 256 : i32
    %dma_start3A_1488 = tpu.memref_slice %arg4[%add3A_1482, %dma_start3A_1487] : memref<100000x512xf32, #tpu.memory_space<hbm>> -> memref<240x256xf32, #tpu.memory_space<hbm>>
    %dma_start3A_1489 = arith.constant 0 : i32
    %dma_start3A_1490 = arith.constant 0 : i32
    %dma_start3A_1491 = arith.constant 0 : i32
    %dma_start3A_1492 = tpu.memref_slice %arg5[%arg1, %dma_start3A_1489, %dma_start3A_1490, %dma_start3A_1491] : memref<16x2x240x256xf32, #tpu.memory_space<vmem_shared>> -> memref<1x2x240x256xf32, #tpu.memory_space<vmem_shared>>
    %dma_start3A_1493 = tpu.memref_squeeze %dma_start3A_1492 : memref<1x2x240x256xf32, #tpu.memory_space<vmem_shared>> -> memref<2x240x256xf32, #tpu.memory_space<vmem_shared>>
    %dma_start3A_1494 = arith.constant 0 : i32
    %dma_start3A_1495 = arith.constant 0 : i32
    %dma_start3A_1496 = tpu.memref_slice %dma_start3A_1493[%dma_start3A_1483, %dma_start3A_1494, %dma_start3A_1495] : memref<2x240x256xf32, #tpu.memory_space<vmem_shared>> -> memref<1x240x256xf32, #tpu.memory_space<vmem_shared>>
    %dma_start3A_1497 = tpu.memref_squeeze %dma_start3A_1496 : memref<1x240x256xf32, #tpu.memory_space<vmem_shared>> -> memref<240x256xf32, #tpu.memory_space<vmem_shared>>
    tpu.enqueue_dma source(%dma_start3A_1497 : memref<240x256xf32, #tpu.memory_space<vmem_shared>>) target(%dma_start3A_1488 : memref<240x256xf32, #tpu.memory_space<hbm>>) target_semaphore(%dma_start3A_1486 : memref<!tpu.dma_semaphore, #tpu.memory_space<semaphore_mem>>)
    %add3A_1498 = arith.constant 2400 : i32
    %add3A_1499 = arith.addi %multiple_of3A, %add3A_1498 : i32
    %dma_wait3A_1500 = arith.constant 1 : i32
    %dma_wait3A_1501 = arith.constant 1 : i32
    %dma_wait3A_1502 = tpu.memref_slice %arg7[%dma_wait3A_1501] : memref<2x!tpu.dma_semaphore, #tpu.memory_space<semaphore_mem>> -> memref<1x!tpu.dma_semaphore, #tpu.memory_space<semaphore_mem>>
    %dma_wait3A_1503 = tpu.memref_squeeze %dma_wait3A_1502 : memref<1x!tpu.dma_semaphore, #tpu.memory_space<semaphore_mem>> -> memref<!tpu.dma_semaphore, #tpu.memory_space<semaphore_mem>>
    %dma_wait3A_1504 = arith.constant 256 : i32
    %dma_wait3A_1505 = tpu.memref_slice %arg4[%add3A_1499, %dma_wait3A_1504] : memref<100000x512xf32, #tpu.memory_space<hbm>> -> memref<240x256xf32, #tpu.memory_space<hbm>>
    %dma_wait3A_1506 = arith.constant 0 : i32
    %dma_wait3A_1507 = arith.constant 0 : i32
    %dma_wait3A_1508 = arith.constant 0 : i32
    %dma_wait3A_1509 = tpu.memref_slice %arg5[%arg1, %dma_wait3A_1506, %dma_wait3A_1507, %dma_wait3A_1508] : memref<16x2x240x256xf32, #tpu.memory_space<vmem_shared>> -> memref<1x2x240x256xf32, #tpu.memory_space<vmem_shared>>
    %dma_wait3A_1510 = tpu.memref_squeeze %dma_wait3A_1509 : memref<1x2x240x256xf32, #tpu.memory_space<vmem_shared>> -> memref<2x240x256xf32, #tpu.memory_space<vmem_shared>>
    %dma_wait3A_1511 = arith.constant 0 : i32
    %dma_wait3A_1512 = arith.constant 0 : i32
    %dma_wait3A_1513 = tpu.memref_slice %dma_wait3A_1510[%dma_wait3A_1500, %dma_wait3A_1511, %dma_wait3A_1512] : memref<2x240x256xf32, #tpu.memory_space<vmem_shared>> -> memref<1x240x256xf32, #tpu.memory_space<vmem_shared>>
    %dma_wait3A_1514 = tpu.memref_squeeze %dma_wait3A_1513 : memref<1x240x256xf32, #tpu.memory_space<vmem_shared>> -> memref<240x256xf32, #tpu.memory_space<vmem_shared>>
    tpu.wait_dma2 semaphore(%dma_wait3A_1503 : memref<!tpu.dma_semaphore, #tpu.memory_space<semaphore_mem>>) src(%dma_wait3A_1514 : memref<240x256xf32, #tpu.memory_space<vmem_shared>>) dst(%dma_wait3A_1505 : memref<240x256xf32, #tpu.memory_space<hbm>>)
    %add3A_1515 = arith.constant 2640 : i32
    %add3A_1516 = arith.addi %multiple_of3A, %add3A_1515 : i32
    %dma_start3A_1517 = arith.constant 1 : i32
    %dma_start3A_1518 = arith.constant 1 : i32
    %dma_start3A_1519 = tpu.memref_slice %arg6[%dma_start3A_1518] : memref<2x!tpu.dma_semaphore, #tpu.memory_space<semaphore_mem>> -> memref<1x!tpu.dma_semaphore, #tpu.memory_space<semaphore_mem>>
    %dma_start3A_1520 = tpu.memref_squeeze %dma_start3A_1519 : memref<1x!tpu.dma_semaphore, #tpu.memory_space<semaphore_mem>> -> memref<!tpu.dma_semaphore, #tpu.memory_space<semaphore_mem>>
    %dma_start3A_1521 = arith.constant 0 : i32
    %dma_start3A_1522 = arith.constant 0 : i32
    %dma_start3A_1523 = arith.constant 0 : i32
    %dma_start3A_1524 = tpu.memref_slice %arg5[%arg1, %dma_start3A_1521, %dma_start3A_1522, %dma_start3A_1523] : memref<16x2x240x256xf32, #tpu.memory_space<vmem_shared>> -> memref<1x2x240x256xf32, #tpu.memory_space<vmem_shared>>
    %dma_start3A_1525 = tpu.memref_squeeze %dma_start3A_1524 : memref<1x2x240x256xf32, #tpu.memory_space<vmem_shared>> -> memref<2x240x256xf32, #tpu.memory_space<vmem_shared>>
    %dma_start3A_1526 = arith.constant 0 : i32
    %dma_start3A_1527 = arith.constant 0 : i32
    %dma_start3A_1528 = tpu.memref_slice %dma_start3A_1525[%dma_start3A_1517, %dma_start3A_1526, %dma_start3A_1527] : memref<2x240x256xf32, #tpu.memory_space<vmem_shared>> -> memref<1x240x256xf32, #tpu.memory_space<vmem_shared>>
    %dma_start3A_1529 = tpu.memref_squeeze %dma_start3A_1528 : memref<1x240x256xf32, #tpu.memory_space<vmem_shared>> -> memref<240x256xf32, #tpu.memory_space<vmem_shared>>
    %dma_start3A_1530 = arith.constant 0 : i32
    %dma_start3A_1531 = tpu.memref_slice %arg3[%add3A_1516, %dma_start3A_1530] : memref<100000x256xf32, #tpu.memory_space<hbm>> -> memref<240x256xf32, #tpu.memory_space<hbm>>
    tpu.enqueue_dma source(%dma_start3A_1531 : memref<240x256xf32, #tpu.memory_space<hbm>>) target(%dma_start3A_1529 : memref<240x256xf32, #tpu.memory_space<vmem_shared>>) target_semaphore(%dma_start3A_1520 : memref<!tpu.dma_semaphore, #tpu.memory_space<semaphore_mem>>)
    %add3A_1532 = arith.constant 2640 : i32
    %add3A_1533 = arith.addi %multiple_of3A, %add3A_1532 : i32
    %dma_wait3A_1534 = arith.constant 0 : i32
    %dma_wait3A_1535 = arith.constant 0 : i32
    %dma_wait3A_1536 = tpu.memref_slice %arg6[%dma_wait3A_1535] : memref<2x!tpu.dma_semaphore, #tpu.memory_space<semaphore_mem>> -> memref<1x!tpu.dma_semaphore, #tpu.memory_space<semaphore_mem>>
    %dma_wait3A_1537 = tpu.memref_squeeze %dma_wait3A_1536 : memref<1x!tpu.dma_semaphore, #tpu.memory_space<semaphore_mem>> -> memref<!tpu.dma_semaphore, #tpu.memory_space<semaphore_mem>>
    %dma_wait3A_1538 = arith.constant 0 : i32
    %dma_wait3A_1539 = arith.constant 0 : i32
    %dma_wait3A_1540 = arith.constant 0 : i32
    %dma_wait3A_1541 = tpu.memref_slice %arg5[%arg1, %dma_wait3A_1538, %dma_wait3A_1539, %dma_wait3A_1540] : memref<16x2x240x256xf32, #tpu.memory_space<vmem_shared>> -> memref<1x2x240x256xf32, #tpu.memory_space<vmem_shared>>
    %dma_wait3A_1542 = tpu.memref_squeeze %dma_wait3A_1541 : memref<1x2x240x256xf32, #tpu.memory_space<vmem_shared>> -> memref<2x240x256xf32, #tpu.memory_space<vmem_shared>>
    %dma_wait3A_1543 = arith.constant 0 : i32
    %dma_wait3A_1544 = arith.constant 0 : i32
    %dma_wait3A_1545 = tpu.memref_slice %dma_wait3A_1542[%dma_wait3A_1534, %dma_wait3A_1543, %dma_wait3A_1544] : memref<2x240x256xf32, #tpu.memory_space<vmem_shared>> -> memref<1x240x256xf32, #tpu.memory_space<vmem_shared>>
    %dma_wait3A_1546 = tpu.memref_squeeze %dma_wait3A_1545 : memref<1x240x256xf32, #tpu.memory_space<vmem_shared>> -> memref<240x256xf32, #tpu.memory_space<vmem_shared>>
    %dma_wait3A_1547 = arith.constant 0 : i32
    %dma_wait3A_1548 = tpu.memref_slice %arg2[%add3A_1533, %dma_wait3A_1547] : memref<100000x256xf32, #tpu.memory_space<hbm>> -> memref<240x256xf32, #tpu.memory_space<hbm>>
    tpu.wait_dma2 semaphore(%dma_wait3A_1537 : memref<!tpu.dma_semaphore, #tpu.memory_space<semaphore_mem>>) src(%dma_wait3A_1548 : memref<240x256xf32, #tpu.memory_space<hbm>>) dst(%dma_wait3A_1546 : memref<240x256xf32, #tpu.memory_space<vmem_shared>>)
    %add3A_1549 = arith.constant 2640 : i32
    %add3A_1550 = arith.addi %multiple_of3A, %add3A_1549 : i32
    %dma_start3A_1551 = arith.constant 0 : i32
    %dma_start3A_1552 = arith.constant 0 : i32
    %dma_start3A_1553 = tpu.memref_slice %arg7[%dma_start3A_1552] : memref<2x!tpu.dma_semaphore, #tpu.memory_space<semaphore_mem>> -> memref<1x!tpu.dma_semaphore, #tpu.memory_space<semaphore_mem>>
    %dma_start3A_1554 = tpu.memref_squeeze %dma_start3A_1553 : memref<1x!tpu.dma_semaphore, #tpu.memory_space<semaphore_mem>> -> memref<!tpu.dma_semaphore, #tpu.memory_space<semaphore_mem>>
    %dma_start3A_1555 = arith.constant 0 : i32
    %dma_start3A_1556 = tpu.memref_slice %arg4[%add3A_1550, %dma_start3A_1555] : memref<100000x512xf32, #tpu.memory_space<hbm>> -> memref<240x256xf32, #tpu.memory_space<hbm>>
    %dma_start3A_1557 = arith.constant 0 : i32
    %dma_start3A_1558 = arith.constant 0 : i32
    %dma_start3A_1559 = arith.constant 0 : i32
    %dma_start3A_1560 = tpu.memref_slice %arg5[%arg1, %dma_start3A_1557, %dma_start3A_1558, %dma_start3A_1559] : memref<16x2x240x256xf32, #tpu.memory_space<vmem_shared>> -> memref<1x2x240x256xf32, #tpu.memory_space<vmem_shared>>
    %dma_start3A_1561 = tpu.memref_squeeze %dma_start3A_1560 : memref<1x2x240x256xf32, #tpu.memory_space<vmem_shared>> -> memref<2x240x256xf32, #tpu.memory_space<vmem_shared>>
    %dma_start3A_1562 = arith.constant 0 : i32
    %dma_start3A_1563 = arith.constant 0 : i32
    %dma_start3A_1564 = tpu.memref_slice %dma_start3A_1561[%dma_start3A_1551, %dma_start3A_1562, %dma_start3A_1563] : memref<2x240x256xf32, #tpu.memory_space<vmem_shared>> -> memref<1x240x256xf32, #tpu.memory_space<vmem_shared>>
    %dma_start3A_1565 = tpu.memref_squeeze %dma_start3A_1564 : memref<1x240x256xf32, #tpu.memory_space<vmem_shared>> -> memref<240x256xf32, #tpu.memory_space<vmem_shared>>
    tpu.enqueue_dma source(%dma_start3A_1565 : memref<240x256xf32, #tpu.memory_space<vmem_shared>>) target(%dma_start3A_1556 : memref<240x256xf32, #tpu.memory_space<hbm>>) target_semaphore(%dma_start3A_1554 : memref<!tpu.dma_semaphore, #tpu.memory_space<semaphore_mem>>)
    %add3A_1566 = arith.constant 2640 : i32
    %add3A_1567 = arith.addi %multiple_of3A, %add3A_1566 : i32
    %dma_wait3A_1568 = arith.constant 0 : i32
    %dma_wait3A_1569 = arith.constant 0 : i32
    %dma_wait3A_1570 = tpu.memref_slice %arg7[%dma_wait3A_1569] : memref<2x!tpu.dma_semaphore, #tpu.memory_space<semaphore_mem>> -> memref<1x!tpu.dma_semaphore, #tpu.memory_space<semaphore_mem>>
    %dma_wait3A_1571 = tpu.memref_squeeze %dma_wait3A_1570 : memref<1x!tpu.dma_semaphore, #tpu.memory_space<semaphore_mem>> -> memref<!tpu.dma_semaphore, #tpu.memory_space<semaphore_mem>>
    %dma_wait3A_1572 = arith.constant 0 : i32
    %dma_wait3A_1573 = tpu.memref_slice %arg4[%add3A_1567, %dma_wait3A_1572] : memref<100000x512xf32, #tpu.memory_space<hbm>> -> memref<240x256xf32, #tpu.memory_space<hbm>>
    %dma_wait3A_1574 = arith.constant 0 : i32
    %dma_wait3A_1575 = arith.constant 0 : i32
    %dma_wait3A_1576 = arith.constant 0 : i32
    %dma_wait3A_1577 = tpu.memref_slice %arg5[%arg1, %dma_wait3A_1574, %dma_wait3A_1575, %dma_wait3A_1576] : memref<16x2x240x256xf32, #tpu.memory_space<vmem_shared>> -> memref<1x2x240x256xf32, #tpu.memory_space<vmem_shared>>
    %dma_wait3A_1578 = tpu.memref_squeeze %dma_wait3A_1577 : memref<1x2x240x256xf32, #tpu.memory_space<vmem_shared>> -> memref<2x240x256xf32, #tpu.memory_space<vmem_shared>>
    %dma_wait3A_1579 = arith.constant 0 : i32
    %dma_wait3A_1580 = arith.constant 0 : i32
    %dma_wait3A_1581 = tpu.memref_slice %dma_wait3A_1578[%dma_wait3A_1568, %dma_wait3A_1579, %dma_wait3A_1580] : memref<2x240x256xf32, #tpu.memory_space<vmem_shared>> -> memref<1x240x256xf32, #tpu.memory_space<vmem_shared>>
    %dma_wait3A_1582 = tpu.memref_squeeze %dma_wait3A_1581 : memref<1x240x256xf32, #tpu.memory_space<vmem_shared>> -> memref<240x256xf32, #tpu.memory_space<vmem_shared>>
    tpu.wait_dma2 semaphore(%dma_wait3A_1571 : memref<!tpu.dma_semaphore, #tpu.memory_space<semaphore_mem>>) src(%dma_wait3A_1582 : memref<240x256xf32, #tpu.memory_space<vmem_shared>>) dst(%dma_wait3A_1573 : memref<240x256xf32, #tpu.memory_space<hbm>>)
    %add3A_1583 = arith.constant 2880 : i32
    %add3A_1584 = arith.addi %multiple_of3A, %add3A_1583 : i32
    %dma_start3A_1585 = arith.constant 0 : i32
    %dma_start3A_1586 = arith.constant 0 : i32
    %dma_start3A_1587 = tpu.memref_slice %arg6[%dma_start3A_1586] : memref<2x!tpu.dma_semaphore, #tpu.memory_space<semaphore_mem>> -> memref<1x!tpu.dma_semaphore, #tpu.memory_space<semaphore_mem>>
    %dma_start3A_1588 = tpu.memref_squeeze %dma_start3A_1587 : memref<1x!tpu.dma_semaphore, #tpu.memory_space<semaphore_mem>> -> memref<!tpu.dma_semaphore, #tpu.memory_space<semaphore_mem>>
    %dma_start3A_1589 = arith.constant 0 : i32
    %dma_start3A_1590 = arith.constant 0 : i32
    %dma_start3A_1591 = arith.constant 0 : i32
    %dma_start3A_1592 = tpu.memref_slice %arg5[%arg1, %dma_start3A_1589, %dma_start3A_1590, %dma_start3A_1591] : memref<16x2x240x256xf32, #tpu.memory_space<vmem_shared>> -> memref<1x2x240x256xf32, #tpu.memory_space<vmem_shared>>
    %dma_start3A_1593 = tpu.memref_squeeze %dma_start3A_1592 : memref<1x2x240x256xf32, #tpu.memory_space<vmem_shared>> -> memref<2x240x256xf32, #tpu.memory_space<vmem_shared>>
    %dma_start3A_1594 = arith.constant 0 : i32
    %dma_start3A_1595 = arith.constant 0 : i32
    %dma_start3A_1596 = tpu.memref_slice %dma_start3A_1593[%dma_start3A_1585, %dma_start3A_1594, %dma_start3A_1595] : memref<2x240x256xf32, #tpu.memory_space<vmem_shared>> -> memref<1x240x256xf32, #tpu.memory_space<vmem_shared>>
    %dma_start3A_1597 = tpu.memref_squeeze %dma_start3A_1596 : memref<1x240x256xf32, #tpu.memory_space<vmem_shared>> -> memref<240x256xf32, #tpu.memory_space<vmem_shared>>
    %dma_start3A_1598 = arith.constant 0 : i32
    %dma_start3A_1599 = tpu.memref_slice %arg2[%add3A_1584, %dma_start3A_1598] : memref<100000x256xf32, #tpu.memory_space<hbm>> -> memref<240x256xf32, #tpu.memory_space<hbm>>
    tpu.enqueue_dma source(%dma_start3A_1599 : memref<240x256xf32, #tpu.memory_space<hbm>>) target(%dma_start3A_1597 : memref<240x256xf32, #tpu.memory_space<vmem_shared>>) target_semaphore(%dma_start3A_1588 : memref<!tpu.dma_semaphore, #tpu.memory_space<semaphore_mem>>)
    %add3A_1600 = arith.constant 2640 : i32
    %add3A_1601 = arith.addi %multiple_of3A, %add3A_1600 : i32
    %dma_wait3A_1602 = arith.constant 1 : i32
    %dma_wait3A_1603 = arith.constant 1 : i32
    %dma_wait3A_1604 = tpu.memref_slice %arg6[%dma_wait3A_1603] : memref<2x!tpu.dma_semaphore, #tpu.memory_space<semaphore_mem>> -> memref<1x!tpu.dma_semaphore, #tpu.memory_space<semaphore_mem>>
    %dma_wait3A_1605 = tpu.memref_squeeze %dma_wait3A_1604 : memref<1x!tpu.dma_semaphore, #tpu.memory_space<semaphore_mem>> -> memref<!tpu.dma_semaphore, #tpu.memory_space<semaphore_mem>>
    %dma_wait3A_1606 = arith.constant 0 : i32
    %dma_wait3A_1607 = arith.constant 0 : i32
    %dma_wait3A_1608 = arith.constant 0 : i32
    %dma_wait3A_1609 = tpu.memref_slice %arg5[%arg1, %dma_wait3A_1606, %dma_wait3A_1607, %dma_wait3A_1608] : memref<16x2x240x256xf32, #tpu.memory_space<vmem_shared>> -> memref<1x2x240x256xf32, #tpu.memory_space<vmem_shared>>
    %dma_wait3A_1610 = tpu.memref_squeeze %dma_wait3A_1609 : memref<1x2x240x256xf32, #tpu.memory_space<vmem_shared>> -> memref<2x240x256xf32, #tpu.memory_space<vmem_shared>>
    %dma_wait3A_1611 = arith.constant 0 : i32
    %dma_wait3A_1612 = arith.constant 0 : i32
    %dma_wait3A_1613 = tpu.memref_slice %dma_wait3A_1610[%dma_wait3A_1602, %dma_wait3A_1611, %dma_wait3A_1612] : memref<2x240x256xf32, #tpu.memory_space<vmem_shared>> -> memref<1x240x256xf32, #tpu.memory_space<vmem_shared>>
    %dma_wait3A_1614 = tpu.memref_squeeze %dma_wait3A_1613 : memref<1x240x256xf32, #tpu.memory_space<vmem_shared>> -> memref<240x256xf32, #tpu.memory_space<vmem_shared>>
    %dma_wait3A_1615 = arith.constant 0 : i32
    %dma_wait3A_1616 = tpu.memref_slice %arg3[%add3A_1601, %dma_wait3A_1615] : memref<100000x256xf32, #tpu.memory_space<hbm>> -> memref<240x256xf32, #tpu.memory_space<hbm>>
    tpu.wait_dma2 semaphore(%dma_wait3A_1605 : memref<!tpu.dma_semaphore, #tpu.memory_space<semaphore_mem>>) src(%dma_wait3A_1616 : memref<240x256xf32, #tpu.memory_space<hbm>>) dst(%dma_wait3A_1614 : memref<240x256xf32, #tpu.memory_space<vmem_shared>>)
    %add3A_1617 = arith.constant 2640 : i32
    %add3A_1618 = arith.addi %multiple_of3A, %add3A_1617 : i32
    %dma_start3A_1619 = arith.constant 1 : i32
    %dma_start3A_1620 = arith.constant 1 : i32
    %dma_start3A_1621 = tpu.memref_slice %arg7[%dma_start3A_1620] : memref<2x!tpu.dma_semaphore, #tpu.memory_space<semaphore_mem>> -> memref<1x!tpu.dma_semaphore, #tpu.memory_space<semaphore_mem>>
    %dma_start3A_1622 = tpu.memref_squeeze %dma_start3A_1621 : memref<1x!tpu.dma_semaphore, #tpu.memory_space<semaphore_mem>> -> memref<!tpu.dma_semaphore, #tpu.memory_space<semaphore_mem>>
    %dma_start3A_1623 = arith.constant 256 : i32
    %dma_start3A_1624 = tpu.memref_slice %arg4[%add3A_1618, %dma_start3A_1623] : memref<100000x512xf32, #tpu.memory_space<hbm>> -> memref<240x256xf32, #tpu.memory_space<hbm>>
    %dma_start3A_1625 = arith.constant 0 : i32
    %dma_start3A_1626 = arith.constant 0 : i32
    %dma_start3A_1627 = arith.constant 0 : i32
    %dma_start3A_1628 = tpu.memref_slice %arg5[%arg1, %dma_start3A_1625, %dma_start3A_1626, %dma_start3A_1627] : memref<16x2x240x256xf32, #tpu.memory_space<vmem_shared>> -> memref<1x2x240x256xf32, #tpu.memory_space<vmem_shared>>
    %dma_start3A_1629 = tpu.memref_squeeze %dma_start3A_1628 : memref<1x2x240x256xf32, #tpu.memory_space<vmem_shared>> -> memref<2x240x256xf32, #tpu.memory_space<vmem_shared>>
    %dma_start3A_1630 = arith.constant 0 : i32
    %dma_start3A_1631 = arith.constant 0 : i32
    %dma_start3A_1632 = tpu.memref_slice %dma_start3A_1629[%dma_start3A_1619, %dma_start3A_1630, %dma_start3A_1631] : memref<2x240x256xf32, #tpu.memory_space<vmem_shared>> -> memref<1x240x256xf32, #tpu.memory_space<vmem_shared>>
    %dma_start3A_1633 = tpu.memref_squeeze %dma_start3A_1632 : memref<1x240x256xf32, #tpu.memory_space<vmem_shared>> -> memref<240x256xf32, #tpu.memory_space<vmem_shared>>
    tpu.enqueue_dma source(%dma_start3A_1633 : memref<240x256xf32, #tpu.memory_space<vmem_shared>>) target(%dma_start3A_1624 : memref<240x256xf32, #tpu.memory_space<hbm>>) target_semaphore(%dma_start3A_1622 : memref<!tpu.dma_semaphore, #tpu.memory_space<semaphore_mem>>)
    %add3A_1634 = arith.constant 2640 : i32
    %add3A_1635 = arith.addi %multiple_of3A, %add3A_1634 : i32
    %dma_wait3A_1636 = arith.constant 1 : i32
    %dma_wait3A_1637 = arith.constant 1 : i32
    %dma_wait3A_1638 = tpu.memref_slice %arg7[%dma_wait3A_1637] : memref<2x!tpu.dma_semaphore, #tpu.memory_space<semaphore_mem>> -> memref<1x!tpu.dma_semaphore, #tpu.memory_space<semaphore_mem>>
    %dma_wait3A_1639 = tpu.memref_squeeze %dma_wait3A_1638 : memref<1x!tpu.dma_semaphore, #tpu.memory_space<semaphore_mem>> -> memref<!tpu.dma_semaphore, #tpu.memory_space<semaphore_mem>>
    %dma_wait3A_1640 = arith.constant 256 : i32
    %dma_wait3A_1641 = tpu.memref_slice %arg4[%add3A_1635, %dma_wait3A_1640] : memref<100000x512xf32, #tpu.memory_space<hbm>> -> memref<240x256xf32, #tpu.memory_space<hbm>>
    %dma_wait3A_1642 = arith.constant 0 : i32
    %dma_wait3A_1643 = arith.constant 0 : i32
    %dma_wait3A_1644 = arith.constant 0 : i32
    %dma_wait3A_1645 = tpu.memref_slice %arg5[%arg1, %dma_wait3A_1642, %dma_wait3A_1643, %dma_wait3A_1644] : memref<16x2x240x256xf32, #tpu.memory_space<vmem_shared>> -> memref<1x2x240x256xf32, #tpu.memory_space<vmem_shared>>
    %dma_wait3A_1646 = tpu.memref_squeeze %dma_wait3A_1645 : memref<1x2x240x256xf32, #tpu.memory_space<vmem_shared>> -> memref<2x240x256xf32, #tpu.memory_space<vmem_shared>>
    %dma_wait3A_1647 = arith.constant 0 : i32
    %dma_wait3A_1648 = arith.constant 0 : i32
    %dma_wait3A_1649 = tpu.memref_slice %dma_wait3A_1646[%dma_wait3A_1636, %dma_wait3A_1647, %dma_wait3A_1648] : memref<2x240x256xf32, #tpu.memory_space<vmem_shared>> -> memref<1x240x256xf32, #tpu.memory_space<vmem_shared>>
    %dma_wait3A_1650 = tpu.memref_squeeze %dma_wait3A_1649 : memref<1x240x256xf32, #tpu.memory_space<vmem_shared>> -> memref<240x256xf32, #tpu.memory_space<vmem_shared>>
    tpu.wait_dma2 semaphore(%dma_wait3A_1639 : memref<!tpu.dma_semaphore, #tpu.memory_space<semaphore_mem>>) src(%dma_wait3A_1650 : memref<240x256xf32, #tpu.memory_space<vmem_shared>>) dst(%dma_wait3A_1641 : memref<240x256xf32, #tpu.memory_space<hbm>>)
    %add3A_1651 = arith.constant 2880 : i32
    %add3A_1652 = arith.addi %multiple_of3A, %add3A_1651 : i32
    %dma_start3A_1653 = arith.constant 1 : i32
    %dma_start3A_1654 = arith.constant 1 : i32
    %dma_start3A_1655 = tpu.memref_slice %arg6[%dma_start3A_1654] : memref<2x!tpu.dma_semaphore, #tpu.memory_space<semaphore_mem>> -> memref<1x!tpu.dma_semaphore, #tpu.memory_space<semaphore_mem>>
    %dma_start3A_1656 = tpu.memref_squeeze %dma_start3A_1655 : memref<1x!tpu.dma_semaphore, #tpu.memory_space<semaphore_mem>> -> memref<!tpu.dma_semaphore, #tpu.memory_space<semaphore_mem>>
    %dma_start3A_1657 = arith.constant 0 : i32
    %dma_start3A_1658 = arith.constant 0 : i32
    %dma_start3A_1659 = arith.constant 0 : i32
    %dma_start3A_1660 = tpu.memref_slice %arg5[%arg1, %dma_start3A_1657, %dma_start3A_1658, %dma_start3A_1659] : memref<16x2x240x256xf32, #tpu.memory_space<vmem_shared>> -> memref<1x2x240x256xf32, #tpu.memory_space<vmem_shared>>
    %dma_start3A_1661 = tpu.memref_squeeze %dma_start3A_1660 : memref<1x2x240x256xf32, #tpu.memory_space<vmem_shared>> -> memref<2x240x256xf32, #tpu.memory_space<vmem_shared>>
    %dma_start3A_1662 = arith.constant 0 : i32
    %dma_start3A_1663 = arith.constant 0 : i32
    %dma_start3A_1664 = tpu.memref_slice %dma_start3A_1661[%dma_start3A_1653, %dma_start3A_1662, %dma_start3A_1663] : memref<2x240x256xf32, #tpu.memory_space<vmem_shared>> -> memref<1x240x256xf32, #tpu.memory_space<vmem_shared>>
    %dma_start3A_1665 = tpu.memref_squeeze %dma_start3A_1664 : memref<1x240x256xf32, #tpu.memory_space<vmem_shared>> -> memref<240x256xf32, #tpu.memory_space<vmem_shared>>
    %dma_start3A_1666 = arith.constant 0 : i32
    %dma_start3A_1667 = tpu.memref_slice %arg3[%add3A_1652, %dma_start3A_1666] : memref<100000x256xf32, #tpu.memory_space<hbm>> -> memref<240x256xf32, #tpu.memory_space<hbm>>
    tpu.enqueue_dma source(%dma_start3A_1667 : memref<240x256xf32, #tpu.memory_space<hbm>>) target(%dma_start3A_1665 : memref<240x256xf32, #tpu.memory_space<vmem_shared>>) target_semaphore(%dma_start3A_1656 : memref<!tpu.dma_semaphore, #tpu.memory_space<semaphore_mem>>)
    %add3A_1668 = arith.constant 2880 : i32
    %add3A_1669 = arith.addi %multiple_of3A, %add3A_1668 : i32
    %dma_wait3A_1670 = arith.constant 0 : i32
    %dma_wait3A_1671 = arith.constant 0 : i32
    %dma_wait3A_1672 = tpu.memref_slice %arg6[%dma_wait3A_1671] : memref<2x!tpu.dma_semaphore, #tpu.memory_space<semaphore_mem>> -> memref<1x!tpu.dma_semaphore, #tpu.memory_space<semaphore_mem>>
    %dma_wait3A_1673 = tpu.memref_squeeze %dma_wait3A_1672 : memref<1x!tpu.dma_semaphore, #tpu.memory_space<semaphore_mem>> -> memref<!tpu.dma_semaphore, #tpu.memory_space<semaphore_mem>>
    %dma_wait3A_1674 = arith.constant 0 : i32
    %dma_wait3A_1675 = arith.constant 0 : i32
    %dma_wait3A_1676 = arith.constant 0 : i32
    %dma_wait3A_1677 = tpu.memref_slice %arg5[%arg1, %dma_wait3A_1674, %dma_wait3A_1675, %dma_wait3A_1676] : memref<16x2x240x256xf32, #tpu.memory_space<vmem_shared>> -> memref<1x2x240x256xf32, #tpu.memory_space<vmem_shared>>
    %dma_wait3A_1678 = tpu.memref_squeeze %dma_wait3A_1677 : memref<1x2x240x256xf32, #tpu.memory_space<vmem_shared>> -> memref<2x240x256xf32, #tpu.memory_space<vmem_shared>>
    %dma_wait3A_1679 = arith.constant 0 : i32
    %dma_wait3A_1680 = arith.constant 0 : i32
    %dma_wait3A_1681 = tpu.memref_slice %dma_wait3A_1678[%dma_wait3A_1670, %dma_wait3A_1679, %dma_wait3A_1680] : memref<2x240x256xf32, #tpu.memory_space<vmem_shared>> -> memref<1x240x256xf32, #tpu.memory_space<vmem_shared>>
    %dma_wait3A_1682 = tpu.memref_squeeze %dma_wait3A_1681 : memref<1x240x256xf32, #tpu.memory_space<vmem_shared>> -> memref<240x256xf32, #tpu.memory_space<vmem_shared>>
    %dma_wait3A_1683 = arith.constant 0 : i32
    %dma_wait3A_1684 = tpu.memref_slice %arg2[%add3A_1669, %dma_wait3A_1683] : memref<100000x256xf32, #tpu.memory_space<hbm>> -> memref<240x256xf32, #tpu.memory_space<hbm>>
    tpu.wait_dma2 semaphore(%dma_wait3A_1673 : memref<!tpu.dma_semaphore, #tpu.memory_space<semaphore_mem>>) src(%dma_wait3A_1684 : memref<240x256xf32, #tpu.memory_space<hbm>>) dst(%dma_wait3A_1682 : memref<240x256xf32, #tpu.memory_space<vmem_shared>>)
    %add3A_1685 = arith.constant 2880 : i32
    %add3A_1686 = arith.addi %multiple_of3A, %add3A_1685 : i32
    %dma_start3A_1687 = arith.constant 0 : i32
    %dma_start3A_1688 = arith.constant 0 : i32
    %dma_start3A_1689 = tpu.memref_slice %arg7[%dma_start3A_1688] : memref<2x!tpu.dma_semaphore, #tpu.memory_space<semaphore_mem>> -> memref<1x!tpu.dma_semaphore, #tpu.memory_space<semaphore_mem>>
    %dma_start3A_1690 = tpu.memref_squeeze %dma_start3A_1689 : memref<1x!tpu.dma_semaphore, #tpu.memory_space<semaphore_mem>> -> memref<!tpu.dma_semaphore, #tpu.memory_space<semaphore_mem>>
    %dma_start3A_1691 = arith.constant 0 : i32
    %dma_start3A_1692 = tpu.memref_slice %arg4[%add3A_1686, %dma_start3A_1691] : memref<100000x512xf32, #tpu.memory_space<hbm>> -> memref<240x256xf32, #tpu.memory_space<hbm>>
    %dma_start3A_1693 = arith.constant 0 : i32
    %dma_start3A_1694 = arith.constant 0 : i32
    %dma_start3A_1695 = arith.constant 0 : i32
    %dma_start3A_1696 = tpu.memref_slice %arg5[%arg1, %dma_start3A_1693, %dma_start3A_1694, %dma_start3A_1695] : memref<16x2x240x256xf32, #tpu.memory_space<vmem_shared>> -> memref<1x2x240x256xf32, #tpu.memory_space<vmem_shared>>
    %dma_start3A_1697 = tpu.memref_squeeze %dma_start3A_1696 : memref<1x2x240x256xf32, #tpu.memory_space<vmem_shared>> -> memref<2x240x256xf32, #tpu.memory_space<vmem_shared>>
    %dma_start3A_1698 = arith.constant 0 : i32
    %dma_start3A_1699 = arith.constant 0 : i32
    %dma_start3A_1700 = tpu.memref_slice %dma_start3A_1697[%dma_start3A_1687, %dma_start3A_1698, %dma_start3A_1699] : memref<2x240x256xf32, #tpu.memory_space<vmem_shared>> -> memref<1x240x256xf32, #tpu.memory_space<vmem_shared>>
    %dma_start3A_1701 = tpu.memref_squeeze %dma_start3A_1700 : memref<1x240x256xf32, #tpu.memory_space<vmem_shared>> -> memref<240x256xf32, #tpu.memory_space<vmem_shared>>
    tpu.enqueue_dma source(%dma_start3A_1701 : memref<240x256xf32, #tpu.memory_space<vmem_shared>>) target(%dma_start3A_1692 : memref<240x256xf32, #tpu.memory_space<hbm>>) target_semaphore(%dma_start3A_1690 : memref<!tpu.dma_semaphore, #tpu.memory_space<semaphore_mem>>)
    %add3A_1702 = arith.constant 2880 : i32
    %add3A_1703 = arith.addi %multiple_of3A, %add3A_1702 : i32
    %dma_wait3A_1704 = arith.constant 0 : i32
    %dma_wait3A_1705 = arith.constant 0 : i32
    %dma_wait3A_1706 = tpu.memref_slice %arg7[%dma_wait3A_1705] : memref<2x!tpu.dma_semaphore, #tpu.memory_space<semaphore_mem>> -> memref<1x!tpu.dma_semaphore, #tpu.memory_space<semaphore_mem>>
    %dma_wait3A_1707 = tpu.memref_squeeze %dma_wait3A_1706 : memref<1x!tpu.dma_semaphore, #tpu.memory_space<semaphore_mem>> -> memref<!tpu.dma_semaphore, #tpu.memory_space<semaphore_mem>>
    %dma_wait3A_1708 = arith.constant 0 : i32
    %dma_wait3A_1709 = tpu.memref_slice %arg4[%add3A_1703, %dma_wait3A_1708] : memref<100000x512xf32, #tpu.memory_space<hbm>> -> memref<240x256xf32, #tpu.memory_space<hbm>>
    %dma_wait3A_1710 = arith.constant 0 : i32
    %dma_wait3A_1711 = arith.constant 0 : i32
    %dma_wait3A_1712 = arith.constant 0 : i32
    %dma_wait3A_1713 = tpu.memref_slice %arg5[%arg1, %dma_wait3A_1710, %dma_wait3A_1711, %dma_wait3A_1712] : memref<16x2x240x256xf32, #tpu.memory_space<vmem_shared>> -> memref<1x2x240x256xf32, #tpu.memory_space<vmem_shared>>
    %dma_wait3A_1714 = tpu.memref_squeeze %dma_wait3A_1713 : memref<1x2x240x256xf32, #tpu.memory_space<vmem_shared>> -> memref<2x240x256xf32, #tpu.memory_space<vmem_shared>>
    %dma_wait3A_1715 = arith.constant 0 : i32
    %dma_wait3A_1716 = arith.constant 0 : i32
    %dma_wait3A_1717 = tpu.memref_slice %dma_wait3A_1714[%dma_wait3A_1704, %dma_wait3A_1715, %dma_wait3A_1716] : memref<2x240x256xf32, #tpu.memory_space<vmem_shared>> -> memref<1x240x256xf32, #tpu.memory_space<vmem_shared>>
    %dma_wait3A_1718 = tpu.memref_squeeze %dma_wait3A_1717 : memref<1x240x256xf32, #tpu.memory_space<vmem_shared>> -> memref<240x256xf32, #tpu.memory_space<vmem_shared>>
    tpu.wait_dma2 semaphore(%dma_wait3A_1707 : memref<!tpu.dma_semaphore, #tpu.memory_space<semaphore_mem>>) src(%dma_wait3A_1718 : memref<240x256xf32, #tpu.memory_space<vmem_shared>>) dst(%dma_wait3A_1709 : memref<240x256xf32, #tpu.memory_space<hbm>>)
    %add3A_1719 = arith.constant 3120 : i32
    %add3A_1720 = arith.addi %multiple_of3A, %add3A_1719 : i32
    %dma_start3A_1721 = arith.constant 0 : i32
    %dma_start3A_1722 = arith.constant 0 : i32
    %dma_start3A_1723 = tpu.memref_slice %arg6[%dma_start3A_1722] : memref<2x!tpu.dma_semaphore, #tpu.memory_space<semaphore_mem>> -> memref<1x!tpu.dma_semaphore, #tpu.memory_space<semaphore_mem>>
    %dma_start3A_1724 = tpu.memref_squeeze %dma_start3A_1723 : memref<1x!tpu.dma_semaphore, #tpu.memory_space<semaphore_mem>> -> memref<!tpu.dma_semaphore, #tpu.memory_space<semaphore_mem>>
    %dma_start3A_1725 = arith.constant 0 : i32
    %dma_start3A_1726 = arith.constant 0 : i32
    %dma_start3A_1727 = arith.constant 0 : i32
    %dma_start3A_1728 = tpu.memref_slice %arg5[%arg1, %dma_start3A_1725, %dma_start3A_1726, %dma_start3A_1727] : memref<16x2x240x256xf32, #tpu.memory_space<vmem_shared>> -> memref<1x2x240x256xf32, #tpu.memory_space<vmem_shared>>
    %dma_start3A_1729 = tpu.memref_squeeze %dma_start3A_1728 : memref<1x2x240x256xf32, #tpu.memory_space<vmem_shared>> -> memref<2x240x256xf32, #tpu.memory_space<vmem_shared>>
    %dma_start3A_1730 = arith.constant 0 : i32
    %dma_start3A_1731 = arith.constant 0 : i32
    %dma_start3A_1732 = tpu.memref_slice %dma_start3A_1729[%dma_start3A_1721, %dma_start3A_1730, %dma_start3A_1731] : memref<2x240x256xf32, #tpu.memory_space<vmem_shared>> -> memref<1x8x256xf32, #tpu.memory_space<vmem_shared>>
    %dma_start3A_1733 = tpu.memref_squeeze %dma_start3A_1732 : memref<1x8x256xf32, #tpu.memory_space<vmem_shared>> -> memref<8x256xf32, #tpu.memory_space<vmem_shared>>
    %dma_start3A_1734 = arith.constant 0 : i32
    %dma_start3A_1735 = tpu.memref_slice %arg2[%add3A_1720, %dma_start3A_1734] : memref<100000x256xf32, #tpu.memory_space<hbm>> -> memref<8x256xf32, #tpu.memory_space<hbm>>
    tpu.enqueue_dma source(%dma_start3A_1735 : memref<8x256xf32, #tpu.memory_space<hbm>>) target(%dma_start3A_1733 : memref<8x256xf32, #tpu.memory_space<vmem_shared>>) target_semaphore(%dma_start3A_1724 : memref<!tpu.dma_semaphore, #tpu.memory_space<semaphore_mem>>)
    %add3A_1736 = arith.constant 2880 : i32
    %add3A_1737 = arith.addi %multiple_of3A, %add3A_1736 : i32
    %dma_wait3A_1738 = arith.constant 1 : i32
    %dma_wait3A_1739 = arith.constant 1 : i32
    %dma_wait3A_1740 = tpu.memref_slice %arg6[%dma_wait3A_1739] : memref<2x!tpu.dma_semaphore, #tpu.memory_space<semaphore_mem>> -> memref<1x!tpu.dma_semaphore, #tpu.memory_space<semaphore_mem>>
    %dma_wait3A_1741 = tpu.memref_squeeze %dma_wait3A_1740 : memref<1x!tpu.dma_semaphore, #tpu.memory_space<semaphore_mem>> -> memref<!tpu.dma_semaphore, #tpu.memory_space<semaphore_mem>>
    %dma_wait3A_1742 = arith.constant 0 : i32
    %dma_wait3A_1743 = arith.constant 0 : i32
    %dma_wait3A_1744 = arith.constant 0 : i32
    %dma_wait3A_1745 = tpu.memref_slice %arg5[%arg1, %dma_wait3A_1742, %dma_wait3A_1743, %dma_wait3A_1744] : memref<16x2x240x256xf32, #tpu.memory_space<vmem_shared>> -> memref<1x2x240x256xf32, #tpu.memory_space<vmem_shared>>
    %dma_wait3A_1746 = tpu.memref_squeeze %dma_wait3A_1745 : memref<1x2x240x256xf32, #tpu.memory_space<vmem_shared>> -> memref<2x240x256xf32, #tpu.memory_space<vmem_shared>>
    %dma_wait3A_1747 = arith.constant 0 : i32
    %dma_wait3A_1748 = arith.constant 0 : i32
    %dma_wait3A_1749 = tpu.memref_slice %dma_wait3A_1746[%dma_wait3A_1738, %dma_wait3A_1747, %dma_wait3A_1748] : memref<2x240x256xf32, #tpu.memory_space<vmem_shared>> -> memref<1x240x256xf32, #tpu.memory_space<vmem_shared>>
    %dma_wait3A_1750 = tpu.memref_squeeze %dma_wait3A_1749 : memref<1x240x256xf32, #tpu.memory_space<vmem_shared>> -> memref<240x256xf32, #tpu.memory_space<vmem_shared>>
    %dma_wait3A_1751 = arith.constant 0 : i32
    %dma_wait3A_1752 = tpu.memref_slice %arg3[%add3A_1737, %dma_wait3A_1751] : memref<100000x256xf32, #tpu.memory_space<hbm>> -> memref<240x256xf32, #tpu.memory_space<hbm>>
    tpu.wait_dma2 semaphore(%dma_wait3A_1741 : memref<!tpu.dma_semaphore, #tpu.memory_space<semaphore_mem>>) src(%dma_wait3A_1752 : memref<240x256xf32, #tpu.memory_space<hbm>>) dst(%dma_wait3A_1750 : memref<240x256xf32, #tpu.memory_space<vmem_shared>>)
    %add3A_1753 = arith.constant 2880 : i32
    %add3A_1754 = arith.addi %multiple_of3A, %add3A_1753 : i32
    %dma_start3A_1755 = arith.constant 1 : i32
    %dma_start3A_1756 = arith.constant 1 : i32
    %dma_start3A_1757 = tpu.memref_slice %arg7[%dma_start3A_1756] : memref<2x!tpu.dma_semaphore, #tpu.memory_space<semaphore_mem>> -> memref<1x!tpu.dma_semaphore, #tpu.memory_space<semaphore_mem>>
    %dma_start3A_1758 = tpu.memref_squeeze %dma_start3A_1757 : memref<1x!tpu.dma_semaphore, #tpu.memory_space<semaphore_mem>> -> memref<!tpu.dma_semaphore, #tpu.memory_space<semaphore_mem>>
    %dma_start3A_1759 = arith.constant 256 : i32
    %dma_start3A_1760 = tpu.memref_slice %arg4[%add3A_1754, %dma_start3A_1759] : memref<100000x512xf32, #tpu.memory_space<hbm>> -> memref<240x256xf32, #tpu.memory_space<hbm>>
    %dma_start3A_1761 = arith.constant 0 : i32
    %dma_start3A_1762 = arith.constant 0 : i32
    %dma_start3A_1763 = arith.constant 0 : i32
    %dma_start3A_1764 = tpu.memref_slice %arg5[%arg1, %dma_start3A_1761, %dma_start3A_1762, %dma_start3A_1763] : memref<16x2x240x256xf32, #tpu.memory_space<vmem_shared>> -> memref<1x2x240x256xf32, #tpu.memory_space<vmem_shared>>
    %dma_start3A_1765 = tpu.memref_squeeze %dma_start3A_1764 : memref<1x2x240x256xf32, #tpu.memory_space<vmem_shared>> -> memref<2x240x256xf32, #tpu.memory_space<vmem_shared>>
    %dma_start3A_1766 = arith.constant 0 : i32
    %dma_start3A_1767 = arith.constant 0 : i32
    %dma_start3A_1768 = tpu.memref_slice %dma_start3A_1765[%dma_start3A_1755, %dma_start3A_1766, %dma_start3A_1767] : memref<2x240x256xf32, #tpu.memory_space<vmem_shared>> -> memref<1x240x256xf32, #tpu.memory_space<vmem_shared>>
    %dma_start3A_1769 = tpu.memref_squeeze %dma_start3A_1768 : memref<1x240x256xf32, #tpu.memory_space<vmem_shared>> -> memref<240x256xf32, #tpu.memory_space<vmem_shared>>
    tpu.enqueue_dma source(%dma_start3A_1769 : memref<240x256xf32, #tpu.memory_space<vmem_shared>>) target(%dma_start3A_1760 : memref<240x256xf32, #tpu.memory_space<hbm>>) target_semaphore(%dma_start3A_1758 : memref<!tpu.dma_semaphore, #tpu.memory_space<semaphore_mem>>)
    %add3A_1770 = arith.constant 2880 : i32
    %add3A_1771 = arith.addi %multiple_of3A, %add3A_1770 : i32
    %dma_wait3A_1772 = arith.constant 1 : i32
    %dma_wait3A_1773 = arith.constant 1 : i32
    %dma_wait3A_1774 = tpu.memref_slice %arg7[%dma_wait3A_1773] : memref<2x!tpu.dma_semaphore, #tpu.memory_space<semaphore_mem>> -> memref<1x!tpu.dma_semaphore, #tpu.memory_space<semaphore_mem>>
    %dma_wait3A_1775 = tpu.memref_squeeze %dma_wait3A_1774 : memref<1x!tpu.dma_semaphore, #tpu.memory_space<semaphore_mem>> -> memref<!tpu.dma_semaphore, #tpu.memory_space<semaphore_mem>>
    %dma_wait3A_1776 = arith.constant 256 : i32
    %dma_wait3A_1777 = tpu.memref_slice %arg4[%add3A_1771, %dma_wait3A_1776] : memref<100000x512xf32, #tpu.memory_space<hbm>> -> memref<240x256xf32, #tpu.memory_space<hbm>>
    %dma_wait3A_1778 = arith.constant 0 : i32
    %dma_wait3A_1779 = arith.constant 0 : i32
    %dma_wait3A_1780 = arith.constant 0 : i32
    %dma_wait3A_1781 = tpu.memref_slice %arg5[%arg1, %dma_wait3A_1778, %dma_wait3A_1779, %dma_wait3A_1780] : memref<16x2x240x256xf32, #tpu.memory_space<vmem_shared>> -> memref<1x2x240x256xf32, #tpu.memory_space<vmem_shared>>
    %dma_wait3A_1782 = tpu.memref_squeeze %dma_wait3A_1781 : memref<1x2x240x256xf32, #tpu.memory_space<vmem_shared>> -> memref<2x240x256xf32, #tpu.memory_space<vmem_shared>>
    %dma_wait3A_1783 = arith.constant 0 : i32
    %dma_wait3A_1784 = arith.constant 0 : i32
    %dma_wait3A_1785 = tpu.memref_slice %dma_wait3A_1782[%dma_wait3A_1772, %dma_wait3A_1783, %dma_wait3A_1784] : memref<2x240x256xf32, #tpu.memory_space<vmem_shared>> -> memref<1x240x256xf32, #tpu.memory_space<vmem_shared>>
    %dma_wait3A_1786 = tpu.memref_squeeze %dma_wait3A_1785 : memref<1x240x256xf32, #tpu.memory_space<vmem_shared>> -> memref<240x256xf32, #tpu.memory_space<vmem_shared>>
    tpu.wait_dma2 semaphore(%dma_wait3A_1775 : memref<!tpu.dma_semaphore, #tpu.memory_space<semaphore_mem>>) src(%dma_wait3A_1786 : memref<240x256xf32, #tpu.memory_space<vmem_shared>>) dst(%dma_wait3A_1777 : memref<240x256xf32, #tpu.memory_space<hbm>>)
    %add3A_1787 = arith.constant 3120 : i32
    %add3A_1788 = arith.addi %multiple_of3A, %add3A_1787 : i32
    %dma_start3A_1789 = arith.constant 1 : i32
    %dma_start3A_1790 = arith.constant 1 : i32
    %dma_start3A_1791 = tpu.memref_slice %arg6[%dma_start3A_1790] : memref<2x!tpu.dma_semaphore, #tpu.memory_space<semaphore_mem>> -> memref<1x!tpu.dma_semaphore, #tpu.memory_space<semaphore_mem>>
    %dma_start3A_1792 = tpu.memref_squeeze %dma_start3A_1791 : memref<1x!tpu.dma_semaphore, #tpu.memory_space<semaphore_mem>> -> memref<!tpu.dma_semaphore, #tpu.memory_space<semaphore_mem>>
    %dma_start3A_1793 = arith.constant 0 : i32
    %dma_start3A_1794 = arith.constant 0 : i32
    %dma_start3A_1795 = arith.constant 0 : i32
    %dma_start3A_1796 = tpu.memref_slice %arg5[%arg1, %dma_start3A_1793, %dma_start3A_1794, %dma_start3A_1795] : memref<16x2x240x256xf32, #tpu.memory_space<vmem_shared>> -> memref<1x2x240x256xf32, #tpu.memory_space<vmem_shared>>
    %dma_start3A_1797 = tpu.memref_squeeze %dma_start3A_1796 : memref<1x2x240x256xf32, #tpu.memory_space<vmem_shared>> -> memref<2x240x256xf32, #tpu.memory_space<vmem_shared>>
    %dma_start3A_1798 = arith.constant 0 : i32
    %dma_start3A_1799 = arith.constant 0 : i32
    %dma_start3A_1800 = tpu.memref_slice %dma_start3A_1797[%dma_start3A_1789, %dma_start3A_1798, %dma_start3A_1799] : memref<2x240x256xf32, #tpu.memory_space<vmem_shared>> -> memref<1x8x256xf32, #tpu.memory_space<vmem_shared>>
    %dma_start3A_1801 = tpu.memref_squeeze %dma_start3A_1800 : memref<1x8x256xf32, #tpu.memory_space<vmem_shared>> -> memref<8x256xf32, #tpu.memory_space<vmem_shared>>
    %dma_start3A_1802 = arith.constant 0 : i32
    %dma_start3A_1803 = tpu.memref_slice %arg3[%add3A_1788, %dma_start3A_1802] : memref<100000x256xf32, #tpu.memory_space<hbm>> -> memref<8x256xf32, #tpu.memory_space<hbm>>
    tpu.enqueue_dma source(%dma_start3A_1803 : memref<8x256xf32, #tpu.memory_space<hbm>>) target(%dma_start3A_1801 : memref<8x256xf32, #tpu.memory_space<vmem_shared>>) target_semaphore(%dma_start3A_1792 : memref<!tpu.dma_semaphore, #tpu.memory_space<semaphore_mem>>)
    %add3A_1804 = arith.constant 3120 : i32
    %add3A_1805 = arith.addi %multiple_of3A, %add3A_1804 : i32
    %dma_wait3A_1806 = arith.constant 0 : i32
    %dma_wait3A_1807 = arith.constant 0 : i32
    %dma_wait3A_1808 = tpu.memref_slice %arg6[%dma_wait3A_1807] : memref<2x!tpu.dma_semaphore, #tpu.memory_space<semaphore_mem>> -> memref<1x!tpu.dma_semaphore, #tpu.memory_space<semaphore_mem>>
    %dma_wait3A_1809 = tpu.memref_squeeze %dma_wait3A_1808 : memref<1x!tpu.dma_semaphore, #tpu.memory_space<semaphore_mem>> -> memref<!tpu.dma_semaphore, #tpu.memory_space<semaphore_mem>>
    %dma_wait3A_1810 = arith.constant 0 : i32
    %dma_wait3A_1811 = arith.constant 0 : i32
    %dma_wait3A_1812 = arith.constant 0 : i32
    %dma_wait3A_1813 = tpu.memref_slice %arg5[%arg1, %dma_wait3A_1810, %dma_wait3A_1811, %dma_wait3A_1812] : memref<16x2x240x256xf32, #tpu.memory_space<vmem_shared>> -> memref<1x2x240x256xf32, #tpu.memory_space<vmem_shared>>
    %dma_wait3A_1814 = tpu.memref_squeeze %dma_wait3A_1813 : memref<1x2x240x256xf32, #tpu.memory_space<vmem_shared>> -> memref<2x240x256xf32, #tpu.memory_space<vmem_shared>>
    %dma_wait3A_1815 = arith.constant 0 : i32
    %dma_wait3A_1816 = arith.constant 0 : i32
    %dma_wait3A_1817 = tpu.memref_slice %dma_wait3A_1814[%dma_wait3A_1806, %dma_wait3A_1815, %dma_wait3A_1816] : memref<2x240x256xf32, #tpu.memory_space<vmem_shared>> -> memref<1x8x256xf32, #tpu.memory_space<vmem_shared>>
    %dma_wait3A_1818 = tpu.memref_squeeze %dma_wait3A_1817 : memref<1x8x256xf32, #tpu.memory_space<vmem_shared>> -> memref<8x256xf32, #tpu.memory_space<vmem_shared>>
    %dma_wait3A_1819 = arith.constant 0 : i32
    %dma_wait3A_1820 = tpu.memref_slice %arg2[%add3A_1805, %dma_wait3A_1819] : memref<100000x256xf32, #tpu.memory_space<hbm>> -> memref<8x256xf32, #tpu.memory_space<hbm>>
    tpu.wait_dma2 semaphore(%dma_wait3A_1809 : memref<!tpu.dma_semaphore, #tpu.memory_space<semaphore_mem>>) src(%dma_wait3A_1820 : memref<8x256xf32, #tpu.memory_space<hbm>>) dst(%dma_wait3A_1818 : memref<8x256xf32, #tpu.memory_space<vmem_shared>>)
    %add3A_1821 = arith.constant 3120 : i32
    %add3A_1822 = arith.addi %multiple_of3A, %add3A_1821 : i32
    %dma_start3A_1823 = arith.constant 0 : i32
    %dma_start3A_1824 = arith.constant 0 : i32
    %dma_start3A_1825 = tpu.memref_slice %arg7[%dma_start3A_1824] : memref<2x!tpu.dma_semaphore, #tpu.memory_space<semaphore_mem>> -> memref<1x!tpu.dma_semaphore, #tpu.memory_space<semaphore_mem>>
    %dma_start3A_1826 = tpu.memref_squeeze %dma_start3A_1825 : memref<1x!tpu.dma_semaphore, #tpu.memory_space<semaphore_mem>> -> memref<!tpu.dma_semaphore, #tpu.memory_space<semaphore_mem>>
    %dma_start3A_1827 = arith.constant 0 : i32
    %dma_start3A_1828 = tpu.memref_slice %arg4[%add3A_1822, %dma_start3A_1827] : memref<100000x512xf32, #tpu.memory_space<hbm>> -> memref<8x256xf32, #tpu.memory_space<hbm>>
    %dma_start3A_1829 = arith.constant 0 : i32
    %dma_start3A_1830 = arith.constant 0 : i32
    %dma_start3A_1831 = arith.constant 0 : i32
    %dma_start3A_1832 = tpu.memref_slice %arg5[%arg1, %dma_start3A_1829, %dma_start3A_1830, %dma_start3A_1831] : memref<16x2x240x256xf32, #tpu.memory_space<vmem_shared>> -> memref<1x2x240x256xf32, #tpu.memory_space<vmem_shared>>
    %dma_start3A_1833 = tpu.memref_squeeze %dma_start3A_1832 : memref<1x2x240x256xf32, #tpu.memory_space<vmem_shared>> -> memref<2x240x256xf32, #tpu.memory_space<vmem_shared>>
    %dma_start3A_1834 = arith.constant 0 : i32
    %dma_start3A_1835 = arith.constant 0 : i32
    %dma_start3A_1836 = tpu.memref_slice %dma_start3A_1833[%dma_start3A_1823, %dma_start3A_1834, %dma_start3A_1835] : memref<2x240x256xf32, #tpu.memory_space<vmem_shared>> -> memref<1x8x256xf32, #tpu.memory_space<vmem_shared>>
    %dma_start3A_1837 = tpu.memref_squeeze %dma_start3A_1836 : memref<1x8x256xf32, #tpu.memory_space<vmem_shared>> -> memref<8x256xf32, #tpu.memory_space<vmem_shared>>
    tpu.enqueue_dma source(%dma_start3A_1837 : memref<8x256xf32, #tpu.memory_space<vmem_shared>>) target(%dma_start3A_1828 : memref<8x256xf32, #tpu.memory_space<hbm>>) target_semaphore(%dma_start3A_1826 : memref<!tpu.dma_semaphore, #tpu.memory_space<semaphore_mem>>)
    %add3A_1838 = arith.constant 3120 : i32
    %add3A_1839 = arith.addi %multiple_of3A, %add3A_1838 : i32
    %dma_wait3A_1840 = arith.constant 1 : i32
    %dma_wait3A_1841 = arith.constant 1 : i32
    %dma_wait3A_1842 = tpu.memref_slice %arg6[%dma_wait3A_1841] : memref<2x!tpu.dma_semaphore, #tpu.memory_space<semaphore_mem>> -> memref<1x!tpu.dma_semaphore, #tpu.memory_space<semaphore_mem>>
    %dma_wait3A_1843 = tpu.memref_squeeze %dma_wait3A_1842 : memref<1x!tpu.dma_semaphore, #tpu.memory_space<semaphore_mem>> -> memref<!tpu.dma_semaphore, #tpu.memory_space<semaphore_mem>>
    %dma_wait3A_1844 = arith.constant 0 : i32
    %dma_wait3A_1845 = arith.constant 0 : i32
    %dma_wait3A_1846 = arith.constant 0 : i32
    %dma_wait3A_1847 = tpu.memref_slice %arg5[%arg1, %dma_wait3A_1844, %dma_wait3A_1845, %dma_wait3A_1846] : memref<16x2x240x256xf32, #tpu.memory_space<vmem_shared>> -> memref<1x2x240x256xf32, #tpu.memory_space<vmem_shared>>
    %dma_wait3A_1848 = tpu.memref_squeeze %dma_wait3A_1847 : memref<1x2x240x256xf32, #tpu.memory_space<vmem_shared>> -> memref<2x240x256xf32, #tpu.memory_space<vmem_shared>>
    %dma_wait3A_1849 = arith.constant 0 : i32
    %dma_wait3A_1850 = arith.constant 0 : i32
    %dma_wait3A_1851 = tpu.memref_slice %dma_wait3A_1848[%dma_wait3A_1840, %dma_wait3A_1849, %dma_wait3A_1850] : memref<2x240x256xf32, #tpu.memory_space<vmem_shared>> -> memref<1x8x256xf32, #tpu.memory_space<vmem_shared>>
    %dma_wait3A_1852 = tpu.memref_squeeze %dma_wait3A_1851 : memref<1x8x256xf32, #tpu.memory_space<vmem_shared>> -> memref<8x256xf32, #tpu.memory_space<vmem_shared>>
    %dma_wait3A_1853 = arith.constant 0 : i32
    %dma_wait3A_1854 = tpu.memref_slice %arg3[%add3A_1839, %dma_wait3A_1853] : memref<100000x256xf32, #tpu.memory_space<hbm>> -> memref<8x256xf32, #tpu.memory_space<hbm>>
    tpu.wait_dma2 semaphore(%dma_wait3A_1843 : memref<!tpu.dma_semaphore, #tpu.memory_space<semaphore_mem>>) src(%dma_wait3A_1854 : memref<8x256xf32, #tpu.memory_space<hbm>>) dst(%dma_wait3A_1852 : memref<8x256xf32, #tpu.memory_space<vmem_shared>>)
    %add3A_1855 = arith.constant 3120 : i32
    %add3A_1856 = arith.addi %multiple_of3A, %add3A_1855 : i32
    %dma_start3A_1857 = arith.constant 1 : i32
    %dma_start3A_1858 = arith.constant 1 : i32
    %dma_start3A_1859 = tpu.memref_slice %arg7[%dma_start3A_1858] : memref<2x!tpu.dma_semaphore, #tpu.memory_space<semaphore_mem>> -> memref<1x!tpu.dma_semaphore, #tpu.memory_space<semaphore_mem>>
    %dma_start3A_1860 = tpu.memref_squeeze %dma_start3A_1859 : memref<1x!tpu.dma_semaphore, #tpu.memory_space<semaphore_mem>> -> memref<!tpu.dma_semaphore, #tpu.memory_space<semaphore_mem>>
    %dma_start3A_1861 = arith.constant 256 : i32
    %dma_start3A_1862 = tpu.memref_slice %arg4[%add3A_1856, %dma_start3A_1861] : memref<100000x512xf32, #tpu.memory_space<hbm>> -> memref<8x256xf32, #tpu.memory_space<hbm>>
    %dma_start3A_1863 = arith.constant 0 : i32
    %dma_start3A_1864 = arith.constant 0 : i32
    %dma_start3A_1865 = arith.constant 0 : i32
    %dma_start3A_1866 = tpu.memref_slice %arg5[%arg1, %dma_start3A_1863, %dma_start3A_1864, %dma_start3A_1865] : memref<16x2x240x256xf32, #tpu.memory_space<vmem_shared>> -> memref<1x2x240x256xf32, #tpu.memory_space<vmem_shared>>
    %dma_start3A_1867 = tpu.memref_squeeze %dma_start3A_1866 : memref<1x2x240x256xf32, #tpu.memory_space<vmem_shared>> -> memref<2x240x256xf32, #tpu.memory_space<vmem_shared>>
    %dma_start3A_1868 = arith.constant 0 : i32
    %dma_start3A_1869 = arith.constant 0 : i32
    %dma_start3A_1870 = tpu.memref_slice %dma_start3A_1867[%dma_start3A_1857, %dma_start3A_1868, %dma_start3A_1869] : memref<2x240x256xf32, #tpu.memory_space<vmem_shared>> -> memref<1x8x256xf32, #tpu.memory_space<vmem_shared>>
    %dma_start3A_1871 = tpu.memref_squeeze %dma_start3A_1870 : memref<1x8x256xf32, #tpu.memory_space<vmem_shared>> -> memref<8x256xf32, #tpu.memory_space<vmem_shared>>
    tpu.enqueue_dma source(%dma_start3A_1871 : memref<8x256xf32, #tpu.memory_space<vmem_shared>>) target(%dma_start3A_1862 : memref<8x256xf32, #tpu.memory_space<hbm>>) target_semaphore(%dma_start3A_1860 : memref<!tpu.dma_semaphore, #tpu.memory_space<semaphore_mem>>)
    %add3A_1872 = arith.constant 3120 : i32
    %add3A_1873 = arith.addi %multiple_of3A, %add3A_1872 : i32
    %dma_wait3A_1874 = arith.constant 0 : i32
    %dma_wait3A_1875 = arith.constant 0 : i32
    %dma_wait3A_1876 = tpu.memref_slice %arg7[%dma_wait3A_1875] : memref<2x!tpu.dma_semaphore, #tpu.memory_space<semaphore_mem>> -> memref<1x!tpu.dma_semaphore, #tpu.memory_space<semaphore_mem>>
    %dma_wait3A_1877 = tpu.memref_squeeze %dma_wait3A_1876 : memref<1x!tpu.dma_semaphore, #tpu.memory_space<semaphore_mem>> -> memref<!tpu.dma_semaphore, #tpu.memory_space<semaphore_mem>>
    %dma_wait3A_1878 = arith.constant 0 : i32
    %dma_wait3A_1879 = tpu.memref_slice %arg4[%add3A_1873, %dma_wait3A_1878] : memref<100000x512xf32, #tpu.memory_space<hbm>> -> memref<8x256xf32, #tpu.memory_space<hbm>>
    %dma_wait3A_1880 = arith.constant 0 : i32
    %dma_wait3A_1881 = arith.constant 0 : i32
    %dma_wait3A_1882 = arith.constant 0 : i32
    %dma_wait3A_1883 = tpu.memref_slice %arg5[%arg1, %dma_wait3A_1880, %dma_wait3A_1881, %dma_wait3A_1882] : memref<16x2x240x256xf32, #tpu.memory_space<vmem_shared>> -> memref<1x2x240x256xf32, #tpu.memory_space<vmem_shared>>
    %dma_wait3A_1884 = tpu.memref_squeeze %dma_wait3A_1883 : memref<1x2x240x256xf32, #tpu.memory_space<vmem_shared>> -> memref<2x240x256xf32, #tpu.memory_space<vmem_shared>>
    %dma_wait3A_1885 = arith.constant 0 : i32
    %dma_wait3A_1886 = arith.constant 0 : i32
    %dma_wait3A_1887 = tpu.memref_slice %dma_wait3A_1884[%dma_wait3A_1874, %dma_wait3A_1885, %dma_wait3A_1886] : memref<2x240x256xf32, #tpu.memory_space<vmem_shared>> -> memref<1x8x256xf32, #tpu.memory_space<vmem_shared>>
    %dma_wait3A_1888 = tpu.memref_squeeze %dma_wait3A_1887 : memref<1x8x256xf32, #tpu.memory_space<vmem_shared>> -> memref<8x256xf32, #tpu.memory_space<vmem_shared>>
    tpu.wait_dma2 semaphore(%dma_wait3A_1877 : memref<!tpu.dma_semaphore, #tpu.memory_space<semaphore_mem>>) src(%dma_wait3A_1888 : memref<8x256xf32, #tpu.memory_space<vmem_shared>>) dst(%dma_wait3A_1879 : memref<8x256xf32, #tpu.memory_space<hbm>>)
    %add3A_1889 = arith.constant 3120 : i32
    %add3A_1890 = arith.addi %multiple_of3A, %add3A_1889 : i32
    %dma_wait3A_1891 = arith.constant 1 : i32
    %dma_wait3A_1892 = arith.constant 1 : i32
    %dma_wait3A_1893 = tpu.memref_slice %arg7[%dma_wait3A_1892] : memref<2x!tpu.dma_semaphore, #tpu.memory_space<semaphore_mem>> -> memref<1x!tpu.dma_semaphore, #tpu.memory_space<semaphore_mem>>
    %dma_wait3A_1894 = tpu.memref_squeeze %dma_wait3A_1893 : memref<1x!tpu.dma_semaphore, #tpu.memory_space<semaphore_mem>> -> memref<!tpu.dma_semaphore, #tpu.memory_space<semaphore_mem>>
    %dma_wait3A_1895 = arith.constant 256 : i32
    %dma_wait3A_1896 = tpu.memref_slice %arg4[%add3A_1890, %dma_wait3A_1895] : memref<100000x512xf32, #tpu.memory_space<hbm>> -> memref<8x256xf32, #tpu.memory_space<hbm>>
    %dma_wait3A_1897 = arith.constant 0 : i32
    %dma_wait3A_1898 = arith.constant 0 : i32
    %dma_wait3A_1899 = arith.constant 0 : i32
    %dma_wait3A_1900 = tpu.memref_slice %arg5[%arg1, %dma_wait3A_1897, %dma_wait3A_1898, %dma_wait3A_1899] : memref<16x2x240x256xf32, #tpu.memory_space<vmem_shared>> -> memref<1x2x240x256xf32, #tpu.memory_space<vmem_shared>>
    %dma_wait3A_1901 = tpu.memref_squeeze %dma_wait3A_1900 : memref<1x2x240x256xf32, #tpu.memory_space<vmem_shared>> -> memref<2x240x256xf32, #tpu.memory_space<vmem_shared>>
    %dma_wait3A_1902 = arith.constant 0 : i32
    %dma_wait3A_1903 = arith.constant 0 : i32
    %dma_wait3A_1904 = tpu.memref_slice %dma_wait3A_1901[%dma_wait3A_1891, %dma_wait3A_1902, %dma_wait3A_1903] : memref<2x240x256xf32, #tpu.memory_space<vmem_shared>> -> memref<1x8x256xf32, #tpu.memory_space<vmem_shared>>
    %dma_wait3A_1905 = tpu.memref_squeeze %dma_wait3A_1904 : memref<1x8x256xf32, #tpu.memory_space<vmem_shared>> -> memref<8x256xf32, #tpu.memory_space<vmem_shared>>
    tpu.wait_dma2 semaphore(%dma_wait3A_1894 : memref<!tpu.dma_semaphore, #tpu.memory_space<semaphore_mem>>) src(%dma_wait3A_1905 : memref<8x256xf32, #tpu.memory_space<vmem_shared>>) dst(%dma_wait3A_1896 : memref<8x256xf32, #tpu.memory_space<hbm>>)
    return
  }
}

</mosaic_0001>

<sc_bundles>
// kernel: kernel.3.cloned.1.call-start
scs
__scs_entry_jumppad:
0x0: {  	(pc) =	sbr.rel $0x88, $3  }
0x1: {  	(tag) =	ssettag $0x0;
	lr =	simm.s32 $0x1  }
0x2: {  	[smem:$0x3F9F] =	sst lr;
	_ =	strace $0xD0000000  }
0x3: {  	_ = 	snop  }
0x4: {  	_ = 	snop  }
0x5: {  	_ = 	snop  }
0x6: {  	_ = 	snop  }
0x7: {  	_ = 	snop  }
__scs_overlays_trampoline_lowered:
0x8: {  	[smem:$0x3FAE] =	sst s0  }
0x9: {  	[smem:$0x3FAF] =	sst s1  }
0xa: {  	[smem:$0x3FB0] =	sst s2  }
0xb: {  	[smem:$0x3FB1] =	sst s3  }
0xc: {  	[smem:$0x3FB2] =	sst s4  }
0xd: {  	[smem:$0x3FB3] =	sst s5  }
0xe: {  	[smem:$0x3FB4] =	sst s6  }
0xf: {  	[smem:$0x3FB5] =	sst s7  }
0x10: {  	[smem:$0x3FB6] =	sst s8  }
0x11: {  	[smem:$0x3FB7] =	sst s9;
	s0 =	simm.s32 @!p0 $0x0  }
0x12: {  	s1 =	sld [smem:$0x3F9D];
	s0 =	simm.s32 @p0 $0x1  }
0x13: {  	[smem:$0x3FB8] =	sst s0;
	s0 =	simm.s32 @!p1 $0x0  }
0x14: {  	s2 =	sld [smem:$0x3F9C];
	s0 =	simm.s32 @p1 $0x1  }
0x15: {  	[smem:$0x3FB9] =	sst s0;
	s0 =	simm.s32 @!p2 $0x0  }
0x16: {  	s3 =	sld [smem:$0x3FDB];
	s0 =	simm.s32 @p2 $0x1  }
0x17: {  	s4 =	simm.s32 $0x1BF5;
	[smem:$0x3FBB] =	sst s0  }
0x18: {  	s0 =	sld [smem:$0x3F9E];
	_ =	swait.ge [sflag:s4], $0x0  }
0x19: {  	s7 =	sld [smem:$0x3F9F]  }
0x1a: {  	s8 =	sadd.s32 $0xFFFFE003, lr  }
0x1b: {  	s9 =	sadd.s32 $0xFFFFFEF7, lr;
	s5 =	simm.s32 $0xFFFFFFFF;
	p2 =	slt.u32 s8, $0xFFFFF086  }
0x1c: {  	p1 =	slt.u32 s9, $0xF7A;
	s5 =	simm.s32 @!p2 $0x0  }
0x1d: {  	s5 =	simm.s32 @p1 $0x1;
	p0 =	seq.s32 s7, s2  }
0x1e: {  	s7 =	smul.u32 @!p0 $0xF7A, s2;
	p2 =	seq.s32 @!p0 s5, $0x0  }
0x1f: {  	s9 =	smul.u32 $0xF7A, s1;
	s8 =	simm.s32 @!p0 $0x1BF5;
	p2 =	por !p2, p0  }
0x20: {  	[sflag:s8] =	ssyncset.s32 @!p0 $0xFFFFF086;
	s6 =	sadd.s32 @!p0 s3, s7;
	s7 =	simm.s32 @!p0 $0x108  }
0x21: {  	s3 =	sadd.s32 s3, s9;
	s6 =	sadd.s32 @!p0 $0x88, s6;
	s7 =	simm.s32 @p2 $0x1082  }
0x22: {  	[simem:s7], [sflag:s8] =	dma.local @!p0 [hbm:s6], $0xF7A  }
0x23: {  	s9 =	sor.u32 $0xD0000000, s2;
	s6 =	simm.s32 $0x108;
	_ =	swait.ge @!p0 [sflag:s8], $0x0  }
0x24: {  	s3 =	sadd.s32 $0x88, s3;
	s6 =	simm.s32 @!p1 $0x1082;
	[sflag:s4] =	ssyncset.s32 $0xFFFFF086  }
0x25: {  	[simem:s6], [sflag:s4] =	dma.local [hbm:s3], $0xF7A  }
0x26: {  	[smem:$0x3F9F] =	sst s1;
	(tag) =	ssettag s2;
	_ =	strace s9  }
0x27: {  	s1 =	sld [smem:$0x3FAF]  }
0x28: {  	s2 =	sld [smem:$0x3FB0]  }
0x29: {  	s4 =	sld [smem:$0x3FB2]  }
0x2a: {  	p0 =	seq.s32 s5, $0x0;
	s5 =	sld [smem:$0x3FB3]  }
0x2b: {  	s6 =	sld [smem:$0x3FB4]  }
0x2c: {  	s7 =	sld [smem:$0x3FB5]  }
0x2d: {  	s3 =	simm.s32 $0x108;
	s8 =	sld [smem:$0x3FB6]  }
0x2e: {  	s3 =	simm.s32 @!p0 $0x1082;
	s9 =	sld [smem:$0x3FB7]  }
0x2f: {  	lr =	sadd.s32 s0, s3;
	s0 =	sld [smem:$0x3FAE]  }
0x30: {  	s3 =	sld [smem:$0x3FB1]  }
0x31: {  	[smem:$0x3FBA] =	sst s10  }
0x32: {  	s10 =	sld [smem:$0x3FB8];
	_ =	sdelay $0x3  }
0x33: {  	p0 =	seq.s32 s10, $0x1;
	s10 =	sld [smem:$0x3FBA];
	_ =	sdelay $0x3  }
0x34: {  	[smem:$0x3FBA] =	sst s10  }
0x35: {  	s10 =	sld [smem:$0x3FB9];
	_ =	sdelay $0x3  }
0x36: {  	p1 =	seq.s32 s10, $0x1;
	s10 =	sld [smem:$0x3FBA];
	_ =	sdelay $0x3  }
0x37: {  	[smem:$0x3FBA] =	sst s10  }
0x38: {  	s10 =	sld [smem:$0x3FBB]  }
0x39: {  	_ = 	snop;
	(pc) =	sbr.ind lr, $3  }
0x3a: {  	_ = 	snop  }
0x3b: {  	_ = 	snop  }
0x3c: {  	p2 =	seq.s32 s10, $0x1;
	s10 =	sld [smem:$0x3FBA]  }
0x3d: {  	_ =	shalt  }
0x3e: {  	_ =	shalt  }
0x3f: {  	_ =	shalt  }
0x40: {  	_ =	shalt  }
0x41: {  	_ =	shalt  }
0x42: {  	_ =	shalt  }
0x43: {  	_ =	shalt  }
0x44: {  	_ =	shalt  }
0x45: {  	_ =	shalt  }
0x46: {  	_ =	shalt  }
0x47: {  	_ =	shalt  }
0x48: {  	_ =	shalt  }
0x49: {  	_ =	shalt  }
0x4a: {  	_ =	shalt  }
0x4b: {  	_ =	shalt  }
0x4c: {  	_ =	shalt  }
0x4d: {  	_ =	shalt  }
0x4e: {  	_ =	shalt  }
0x4f: {  	_ =	shalt  }
0x50: {  	_ =	shalt  }
0x51: {  	_ =	shalt  }
0x52: {  	_ =	shalt  }
0x53: {  	_ =	shalt  }
0x54: {  	_ =	shalt  }
0x55: {  	_ =	shalt  }
0x56: {  	_ =	shalt  }
0x57: {  	_ =	shalt  }
0x58: {  	_ =	shalt  }
0x59: {  	_ =	shalt  }
0x5a: {  	_ =	shalt  }
0x5b: {  	_ =	shalt  }
0x5c: {  	_ =	shalt  }
0x5d: {  	_ =	shalt  }
0x5e: {  	_ =	shalt  }
0x5f: {  	_ =	shalt  }
0x60: {  	_ =	shalt  }
0x61: {  	_ =	shalt  }
0x62: {  	_ =	shalt  }
0x63: {  	_ =	shalt  }
0x64: {  	_ =	shalt  }
0x65: {  	_ =	shalt  }
0x66: {  	_ =	shalt  }
0x67: {  	_ =	shalt  }
0x68: {  	_ =	shalt  }
0x69: {  	_ =	shalt  }
0x6a: {  	_ =	shalt  }
0x6b: {  	_ =	shalt  }
0x6c: {  	_ =	shalt  }
0x6d: {  	_ =	shalt  }
0x6e: {  	_ =	shalt  }
0x6f: {  	_ =	shalt  }
0x70: {  	_ =	shalt  }
0x71: {  	_ =	shalt  }
0x72: {  	_ =	shalt  }
0x73: {  	_ =	shalt  }
0x74: {  	_ =	shalt  }
0x75: {  	_ =	shalt  }
0x76: {  	_ =	shalt  }
0x77: {  	_ =	shalt  }
0x78: {  	_ =	shalt  }
0x79: {  	_ =	shalt  }
0x7a: {  	_ =	shalt  }
0x7b: {  	_ =	shalt  }
0x7c: {  	_ =	shalt  }
0x7d: {  	_ =	shalt  }
0x7e: {  	_ =	shalt  }
0x7f: {  	_ =	shalt  }
0x80: {  	_ =	shalt  }
0x81: {  	_ =	shalt  }
0x82: {  	_ =	shalt  }
0x83: {  	_ =	shalt  }
0x84: {  	_ =	shalt  }
0x85: {  	_ =	shalt  }
0x86: {  	_ =	shalt  }
0x87: {  	_ =	shalt  }
.Lfunc_end0:
.L_simem_size_0:
called_computation_lowered:
.L_overlay_start_0:
0x88: {  	s2 =	sld [smem:$0x3FD9]  }
0x89: {  	s3 =	sld [smem:$0x3FFE];
	_ =	sdelay $0x1  }
0x8a: {  	s1 =	srdreg.scid  }
0x8b: {  	s0 =	sand.u32 $0x1, s1  }
0x8c: {  	s18 =	sshll.u32 s0, $0xA;
	s2 =	sadd.s32 s3, s2  }
0x8d: {  	s2 =	sadd.s32 s2, s18  }
0x8e: {  	[smem:$0x3FC6] =	sst s2  }
0x8f: {  	_ = 	snop  }
0x90: {  	s2 =	sld [smem:$0x3FC9]  }
0x91: {  	s19 =	sld [smem:$0x3FC8]  }
0x92: {  	s4 =	sld [smem:$0x3FD0];
	(tm) =	ssettm $0x1  }
0x93: {  	s5 =	sld [smem:$0x3FFB];
	_ =	sdelay $0x3  }
0x94: {  	_ =	strace s5  }
0x95: {  	s5 =	sld [smem:$0x3FFC];
	_ =	sdelay $0x3  }
0x96: {  	_ =	strace s5  }
0x97: {  	s5 =	sld [smem:$0x3FFD];
	_ =	sdelay $0x3  }
0x98: {  	_ =	strace s5  }
0x99: {  	_ =	strace $0x8FFFFFFF  }
0x9a: {  	s20 =	sld [smem:$0x3FDB];
	_ =	sdelay $0x1  }
0x9b: {  	s6 =	simm.s32 $_scs_section_size  }
0x9c: {  	s7 =	simm.s32 $_size__tile_overlayer_lowered;
	s8 =	simm.s32 $_tile_overlayer_lowered  }
0x9d: {  	s23 =	simm.s32 $0x1BFF;
	s22 =	sshll.u32 s8, $0x1;
	s5 =	sadd.s32 s6, s20  }
0x9e: {  	s9 =	simm.s32 $0x0;
	s21 =	sshll.u32 s7, $0x1;
	s7 =	sadd.s32 s22, s5  }
0x9f: {  	[timem:s9], [sflag:s23] =	dma.local [hbm:s7], s21  }
0xa0: {  	_ =	swait.ge [sflag:s23], s21  }
0xa1: {  	s6 =	ssub.s32 $0x0, s21;
	[sflag:s23] =	ssyncset.done $0x0  }
0xa2: {  	[sflag:s23] =	ssyncadd.s32 s6;
	_ =	sdelay $0x1  }
0xa3: {  	s24 =	simm.s32 $0x1B8B  }
0xa4: {  	_ =	swait.ge [sflag:s24], $0x1  }
0xa5: {  	[sflag:s24] =	ssyncset.done $0x0  }
0xa6: {  	s25 =	simm.s32 $0x1B8E;
	[sflag:s24] =	ssyncadd.s32 $0xFFFFFFFF  }
0xa7: {  	s26 =	simm.s32 $execute0_lowered;
	[smem:$0x3FD2] =	sst s25  }
0xa8: {  	s6 =	sshll.u32 s26, $0x1;
	_ =	strace $0x80000046;
	[dreg:$0x1] =	wrdreg $0xFFFFFFFF  }
0xa9: {  	s28 =	simm.s32 $_size_execute0_lowered;
	s5 =	sadd.s32 s5, s6;
	[dreg:$0x0] =	wrdreg $0x0  }
0xaa: {  	s6 =	sshll.u32 s28, $0x1;
	[dreg:$0x2] =	wrdreg s5  }
0xab: {  	[dreg:$0x3] =	wrdreg s6  }
0xac: {  	[dreg:$0x4] =	wrdreg $0xC0  }
0xad: {  	_ =	task [dreg:s9], $0x5FFFF  }
0xae: {  	[dreg:$0x1] =	wrdreg $0xFFFFFFFF  }
0xaf: {  	[dreg:$0x0] =	wrdreg $0x60  }
0xb0: {  	[dreg:$0x2] =	wrdreg s2  }
0xb1: {  	[dreg:$0x3] =	wrdreg s19  }
0xb2: {  	[dreg:$0x4] =	wrdreg s4  }
0xb3: {  	[dreg:$0x5] =	wrdreg $0x0  }
0xb4: {  	[dreg:$0x6] =	wrdreg $0x9  }
0xb5: {  	_ =	task.clear_ibuf [dreg:s9], $0x7FFFF;
	_ =	strace $0x90000046  }
0xb6: {  	s29 =	simm.s32 $0x9;
	_ =	strace $0x80000048  }
0xb7: {  	_ =	swait.ge [sflag:s29], $0x1  }
0xb8: {  	[sflag:s29] =	ssyncadd.s32 $0xFFFFFFFF  }
0xb9: {  	_ =	strace $0x90000048  }
0xba: {  	_ =	sfence  }
0xbb: {  	s30 =	sld [smem:$0x0];
	_ =	sdelay $0x2  }
0xbc: {  	s31 =	sshll.u32 s1, $0xD;
	s1 =	sshrl.u32 s1, $0x2  }
0xbd: {  	s3 =	sand.u32 $0x4000, s31;
	s1 =	sadd.s32 s1, s30  }
0xbe: {  	s0 =	sor.u32 s3, s0;
	s1 =	sshll.u32 s1, $0x11  }
0xbf: {  	s0 =	sor.u32 s1, s0  }
0xc0: {  	s0 =	sadd.s32 $0x8F2B, s0  }
0xc1: {  	[sflag:s0] =	ssyncadd.remote.s32 $0x1  }
0xc2: {  	_ =	sfence.sel $0xFFFF  }
0xc3: {  	[dreg:$0x0] =	wrdreg $0xFFFFFFFF;
	(pc) =	sbr.abs _section_cstart, $3  }
0xc4: {  	[dreg:$0x1] =	wrdreg $0xFFFFFFFF  }
0xc5: {  	_ =	task.clear_ibuf [dreg:s9], $0x2FFFF;
	_ =	strace $0x9FFFFFFF  }
0xc6: {  	(tm) =	ssettm $0x7FFFFFFF  }
0xc7: {  	_ =	shalt  }
tec
execute0_lowered:
.L_overlay_start_1:
0x0: {  	(tag) =	ssettag $0x1  }
0x1: {  	s1 =	srdreg.scid;
	s0 =	stileid.u32  }
0x2: {  	s3 =	rddreg [dreg:$0x0];
	s7 =	sand.u32 $0x1, s1;
	s10 =	sshll.u32 s0, $0x1  }
0x3: {  	s4 =	rddreg [dreg:$0x1];
	s1 =	sor.u32 s7, s10  }
0x4: {  	s5 =	rddreg [dreg:$0x2];
	s1 =	smul.u32 $0xC38, s1  }
0x5: {  	s2 =	rddreg [dreg:$0x3]  }
0x6: {  	s30 =	rddreg [dreg:$0x4];
	s8 =	simm.s32 $0x0;
	s6 =	smin.u32 s1, $0x17A68  }
0x7: {  	[smem:$0x7FF] =	sst s8;
	s8 =	sadd.s32 $0x100, s5;
	s1 =	sshll.u32 s6, $0x5  }
0x8: {  	_ =	strace $0x80000047;
	s9 =	sshll.u32 s6, $0x6;
	s11 =	sadd.s32 s3, s1  }
0x9: {  	s10 =	sadd.s32 $0xF0, s6;
	s1 =	sadd.s32 s4, s1;
	[dreg:$0x5] =	wrdreg s11  }
0xa: {  	s17 =	sadd.s32 $0x1E0, s6;
	s12 =	sadd.s32 s5, s9;
	[dreg:$0x6] =	wrdreg s1  }
0xb: {  	s14 =	sadd.s32 s9, s8;
	s16 =	sshll.u32 s10, $0x6;
	[dreg:$0x7] =	wrdreg s12  }
0xc: {  	s19 =	sshll.u32 s17, $0x5;
	[dreg:$0x9] =	wrdreg s14;
	s18 =	sadd.s32 s5, s16  }
0xd: {  	s20 =	sadd.s32 s3, s19;
	[dreg:$0xb] =	wrdreg s18  }
0xe: {  	s24 =	sadd.s32 $0x2D0, s6;
	s21 =	sadd.s32 s16, s8;
	[dreg:$0xc] =	wrdreg s20  }
0xf: {  	s23 =	sshll.u32 s17, $0x6;
	s22 =	sadd.s32 s4, s19;
	[dreg:$0xd] =	wrdreg s21  }
0x10: {  	s26 =	sshll.u32 s24, $0x5;
	s25 =	sadd.s32 s5, s23;
	[dreg:$0xe] =	wrdreg s22  }
0x11: {  	s28 =	sadd.s32 s3, s26;
	[dreg:$0xf] =	wrdreg s25  }
0x12: {  	p0 =	por $0x0, $0x0;
	s29 =	sadd.s32 s23, s8;
	[dreg:$0x10] =	wrdreg s28  }
0x13: {  	s11 =	sshll.u32 s10, $0x5;
	s9 =	sadd.s32 s4, s26;
	[dreg:$0x11] =	wrdreg s29  }
0x14: {  	s12 =	sadd.s32 $0x3C0, s6;
	s13 =	sadd.s32 s3, s11;
	[dreg:$0x12] =	wrdreg s9  }
0x15: {  	s15 =	sadd.s32 s4, s11;
	s11 =	sshll.u32 s24, $0x6;
	[dreg:$0x8] =	wrdreg s13  }
0x16: {  	s14 =	sshll.u32 s12, $0x5;
	[dreg:$0xa] =	wrdreg s15;
	s13 =	sadd.s32 s5, s11  }
0x17: {  	s7 =	ssub.s32 $0x2, s7;
	s15 =	sadd.s32 s3, s14;
	[dreg:$0x13] =	wrdreg s13  }
0x18: {  	s19 =	sadd.s32 $0x4B0, s6;
	s16 =	sadd.s32 s11, s8;
	[dreg:$0x14] =	wrdreg s15  }
0x19: {  	s18 =	sshll.u32 s12, $0x6;
	s17 =	sadd.s32 s4, s14;
	[dreg:$0x15] =	wrdreg s16  }
0x1a: {  	s21 =	sshll.u32 s19, $0x5;
	s20 =	sadd.s32 s5, s18;
	[dreg:$0x16] =	wrdreg s17  }
0x1b: {  	s26 =	sadd.s32 $0x5A0, s6;
	s22 =	sadd.s32 s3, s21;
	[dreg:$0x17] =	wrdreg s20  }
0x1c: {  	s25 =	sshll.u32 s19, $0x6;
	s23 =	sadd.s32 s18, s8;
	[dreg:$0x18] =	wrdreg s22  }
0x1d: {  	s29 =	sshll.u32 s26, $0x5;
	s24 =	sadd.s32 s4, s21;
	[dreg:$0x19] =	wrdreg s23  }
0x1e: {  	s28 =	sadd.s32 s5, s25;
	s12 =	sadd.s32 s3, s29;
	[dreg:$0x1a] =	wrdreg s24  }
0x1f: {  	s14 =	sadd.s32 s4, s29;
	s29 =	smul.u32 $0x78000, s0;
	[dreg:$0x1b] =	wrdreg s28  }
0x20: {  	[dreg:$0x1c] =	wrdreg s12;
	s13 =	sadd.s32 s25, s8;
	s15 =	sshll.u32 s26, $0x6  }
0x21: {  	s16 =	sadd.s32 $0x690, s6;
	[dreg:$0x1e] =	wrdreg s14;
	s23 =	sadd.s32 $0x780, s6  }
0x22: {  	s14 =	sadd.s32 $0x870, s6;
	[dreg:$0x1d] =	wrdreg s13;
	s17 =	sadd.s32 s5, s15  }
0x23: {  	s18 =	sshll.u32 s16, $0x5;
	s20 =	sadd.s32 s15, s8;
	[dreg:$0x1f] =	wrdreg s17  }
0x24: {  	s22 =	sshll.u32 s16, $0x6;
	s19 =	sadd.s32 s3, s18;
	[smem:$0x7F0] =	sst s20  }
0x25: {  	s25 =	sshll.u32 s23, $0x5;
	s21 =	sadd.s32 s4, s18;
	[smem:$0x7EF] =	sst s19  }
0x26: {  	s10 =	sshll.u32 s23, $0x6;
	s24 =	sadd.s32 s5, s22;
	[smem:$0x7F1] =	sst s21  }
0x27: {  	s12 =	sshll.u32 s14, $0x5;
	s26 =	sadd.s32 s3, s25;
	[smem:$0x7F2] =	sst s24  }
0x28: {  	s9 =	sshrl.u32 s29, $0x2;
	s28 =	sadd.s32 s22, s8;
	[smem:$0x7F3] =	sst s26  }
0x29: {  	s29 =	sadd.s32 $0xA50, s6;
	s13 =	sadd.s32 s4, s25;
	[smem:$0x7F4] =	sst s28  }
0x2a: {  	s16 =	sadd.s32 s5, s10;
	s17 =	sadd.s32 s3, s12;
	[smem:$0x7F5] =	sst s13  }
0x2b: {  	s18 =	sadd.s32 s10, s8;
	s20 =	sshll.u32 s14, $0x6;
	[smem:$0x7F6] =	sst s16  }
0x2c: {  	s11 =	sshll.u32 s29, $0x5;
	s1 =	sshll.u32 s29, $0x6;
	[smem:$0x7F7] =	sst s17  }
0x2d: {  	s13 =	sshrl.u32 s7, $0x1;
	s28 =	sadd.s32 s9, s2;
	[smem:$0x7F8] =	sst s18  }
0x2e: {  	s19 =	sadd.s32 s4, s12;
	s21 =	sadd.s32 $0x960, s6;
	s22 =	sadd.s32 s5, s20  }
0x2f: {  	s26 =	sshll.u32 s0, $0x6;
	s25 =	sadd.s32 s20, s8;
	s17 =	sadd.s32 s1, s8  }
0x30: {  	s16 =	sadd.s32 $0xC30, s6;
	s15 =	ssub.s32 s7, s13;
	[smem:$0x7F9] =	sst s19  }
0x31: {  	s23 =	sshll.u32 s21, $0x5;
	[smem:$0x7FA] =	sst s22;
	s2 =	sor.u32 $0x1C01, s26  }
0x32: {  	s12 =	sadd.s32 $0xF000, s28;
	[smem:$0x7FC] =	sst s25;
	s9 =	sshll.u32 s21, $0x6  }
0x33: {  	s13 =	sadd.s32 $0xB40, s6;
	s22 =	sadd.s32 s4, s11;
	s21 =	sadd.s32 s5, s1  }
0x34: {  	s19 =	sshll.u32 s16, $0x5;
	s1 =	sshll.u32 s16, $0x6;
	s16 =	simm.s32 $0x10  }
0x35: {  	s6 =	simm.s32 $0x3;
	s24 =	sadd.s32 s3, s23;
	s10 =	sadd.s32 s4, s23  }
0x36: {  	s25 =	sadd.s32 s5, s9;
	s23 =	sadd.s32 s9, s8;
	s14 =	sshll.u32 s13, $0x5  }
0x37: {  	s18 =	sshll.u32 s13, $0x6;
	s7 =	sadd.s32 s4, s19;
	s29 =	smax.u32 s15, $0x1  }
0x38: {  	s9 =	simm.s32 $0x1;
	s15 =	sshrl.u32 s28, $0x3;
	[smem:$0x7FB] =	sst s24  }
0x39: {  	[smem:$0x7FD] =	sst s10;
	s24 =	sadd.s32 s3, s11;
	p1 =	sne.s32 s29, $0x1  }
.Ltmp0:
0x3a: {  	s20 =	sadd.s32 s3, s14;
	s14 =	sadd.s32 s4, s14;
	(pc) =	sbr.rel @!p1 .LBB2_5-.Ltmp0, $4  }
0x3b: {  	s13 =	sadd.s32 s5, s18;
	s11 =	sadd.s32 s3, s19;
	s10 =	sadd.s32 s18, s8  }
0x3c: {  	s5 =	sadd.s32 s5, s1;
	s3 =	sadd.s32 s1, s8;
	s4 =	sshrl.u32 s12, $0x3  }
0x3d: {  	s18 =	simm.s32 $0x200;
	s19 =	simm.s32 $0x100;
	s31 =	sadd.s32 $0xFFFFFFFF, s29  }
0x3e: {  	s12 =	simm.s32 $0x2;
	s8 =	simm.s32 $0x4;
	s1 =	rddreg [dreg:$0x5]  }
0x3f: {  	[spmem:s15], [sflag:s2] =	dma.local [hbm:s1], $0x1E00  }
0x40: {  	s28 =	sor.u32 $0x1C02, s26;
	s1 =	rddreg [dreg:$0x6]  }
0x41: {  	[spmem:s4], [sflag:s28] =	dma.local [hbm:s1], $0x1E00  }
0x42: {  	_ =	swait.ge [sflag:s9], $0x1E00  }
0x43: {  	[sflag:s9] =	ssyncset.done $0x0  }
0x44: {  	s29 =	sor.u32 $0x1C03, s26;
	s1 =	rddreg [dreg:$0x7];
	[sflag:s9] =	ssyncadd.s32 $0xFFFFE200  }
0x45: {  	[hbm:s1@s18], [sflag:s29] =	dma.strided [spmem:s15@s19], $0x1E00, s16, $0x10   }
0x46: {  	_ =	swait.ge [sflag:s6], $0x1E00  }
0x47: {  	[sflag:s6] =	ssyncset.done $0x0  }
0x48: {  	s1 =	rddreg [dreg:$0x8];
	[sflag:s6] =	ssyncadd.s32 $0xFFFFE200  }
0x49: {  	[spmem:s15], [sflag:s2] =	dma.local [hbm:s1], $0x1E00  }
0x4a: {  	_ =	swait.ge [sflag:s12], $0x1E00  }
0x4b: {  	[sflag:s12] =	ssyncset.done $0x0  }
0x4c: {  	s30 =	sor.u32 $0x1C04, s26;
	s1 =	rddreg [dreg:$0x9];
	[sflag:s12] =	ssyncadd.s32 $0xFFFFE200  }
0x4d: {  	[hbm:s1@s18], [sflag:s30] =	dma.strided [spmem:s4@s19], $0x1E00, s16, $0x10   }
0x4e: {  	_ =	swait.ge [sflag:s8], $0x1E00  }
0x4f: {  	[sflag:s8] =	ssyncset.done $0x0  }
0x50: {  	s1 =	rddreg [dreg:$0xa];
	[sflag:s8] =	ssyncadd.s32 $0xFFFFE200  }
0x51: {  	[spmem:s4], [sflag:s28] =	dma.local [hbm:s1], $0x1E00  }
0x52: {  	_ =	swait.ge [sflag:s9], $0x1E00  }
0x53: {  	[sflag:s9] =	ssyncset.done $0x0  }
0x54: {  	s1 =	rddreg [dreg:$0xb];
	[sflag:s9] =	ssyncadd.s32 $0xFFFFE200  }
0x55: {  	[hbm:s1@s18], [sflag:s29] =	dma.strided [spmem:s15@s19], $0x1E00, s16, $0x10   }
0x56: {  	_ =	swait.ge [sflag:s6], $0x1E00  }
0x57: {  	[sflag:s6] =	ssyncset.done $0x0  }
0x58: {  	s1 =	rddreg [dreg:$0xc];
	[sflag:s6] =	ssyncadd.s32 $0xFFFFE200  }
0x59: {  	[spmem:s15], [sflag:s2] =	dma.local [hbm:s1], $0x1E00  }
0x5a: {  	_ =	swait.ge [sflag:s12], $0x1E00  }
0x5b: {  	[sflag:s12] =	ssyncset.done $0x0  }
0x5c: {  	s1 =	rddreg [dreg:$0xd];
	[sflag:s12] =	ssyncadd.s32 $0xFFFFE200  }
0x5d: {  	[hbm:s1@s18], [sflag:s30] =	dma.strided [spmem:s4@s19], $0x1E00, s16, $0x10   }
0x5e: {  	_ =	swait.ge [sflag:s8], $0x1E00  }
0x5f: {  	[sflag:s8] =	ssyncset.done $0x0  }
0x60: {  	s1 =	rddreg [dreg:$0xe];
	[sflag:s8] =	ssyncadd.s32 $0xFFFFE200  }
0x61: {  	[spmem:s4], [sflag:s28] =	dma.local [hbm:s1], $0x1E00  }
0x62: {  	_ =	swait.ge [sflag:s9], $0x1E00  }
0x63: {  	[sflag:s9] =	ssyncset.done $0x0  }
0x64: {  	s1 =	rddreg [dreg:$0xf];
	[sflag:s9] =	ssyncadd.s32 $0xFFFFE200  }
0x65: {  	[hbm:s1@s18], [sflag:s29] =	dma.strided [spmem:s15@s19], $0x1E00, s16, $0x10   }
0x66: {  	_ =	swait.ge [sflag:s6], $0x1E00  }
0x67: {  	[sflag:s6] =	ssyncset.done $0x0  }
0x68: {  	s1 =	rddreg [dreg:$0x10];
	[sflag:s6] =	ssyncadd.s32 $0xFFFFE200  }
0x69: {  	[spmem:s15], [sflag:s2] =	dma.local [hbm:s1], $0x1E00  }
0x6a: {  	_ =	swait.ge [sflag:s12], $0x1E00  }
0x6b: {  	[sflag:s12] =	ssyncset.done $0x0  }
0x6c: {  	s1 =	rddreg [dreg:$0x11];
	[sflag:s12] =	ssyncadd.s32 $0xFFFFE200  }
0x6d: {  	[hbm:s1@s18], [sflag:s30] =	dma.strided [spmem:s4@s19], $0x1E00, s16, $0x10   }
0x6e: {  	_ =	swait.ge [sflag:s8], $0x1E00  }
0x6f: {  	[sflag:s8] =	ssyncset.done $0x0  }
0x70: {  	s1 =	rddreg [dreg:$0x12];
	[sflag:s8] =	ssyncadd.s32 $0xFFFFE200  }
0x71: {  	[spmem:s4], [sflag:s28] =	dma.local [hbm:s1], $0x1E00  }
0x72: {  	_ =	swait.ge [sflag:s9], $0x1E00  }
0x73: {  	[sflag:s9] =	ssyncset.done $0x0  }
0x74: {  	s1 =	rddreg [dreg:$0x13];
	[sflag:s9] =	ssyncadd.s32 $0xFFFFE200  }
0x75: {  	[hbm:s1@s18], [sflag:s29] =	dma.strided [spmem:s15@s19], $0x1E00, s16, $0x10   }
0x76: {  	_ =	swait.ge [sflag:s6], $0x1E00  }
0x77: {  	[sflag:s6] =	ssyncset.done $0x0  }
0x78: {  	s1 =	rddreg [dreg:$0x14];
	[sflag:s6] =	ssyncadd.s32 $0xFFFFE200  }
0x79: {  	[spmem:s15], [sflag:s2] =	dma.local [hbm:s1], $0x1E00  }
0x7a: {  	_ =	swait.ge [sflag:s12], $0x1E00  }
0x7b: {  	[sflag:s12] =	ssyncset.done $0x0  }
0x7c: {  	s1 =	rddreg [dreg:$0x15];
	[sflag:s12] =	ssyncadd.s32 $0xFFFFE200  }
0x7d: {  	[hbm:s1@s18], [sflag:s30] =	dma.strided [spmem:s4@s19], $0x1E00, s16, $0x10   }
0x7e: {  	_ =	swait.ge [sflag:s8], $0x1E00  }
0x7f: {  	[sflag:s8] =	ssyncset.done $0x0  }
0x80: {  	s1 =	rddreg [dreg:$0x16];
	[sflag:s8] =	ssyncadd.s32 $0xFFFFE200  }
0x81: {  	[spmem:s4], [sflag:s28] =	dma.local [hbm:s1], $0x1E00  }
0x82: {  	_ =	swait.ge [sflag:s9], $0x1E00  }
0x83: {  	[sflag:s9] =	ssyncset.done $0x0  }
0x84: {  	s1 =	rddreg [dreg:$0x17];
	[sflag:s9] =	ssyncadd.s32 $0xFFFFE200  }
0x85: {  	[hbm:s1@s18], [sflag:s29] =	dma.strided [spmem:s15@s19], $0x1E00, s16, $0x10   }
0x86: {  	_ =	swait.ge [sflag:s6], $0x1E00  }
0x87: {  	[sflag:s6] =	ssyncset.done $0x0  }
0x88: {  	s1 =	rddreg [dreg:$0x18];
	[sflag:s6] =	ssyncadd.s32 $0xFFFFE200  }
0x89: {  	[spmem:s15], [sflag:s2] =	dma.local [hbm:s1], $0x1E00  }
0x8a: {  	_ =	swait.ge [sflag:s12], $0x1E00  }
0x8b: {  	[sflag:s12] =	ssyncset.done $0x0  }
0x8c: {  	s1 =	rddreg [dreg:$0x19];
	[sflag:s12] =	ssyncadd.s32 $0xFFFFE200  }
0x8d: {  	[hbm:s1@s18], [sflag:s30] =	dma.strided [spmem:s4@s19], $0x1E00, s16, $0x10   }
0x8e: {  	_ =	swait.ge [sflag:s8], $0x1E00  }
0x8f: {  	[sflag:s8] =	ssyncset.done $0x0  }
0x90: {  	s1 =	rddreg [dreg:$0x1a];
	[sflag:s8] =	ssyncadd.s32 $0xFFFFE200  }
0x91: {  	[spmem:s4], [sflag:s28] =	dma.local [hbm:s1], $0x1E00  }
0x92: {  	_ =	swait.ge [sflag:s9], $0x1E00  }
0x93: {  	[sflag:s9] =	ssyncset.done $0x0  }
0x94: {  	s1 =	rddreg [dreg:$0x1b];
	[sflag:s9] =	ssyncadd.s32 $0xFFFFE200  }
0x95: {  	[hbm:s1@s18], [sflag:s29] =	dma.strided [spmem:s15@s19], $0x1E00, s16, $0x10   }
0x96: {  	_ =	swait.ge [sflag:s6], $0x1E00  }
0x97: {  	[sflag:s6] =	ssyncset.done $0x0  }
0x98: {  	s1 =	rddreg [dreg:$0x1c];
	[sflag:s6] =	ssyncadd.s32 $0xFFFFE200  }
0x99: {  	[spmem:s15], [sflag:s2] =	dma.local [hbm:s1], $0x1E00  }
0x9a: {  	_ =	swait.ge [sflag:s12], $0x1E00  }
0x9b: {  	[sflag:s12] =	ssyncset.done $0x0  }
0x9c: {  	s1 =	rddreg [dreg:$0x1d];
	[sflag:s12] =	ssyncadd.s32 $0xFFFFE200  }
0x9d: {  	[hbm:s1@s18], [sflag:s30] =	dma.strided [spmem:s4@s19], $0x1E00, s16, $0x10   }
0x9e: {  	_ =	swait.ge [sflag:s8], $0x1E00  }
0x9f: {  	[sflag:s8] =	ssyncset.done $0x0  }
0xa0: {  	s1 =	rddreg [dreg:$0x1e];
	[sflag:s8] =	ssyncadd.s32 $0xFFFFE200  }
0xa1: {  	[spmem:s4], [sflag:s28] =	dma.local [hbm:s1], $0x1E00  }
0xa2: {  	_ =	swait.ge [sflag:s9], $0x1E00  }
0xa3: {  	[sflag:s9] =	ssyncset.done $0x0  }
0xa4: {  	s1 =	rddreg [dreg:$0x1f];
	[sflag:s9] =	ssyncadd.s32 $0xFFFFE200  }
0xa5: {  	[hbm:s1@s18], [sflag:s29] =	dma.strided [spmem:s15@s19], $0x1E00, s16, $0x10   }
0xa6: {  	_ =	swait.ge [sflag:s6], $0x1E00  }
0xa7: {  	s1 =	sld [smem:$0x7EF]  }
0xa8: {  	[sflag:s6] =	ssyncset.done $0x0  }
0xa9: {  	[sflag:s6] =	ssyncadd.s32 $0xFFFFE200  }
0xaa: {  	[spmem:s15], [sflag:s2] =	dma.local [hbm:s1], $0x1E00  }
0xab: {  	_ =	swait.ge [sflag:s12], $0x1E00  }
0xac: {  	s1 =	sld [smem:$0x7F0]  }
0xad: {  	[sflag:s12] =	ssyncset.done $0x0  }
0xae: {  	[sflag:s12] =	ssyncadd.s32 $0xFFFFE200  }
0xaf: {  	[hbm:s1@s18], [sflag:s30] =	dma.strided [spmem:s4@s19], $0x1E00, s16, $0x10   }
0xb0: {  	_ =	swait.ge [sflag:s8], $0x1E00  }
0xb1: {  	s1 =	sld [smem:$0x7F1]  }
0xb2: {  	[sflag:s8] =	ssyncset.done $0x0  }
0xb3: {  	[sflag:s8] =	ssyncadd.s32 $0xFFFFE200  }
0xb4: {  	[spmem:s4], [sflag:s28] =	dma.local [hbm:s1], $0x1E00  }
0xb5: {  	_ =	swait.ge [sflag:s9], $0x1E00  }
0xb6: {  	s1 =	sld [smem:$0x7F2]  }
0xb7: {  	[sflag:s9] =	ssyncset.done $0x0  }
0xb8: {  	[sflag:s9] =	ssyncadd.s32 $0xFFFFE200  }
0xb9: {  	[hbm:s1@s18], [sflag:s29] =	dma.strided [spmem:s15@s19], $0x1E00, s16, $0x10   }
0xba: {  	_ =	swait.ge [sflag:s6], $0x1E00  }
0xbb: {  	s1 =	sld [smem:$0x7F3]  }
0xbc: {  	[sflag:s6] =	ssyncset.done $0x0  }
0xbd: {  	[sflag:s6] =	ssyncadd.s32 $0xFFFFE200  }
0xbe: {  	[spmem:s15], [sflag:s2] =	dma.local [hbm:s1], $0x1E00  }
0xbf: {  	_ =	swait.ge [sflag:s12], $0x1E00  }
0xc0: {  	s1 =	sld [smem:$0x7F4]  }
0xc1: {  	[sflag:s12] =	ssyncset.done $0x0  }
0xc2: {  	[sflag:s12] =	ssyncadd.s32 $0xFFFFE200  }
0xc3: {  	[hbm:s1@s18], [sflag:s30] =	dma.strided [spmem:s4@s19], $0x1E00, s16, $0x10   }
0xc4: {  	_ =	swait.ge [sflag:s8], $0x1E00  }
0xc5: {  	s1 =	sld [smem:$0x7F5]  }
0xc6: {  	[sflag:s8] =	ssyncset.done $0x0  }
0xc7: {  	[sflag:s8] =	ssyncadd.s32 $0xFFFFE200  }
0xc8: {  	[spmem:s4], [sflag:s28] =	dma.local [hbm:s1], $0x1E00  }
0xc9: {  	_ =	swait.ge [sflag:s9], $0x1E00  }
0xca: {  	s1 =	sld [smem:$0x7F6]  }
0xcb: {  	[sflag:s9] =	ssyncset.done $0x0  }
0xcc: {  	[sflag:s9] =	ssyncadd.s32 $0xFFFFE200  }
0xcd: {  	[hbm:s1@s18], [sflag:s29] =	dma.strided [spmem:s15@s19], $0x1E00, s16, $0x10   }
0xce: {  	_ =	swait.ge [sflag:s6], $0x1E00  }
0xcf: {  	s1 =	sld [smem:$0x7F7]  }
0xd0: {  	[sflag:s6] =	ssyncset.done $0x0  }
0xd1: {  	[sflag:s6] =	ssyncadd.s32 $0xFFFFE200  }
0xd2: {  	[spmem:s15], [sflag:s2] =	dma.local [hbm:s1], $0x1E00  }
0xd3: {  	_ =	swait.ge [sflag:s12], $0x1E00  }
0xd4: {  	s1 =	sld [smem:$0x7F8]  }
0xd5: {  	[sflag:s12] =	ssyncset.done $0x0  }
0xd6: {  	[sflag:s12] =	ssyncadd.s32 $0xFFFFE200  }
0xd7: {  	[hbm:s1@s18], [sflag:s30] =	dma.strided [spmem:s4@s19], $0x1E00, s16, $0x10   }
0xd8: {  	_ =	swait.ge [sflag:s8], $0x1E00  }
0xd9: {  	s1 =	sld [smem:$0x7F9]  }
0xda: {  	[sflag:s8] =	ssyncset.done $0x0  }
0xdb: {  	[sflag:s8] =	ssyncadd.s32 $0xFFFFE200  }
0xdc: {  	[spmem:s4], [sflag:s28] =	dma.local [hbm:s1], $0x1E00  }
0xdd: {  	_ =	swait.ge [sflag:s9], $0x1E00  }
0xde: {  	s1 =	sld [smem:$0x7FA]  }
0xdf: {  	[sflag:s9] =	ssyncset.done $0x0  }
0xe0: {  	[sflag:s9] =	ssyncadd.s32 $0xFFFFE200  }
0xe1: {  	[hbm:s1@s18], [sflag:s29] =	dma.strided [spmem:s15@s19], $0x1E00, s16, $0x10   }
0xe2: {  	_ =	swait.ge [sflag:s6], $0x1E00  }
0xe3: {  	s1 =	sld [smem:$0x7FB]  }
0xe4: {  	[sflag:s6] =	ssyncset.done $0x0  }
0xe5: {  	[sflag:s6] =	ssyncadd.s32 $0xFFFFE200  }
0xe6: {  	[spmem:s15], [sflag:s2] =	dma.local [hbm:s1], $0x1E00  }
0xe7: {  	_ =	swait.ge [sflag:s12], $0x1E00  }
0xe8: {  	s1 =	sld [smem:$0x7FC]  }
0xe9: {  	[sflag:s12] =	ssyncset.done $0x0  }
0xea: {  	[sflag:s12] =	ssyncadd.s32 $0xFFFFE200  }
0xeb: {  	[hbm:s1@s18], [sflag:s30] =	dma.strided [spmem:s4@s19], $0x1E00, s16, $0x10   }
0xec: {  	_ =	swait.ge [sflag:s8], $0x1E00  }
0xed: {  	s1 =	sld [smem:$0x7FD]  }
0xee: {  	[sflag:s8] =	ssyncset.done $0x0  }
0xef: {  	[sflag:s8] =	ssyncadd.s32 $0xFFFFE200  }
0xf0: {  	[spmem:s4], [sflag:s28] =	dma.local [hbm:s1], $0x1E00  }
0xf1: {  	_ =	swait.ge [sflag:s9], $0x1E00  }
0xf2: {  	[sflag:s9] =	ssyncset.done $0x0  }
0xf3: {  	[sflag:s9] =	ssyncadd.s32 $0xFFFFE200  }
0xf4: {  	[hbm:s25@s18], [sflag:s29] =	dma.strided [spmem:s15@s19], $0x1E00, s16, $0x10   }
0xf5: {  	_ =	swait.ge [sflag:s6], $0x1E00  }
0xf6: {  	[sflag:s6] =	ssyncset.done $0x0  }
0xf7: {  	[sflag:s6] =	ssyncadd.s32 $0xFFFFE200  }
0xf8: {  	[spmem:s15], [sflag:s2] =	dma.local [hbm:s24], $0x1E00  }
0xf9: {  	_ =	swait.ge [sflag:s12], $0x1E00  }
0xfa: {  	[sflag:s12] =	ssyncset.done $0x0  }
0xfb: {  	[sflag:s12] =	ssyncadd.s32 $0xFFFFE200  }
0xfc: {  	[hbm:s23@s18], [sflag:s30] =	dma.strided [spmem:s4@s19], $0x1E00, s16, $0x10   }
0xfd: {  	_ =	swait.ge [sflag:s8], $0x1E00  }
0xfe: {  	[sflag:s8] =	ssyncset.done $0x0  }
0xff: {  	[sflag:s8] =	ssyncadd.s32 $0xFFFFE200  }
0x100: {  	[spmem:s4], [sflag:s28] =	dma.local [hbm:s22], $0x1E00  }
0x101: {  	_ =	swait.ge [sflag:s9], $0x1E00  }
0x102: {  	[sflag:s9] =	ssyncset.done $0x0  }
0x103: {  	[sflag:s9] =	ssyncadd.s32 $0xFFFFE200  }
0x104: {  	[hbm:s21@s18], [sflag:s29] =	dma.strided [spmem:s15@s19], $0x1E00, s16, $0x10   }
0x105: {  	_ =	swait.ge [sflag:s6], $0x1E00  }
0x106: {  	[sflag:s6] =	ssyncset.done $0x0  }
0x107: {  	[sflag:s6] =	ssyncadd.s32 $0xFFFFE200  }
0x108: {  	[spmem:s15], [sflag:s2] =	dma.local [hbm:s20], $0x1E00  }
0x109: {  	_ =	swait.ge [sflag:s12], $0x1E00  }
0x10a: {  	[sflag:s12] =	ssyncset.done $0x0  }
0x10b: {  	[sflag:s12] =	ssyncadd.s32 $0xFFFFE200  }
0x10c: {  	[hbm:s17@s18], [sflag:s30] =	dma.strided [spmem:s4@s19], $0x1E00, s16, $0x10   }
0x10d: {  	_ =	swait.ge [sflag:s8], $0x1E00  }
0x10e: {  	[sflag:s8] =	ssyncset.done $0x0  }
0x10f: {  	[sflag:s8] =	ssyncadd.s32 $0xFFFFE200  }
0x110: {  	[spmem:s4], [sflag:s28] =	dma.local [hbm:s14], $0x1E00  }
0x111: {  	_ =	swait.ge [sflag:s9], $0x1E00  }
0x112: {  	[sflag:s9] =	ssyncset.done $0x0  }
0x113: {  	[sflag:s9] =	ssyncadd.s32 $0xFFFFE200  }
0x114: {  	[hbm:s13@s18], [sflag:s29] =	dma.strided [spmem:s15@s19], $0x1E00, s16, $0x10   }
0x115: {  	_ =	swait.ge [sflag:s6], $0x1E00  }
0x116: {  	[sflag:s6] =	ssyncset.done $0x0  }
0x117: {  	[sflag:s6] =	ssyncadd.s32 $0xFFFFE200  }
0x118: {  	[spmem:s15], [sflag:s2] =	dma.local [hbm:s11], $0x100  }
0x119: {  	_ =	swait.ge [sflag:s12], $0x1E00  }
0x11a: {  	[sflag:s12] =	ssyncset.done $0x0  }
0x11b: {  	[sflag:s12] =	ssyncadd.s32 $0xFFFFE200  }
0x11c: {  	[hbm:s10@s18], [sflag:s30] =	dma.strided [spmem:s4@s19], $0x1E00, s16, $0x10   }
0x11d: {  	_ =	swait.ge [sflag:s8], $0x1E00  }
0x11e: {  	[sflag:s8] =	ssyncset.done $0x0  }
0x11f: {  	[sflag:s8] =	ssyncadd.s32 $0xFFFFE200  }
0x120: {  	[spmem:s4], [sflag:s28] =	dma.local [hbm:s7], $0x100  }
0x121: {  	_ =	swait.ge [sflag:s9], $0x100  }
0x122: {  	[sflag:s9] =	ssyncset.done $0x0  }
0x123: {  	[sflag:s9] =	ssyncadd.s32 $0xFFFFFF00  }
0x124: {  	[hbm:s5], [sflag:s29] =	dma.local [spmem:s15], $0x100  }
0x125: {  	_ =	swait.ge [sflag:s12], $0x100  }
0x126: {  	[sflag:s12] =	ssyncset.done $0x0  }
0x127: {  	p1 =	sne.s32 s31, $0x1;
	[sflag:s12] =	ssyncadd.s32 $0xFFFFFF00  }
0x128: {  	[hbm:s3], [sflag:s30] =	dma.local [spmem:s4], $0x100  }
.Ltmp1:
0x129: {  	_ =	swait.ge [sflag:s6], $0x100;
	(pc) =	sbr.rel @!p1 .LBB2_2-.Ltmp1, $4  }
0x12a: {  	[sflag:s6] =	ssyncset.done $0x0  }
0x12b: {  	[sflag:s6] =	ssyncadd.s32 $0xFFFFFF00  }
0x12c: {  	s31 =	sadd.s32 $0xFFFFFFFF, s31;
	_ =	swait.ge [sflag:s8], $0x100  }
0x12d: {  	p0 =	por $0x1, $0x1;
	s1 =	rddreg [dreg:$0x5];
	[sflag:s8] =	ssyncset.done $0x0  }
.LBB2_3:
0x12e: {  	[sflag:s8] =	ssyncadd.s32 $0xFFFFFF00  }
0x12f: {  	[spmem:s15], [sflag:s2] =	dma.local [hbm:s1], $0x1E00  }
0x130: {  	s1 =	rddreg [dreg:$0x6]  }
0x131: {  	[spmem:s4], [sflag:s28] =	dma.local [hbm:s1], $0x1E00  }
0x132: {  	_ =	swait.ge [sflag:s9], $0x1E00  }
0x133: {  	[sflag:s9] =	ssyncset.done $0x0  }
0x134: {  	s1 =	rddreg [dreg:$0x7];
	[sflag:s9] =	ssyncadd.s32 $0xFFFFE200  }
0x135: {  	[hbm:s1@s18], [sflag:s29] =	dma.strided [spmem:s15@s19], $0x1E00, s16, $0x10   }
0x136: {  	_ =	swait.ge [sflag:s6], $0x1E00  }
0x137: {  	[sflag:s6] =	ssyncset.done $0x0  }
0x138: {  	s1 =	rddreg [dreg:$0x8];
	[sflag:s6] =	ssyncadd.s32 $0xFFFFE200  }
0x139: {  	[spmem:s15], [sflag:s2] =	dma.local [hbm:s1], $0x1E00  }
0x13a: {  	_ =	swait.ge [sflag:s12], $0x1E00  }
0x13b: {  	[sflag:s12] =	ssyncset.done $0x0  }
0x13c: {  	s1 =	rddreg [dreg:$0x9];
	[sflag:s12] =	ssyncadd.s32 $0xFFFFE200  }
0x13d: {  	[hbm:s1@s18], [sflag:s30] =	dma.strided [spmem:s4@s19], $0x1E00, s16, $0x10   }
0x13e: {  	_ =	swait.ge [sflag:s8], $0x1E00  }
0x13f: {  	[sflag:s8] =	ssyncset.done $0x0  }
0x140: {  	s1 =	rddreg [dreg:$0xa];
	[sflag:s8] =	ssyncadd.s32 $0xFFFFE200  }
0x141: {  	[spmem:s4], [sflag:s28] =	dma.local [hbm:s1], $0x1E00  }
0x142: {  	_ =	swait.ge [sflag:s9], $0x1E00  }
0x143: {  	[sflag:s9] =	ssyncset.done $0x0  }
0x144: {  	s1 =	rddreg [dreg:$0xb];
	[sflag:s9] =	ssyncadd.s32 $0xFFFFE200  }
0x145: {  	[hbm:s1@s18], [sflag:s29] =	dma.strided [spmem:s15@s19], $0x1E00, s16, $0x10   }
0x146: {  	_ =	swait.ge [sflag:s6], $0x1E00  }
0x147: {  	[sflag:s6] =	ssyncset.done $0x0  }
0x148: {  	s1 =	rddreg [dreg:$0xc];
	[sflag:s6] =	ssyncadd.s32 $0xFFFFE200  }
0x149: {  	[spmem:s15], [sflag:s2] =	dma.local [hbm:s1], $0x1E00  }
0x14a: {  	_ =	swait.ge [sflag:s12], $0x1E00  }
0x14b: {  	[sflag:s12] =	ssyncset.done $0x0  }
0x14c: {  	s1 =	rddreg [dreg:$0xd];
	[sflag:s12] =	ssyncadd.s32 $0xFFFFE200  }
0x14d: {  	[hbm:s1@s18], [sflag:s30] =	dma.strided [spmem:s4@s19], $0x1E00, s16, $0x10   }
0x14e: {  	_ =	swait.ge [sflag:s8], $0x1E00  }
0x14f: {  	[sflag:s8] =	ssyncset.done $0x0  }
0x150: {  	s1 =	rddreg [dreg:$0xe];
	[sflag:s8] =	ssyncadd.s32 $0xFFFFE200  }
0x151: {  	[spmem:s4], [sflag:s28] =	dma.local [hbm:s1], $0x1E00  }
0x152: {  	_ =	swait.ge [sflag:s9], $0x1E00  }
0x153: {  	[sflag:s9] =	ssyncset.done $0x0  }
0x154: {  	s1 =	rddreg [dreg:$0xf];
	[sflag:s9] =	ssyncadd.s32 $0xFFFFE200  }
0x155: {  	[hbm:s1@s18], [sflag:s29] =	dma.strided [spmem:s15@s19], $0x1E00, s16, $0x10   }
0x156: {  	_ =	swait.ge [sflag:s6], $0x1E00  }
0x157: {  	[sflag:s6] =	ssyncset.done $0x0  }
0x158: {  	s1 =	rddreg [dreg:$0x10];
	[sflag:s6] =	ssyncadd.s32 $0xFFFFE200  }
0x159: {  	[spmem:s15], [sflag:s2] =	dma.local [hbm:s1], $0x1E00  }
0x15a: {  	_ =	swait.ge [sflag:s12], $0x1E00  }
0x15b: {  	[sflag:s12] =	ssyncset.done $0x0  }
0x15c: {  	s1 =	rddreg [dreg:$0x11];
	[sflag:s12] =	ssyncadd.s32 $0xFFFFE200  }
0x15d: {  	[hbm:s1@s18], [sflag:s30] =	dma.strided [spmem:s4@s19], $0x1E00, s16, $0x10   }
0x15e: {  	_ =	swait.ge [sflag:s8], $0x1E00  }
0x15f: {  	[sflag:s8] =	ssyncset.done $0x0  }
0x160: {  	s1 =	rddreg [dreg:$0x12];
	[sflag:s8] =	ssyncadd.s32 $0xFFFFE200  }
0x161: {  	[spmem:s4], [sflag:s28] =	dma.local [hbm:s1], $0x1E00  }
0x162: {  	_ =	swait.ge [sflag:s9], $0x1E00  }
0x163: {  	[sflag:s9] =	ssyncset.done $0x0  }
0x164: {  	s1 =	rddreg [dreg:$0x13];
	[sflag:s9] =	ssyncadd.s32 $0xFFFFE200  }
0x165: {  	[hbm:s1@s18], [sflag:s29] =	dma.strided [spmem:s15@s19], $0x1E00, s16, $0x10   }
0x166: {  	_ =	swait.ge [sflag:s6], $0x1E00  }
0x167: {  	[sflag:s6] =	ssyncset.done $0x0  }
0x168: {  	s1 =	rddreg [dreg:$0x14];
	[sflag:s6] =	ssyncadd.s32 $0xFFFFE200  }
0x169: {  	[spmem:s15], [sflag:s2] =	dma.local [hbm:s1], $0x1E00  }
0x16a: {  	_ =	swait.ge [sflag:s12], $0x1E00  }
0x16b: {  	[sflag:s12] =	ssyncset.done $0x0  }
0x16c: {  	s1 =	rddreg [dreg:$0x15];
	[sflag:s12] =	ssyncadd.s32 $0xFFFFE200  }
0x16d: {  	[hbm:s1@s18], [sflag:s30] =	dma.strided [spmem:s4@s19], $0x1E00, s16, $0x10   }
0x16e: {  	_ =	swait.ge [sflag:s8], $0x1E00  }
0x16f: {  	[sflag:s8] =	ssyncset.done $0x0  }
0x170: {  	s1 =	rddreg [dreg:$0x16];
	[sflag:s8] =	ssyncadd.s32 $0xFFFFE200  }
0x171: {  	[spmem:s4], [sflag:s28] =	dma.local [hbm:s1], $0x1E00  }
0x172: {  	_ =	swait.ge [sflag:s9], $0x1E00  }
0x173: {  	[sflag:s9] =	ssyncset.done $0x0  }
0x174: {  	s1 =	rddreg [dreg:$0x17];
	[sflag:s9] =	ssyncadd.s32 $0xFFFFE200  }
0x175: {  	[hbm:s1@s18], [sflag:s29] =	dma.strided [spmem:s15@s19], $0x1E00, s16, $0x10   }
0x176: {  	_ =	swait.ge [sflag:s6], $0x1E00  }
0x177: {  	[sflag:s6] =	ssyncset.done $0x0  }
0x178: {  	s1 =	rddreg [dreg:$0x18];
	[sflag:s6] =	ssyncadd.s32 $0xFFFFE200  }
0x179: {  	[spmem:s15], [sflag:s2] =	dma.local [hbm:s1], $0x1E00  }
0x17a: {  	_ =	swait.ge [sflag:s12], $0x1E00  }
0x17b: {  	[sflag:s12] =	ssyncset.done $0x0  }
0x17c: {  	s1 =	rddreg [dreg:$0x19];
	[sflag:s12] =	ssyncadd.s32 $0xFFFFE200  }
0x17d: {  	[hbm:s1@s18], [sflag:s30] =	dma.strided [spmem:s4@s19], $0x1E00, s16, $0x10   }
0x17e: {  	_ =	swait.ge [sflag:s8], $0x1E00  }
0x17f: {  	[sflag:s8] =	ssyncset.done $0x0  }
0x180: {  	s1 =	rddreg [dreg:$0x1a];
	[sflag:s8] =	ssyncadd.s32 $0xFFFFE200  }
0x181: {  	[spmem:s4], [sflag:s28] =	dma.local [hbm:s1], $0x1E00  }
0x182: {  	_ =	swait.ge [sflag:s9], $0x1E00  }
0x183: {  	[sflag:s9] =	ssyncset.done $0x0  }
0x184: {  	s1 =	rddreg [dreg:$0x1b];
	[sflag:s9] =	ssyncadd.s32 $0xFFFFE200  }
0x185: {  	[hbm:s1@s18], [sflag:s29] =	dma.strided [spmem:s15@s19], $0x1E00, s16, $0x10   }
0x186: {  	_ =	swait.ge [sflag:s6], $0x1E00  }
0x187: {  	[sflag:s6] =	ssyncset.done $0x0  }
0x188: {  	s1 =	rddreg [dreg:$0x1c];
	[sflag:s6] =	ssyncadd.s32 $0xFFFFE200  }
0x189: {  	[spmem:s15], [sflag:s2] =	dma.local [hbm:s1], $0x1E00  }
0x18a: {  	_ =	swait.ge [sflag:s12], $0x1E00  }
0x18b: {  	[sflag:s12] =	ssyncset.done $0x0  }
0x18c: {  	s1 =	rddreg [dreg:$0x1d];
	[sflag:s12] =	ssyncadd.s32 $0xFFFFE200  }
0x18d: {  	[hbm:s1@s18], [sflag:s30] =	dma.strided [spmem:s4@s19], $0x1E00, s16, $0x10   }
0x18e: {  	_ =	swait.ge [sflag:s8], $0x1E00  }
0x18f: {  	[sflag:s8] =	ssyncset.done $0x0  }
0x190: {  	s1 =	rddreg [dreg:$0x1e];
	[sflag:s8] =	ssyncadd.s32 $0xFFFFE200  }
0x191: {  	[spmem:s4], [sflag:s28] =	dma.local [hbm:s1], $0x1E00  }
0x192: {  	_ =	swait.ge [sflag:s9], $0x1E00  }
0x193: {  	[sflag:s9] =	ssyncset.done $0x0  }
0x194: {  	s1 =	rddreg [dreg:$0x1f];
	[sflag:s9] =	ssyncadd.s32 $0xFFFFE200  }
0x195: {  	[hbm:s1@s18], [sflag:s29] =	dma.strided [spmem:s15@s19], $0x1E00, s16, $0x10   }
0x196: {  	_ =	swait.ge [sflag:s6], $0x1E00  }
0x197: {  	s1 =	sld [smem:$0x7EF]  }
0x198: {  	[sflag:s6] =	ssyncset.done $0x0  }
0x199: {  	[sflag:s6] =	ssyncadd.s32 $0xFFFFE200  }
0x19a: {  	[spmem:s15], [sflag:s2] =	dma.local [hbm:s1], $0x1E00  }
0x19b: {  	_ =	swait.ge [sflag:s12], $0x1E00  }
0x19c: {  	s1 =	sld [smem:$0x7F0]  }
0x19d: {  	[sflag:s12] =	ssyncset.done $0x0  }
0x19e: {  	[sflag:s12] =	ssyncadd.s32 $0xFFFFE200  }
0x19f: {  	[hbm:s1@s18], [sflag:s30] =	dma.strided [spmem:s4@s19], $0x1E00, s16, $0x10   }
0x1a0: {  	_ =	swait.ge [sflag:s8], $0x1E00  }
0x1a1: {  	s1 =	sld [smem:$0x7F1]  }
0x1a2: {  	[sflag:s8] =	ssyncset.done $0x0  }
0x1a3: {  	[sflag:s8] =	ssyncadd.s32 $0xFFFFE200  }
0x1a4: {  	[spmem:s4], [sflag:s28] =	dma.local [hbm:s1], $0x1E00  }
0x1a5: {  	_ =	swait.ge [sflag:s9], $0x1E00  }
0x1a6: {  	s1 =	sld [smem:$0x7F2]  }
0x1a7: {  	[sflag:s9] =	ssyncset.done $0x0  }
0x1a8: {  	[sflag:s9] =	ssyncadd.s32 $0xFFFFE200  }
0x1a9: {  	[hbm:s1@s18], [sflag:s29] =	dma.strided [spmem:s15@s19], $0x1E00, s16, $0x10   }
0x1aa: {  	_ =	swait.ge [sflag:s6], $0x1E00  }
0x1ab: {  	s1 =	sld [smem:$0x7F3]  }
0x1ac: {  	[sflag:s6] =	ssyncset.done $0x0  }
0x1ad: {  	[sflag:s6] =	ssyncadd.s32 $0xFFFFE200  }
0x1ae: {  	[spmem:s15], [sflag:s2] =	dma.local [hbm:s1], $0x1E00  }
0x1af: {  	_ =	swait.ge [sflag:s12], $0x1E00  }
0x1b0: {  	s1 =	sld [smem:$0x7F4]  }
0x1b1: {  	[sflag:s12] =	ssyncset.done $0x0  }
0x1b2: {  	[sflag:s12] =	ssyncadd.s32 $0xFFFFE200  }
0x1b3: {  	[hbm:s1@s18], [sflag:s30] =	dma.strided [spmem:s4@s19], $0x1E00, s16, $0x10   }
0x1b4: {  	_ =	swait.ge [sflag:s8], $0x1E00  }
0x1b5: {  	s1 =	sld [smem:$0x7F5]  }
0x1b6: {  	[sflag:s8] =	ssyncset.done $0x0  }
0x1b7: {  	[sflag:s8] =	ssyncadd.s32 $0xFFFFE200  }
0x1b8: {  	[spmem:s4], [sflag:s28] =	dma.local [hbm:s1], $0x1E00  }
0x1b9: {  	_ =	swait.ge [sflag:s9], $0x1E00  }
0x1ba: {  	s1 =	sld [smem:$0x7F6]  }
0x1bb: {  	[sflag:s9] =	ssyncset.done $0x0  }
0x1bc: {  	[sflag:s9] =	ssyncadd.s32 $0xFFFFE200  }
0x1bd: {  	[hbm:s1@s18], [sflag:s29] =	dma.strided [spmem:s15@s19], $0x1E00, s16, $0x10   }
0x1be: {  	_ =	swait.ge [sflag:s6], $0x1E00  }
0x1bf: {  	s1 =	sld [smem:$0x7F7]  }
0x1c0: {  	[sflag:s6] =	ssyncset.done $0x0  }
0x1c1: {  	[sflag:s6] =	ssyncadd.s32 $0xFFFFE200  }
0x1c2: {  	[spmem:s15], [sflag:s2] =	dma.local [hbm:s1], $0x1E00  }
0x1c3: {  	_ =	swait.ge [sflag:s12], $0x1E00  }
0x1c4: {  	s1 =	sld [smem:$0x7F8]  }
0x1c5: {  	[sflag:s12] =	ssyncset.done $0x0  }
0x1c6: {  	[sflag:s12] =	ssyncadd.s32 $0xFFFFE200  }
0x1c7: {  	[hbm:s1@s18], [sflag:s30] =	dma.strided [spmem:s4@s19], $0x1E00, s16, $0x10   }
0x1c8: {  	_ =	swait.ge [sflag:s8], $0x1E00  }
0x1c9: {  	s1 =	sld [smem:$0x7F9]  }
0x1ca: {  	[sflag:s8] =	ssyncset.done $0x0  }
0x1cb: {  	[sflag:s8] =	ssyncadd.s32 $0xFFFFE200  }
0x1cc: {  	[spmem:s4], [sflag:s28] =	dma.local [hbm:s1], $0x1E00  }
0x1cd: {  	_ =	swait.ge [sflag:s9], $0x1E00  }
0x1ce: {  	s1 =	sld [smem:$0x7FA]  }
0x1cf: {  	[sflag:s9] =	ssyncset.done $0x0  }
0x1d0: {  	[sflag:s9] =	ssyncadd.s32 $0xFFFFE200  }
0x1d1: {  	[hbm:s1@s18], [sflag:s29] =	dma.strided [spmem:s15@s19], $0x1E00, s16, $0x10   }
0x1d2: {  	_ =	swait.ge [sflag:s6], $0x1E00  }
0x1d3: {  	s1 =	sld [smem:$0x7FB]  }
0x1d4: {  	[sflag:s6] =	ssyncset.done $0x0  }
0x1d5: {  	[sflag:s6] =	ssyncadd.s32 $0xFFFFE200  }
0x1d6: {  	[spmem:s15], [sflag:s2] =	dma.local [hbm:s1], $0x1E00  }
0x1d7: {  	_ =	swait.ge [sflag:s12], $0x1E00  }
0x1d8: {  	s1 =	sld [smem:$0x7FC]  }
0x1d9: {  	[sflag:s12] =	ssyncset.done $0x0  }
0x1da: {  	[sflag:s12] =	ssyncadd.s32 $0xFFFFE200  }
0x1db: {  	[hbm:s1@s18], [sflag:s30] =	dma.strided [spmem:s4@s19], $0x1E00, s16, $0x10   }
0x1dc: {  	_ =	swait.ge [sflag:s8], $0x1E00  }
0x1dd: {  	s1 =	sld [smem:$0x7FD]  }
0x1de: {  	[sflag:s8] =	ssyncset.done $0x0  }
0x1df: {  	[sflag:s8] =	ssyncadd.s32 $0xFFFFE200  }
0x1e0: {  	[spmem:s4], [sflag:s28] =	dma.local [hbm:s1], $0x1E00  }
0x1e1: {  	_ =	swait.ge [sflag:s9], $0x1E00  }
0x1e2: {  	[sflag:s9] =	ssyncset.done $0x0  }
0x1e3: {  	[sflag:s9] =	ssyncadd.s32 $0xFFFFE200  }
0x1e4: {  	[hbm:s25@s18], [sflag:s29] =	dma.strided [spmem:s15@s19], $0x1E00, s16, $0x10   }
0x1e5: {  	_ =	swait.ge [sflag:s6], $0x1E00  }
0x1e6: {  	[sflag:s6] =	ssyncset.done $0x0  }
0x1e7: {  	[sflag:s6] =	ssyncadd.s32 $0xFFFFE200  }
0x1e8: {  	[spmem:s15], [sflag:s2] =	dma.local [hbm:s24], $0x1E00  }
0x1e9: {  	_ =	swait.ge [sflag:s12], $0x1E00  }
0x1ea: {  	[sflag:s12] =	ssyncset.done $0x0  }
0x1eb: {  	[sflag:s12] =	ssyncadd.s32 $0xFFFFE200  }
0x1ec: {  	[hbm:s23@s18], [sflag:s30] =	dma.strided [spmem:s4@s19], $0x1E00, s16, $0x10   }
0x1ed: {  	_ =	swait.ge [sflag:s8], $0x1E00  }
0x1ee: {  	[sflag:s8] =	ssyncset.done $0x0  }
0x1ef: {  	[sflag:s8] =	ssyncadd.s32 $0xFFFFE200  }
0x1f0: {  	[spmem:s4], [sflag:s28] =	dma.local [hbm:s22], $0x1E00  }
0x1f1: {  	_ =	swait.ge [sflag:s9], $0x1E00  }
0x1f2: {  	[sflag:s9] =	ssyncset.done $0x0  }
0x1f3: {  	[sflag:s9] =	ssyncadd.s32 $0xFFFFE200  }
0x1f4: {  	[hbm:s21@s18], [sflag:s29] =	dma.strided [spmem:s15@s19], $0x1E00, s16, $0x10   }
0x1f5: {  	_ =	swait.ge [sflag:s6], $0x1E00  }
0x1f6: {  	[sflag:s6] =	ssyncset.done $0x0  }
0x1f7: {  	[sflag:s6] =	ssyncadd.s32 $0xFFFFE200  }
0x1f8: {  	[spmem:s15], [sflag:s2] =	dma.local [hbm:s20], $0x1E00  }
0x1f9: {  	_ =	swait.ge [sflag:s12], $0x1E00  }
0x1fa: {  	[sflag:s12] =	ssyncset.done $0x0  }
0x1fb: {  	[sflag:s12] =	ssyncadd.s32 $0xFFFFE200  }
0x1fc: {  	[hbm:s17@s18], [sflag:s30] =	dma.strided [spmem:s4@s19], $0x1E00, s16, $0x10   }
0x1fd: {  	_ =	swait.ge [sflag:s8], $0x1E00  }
0x1fe: {  	[sflag:s8] =	ssyncset.done $0x0  }
0x1ff: {  	[sflag:s8] =	ssyncadd.s32 $0xFFFFE200  }
0x200: {  	[spmem:s4], [sflag:s28] =	dma.local [hbm:s14], $0x1E00  }
0x201: {  	_ =	swait.ge [sflag:s9], $0x1E00  }
0x202: {  	[sflag:s9] =	ssyncset.done $0x0  }
0x203: {  	[sflag:s9] =	ssyncadd.s32 $0xFFFFE200  }
0x204: {  	[hbm:s13@s18], [sflag:s29] =	dma.strided [spmem:s15@s19], $0x1E00, s16, $0x10   }
0x205: {  	_ =	swait.ge [sflag:s6], $0x1E00  }
0x206: {  	[sflag:s6] =	ssyncset.done $0x0  }
0x207: {  	[sflag:s6] =	ssyncadd.s32 $0xFFFFE200  }
0x208: {  	[spmem:s15], [sflag:s2] =	dma.local [hbm:s11], $0x100  }
0x209: {  	_ =	swait.ge [sflag:s12], $0x1E00  }
0x20a: {  	[sflag:s12] =	ssyncset.done $0x0  }
0x20b: {  	[sflag:s12] =	ssyncadd.s32 $0xFFFFE200  }
0x20c: {  	[hbm:s10@s18], [sflag:s30] =	dma.strided [spmem:s4@s19], $0x1E00, s16, $0x10   }
0x20d: {  	_ =	swait.ge [sflag:s8], $0x1E00  }
0x20e: {  	[sflag:s8] =	ssyncset.done $0x0  }
0x20f: {  	[sflag:s8] =	ssyncadd.s32 $0xFFFFE200  }
0x210: {  	[spmem:s4], [sflag:s28] =	dma.local [hbm:s7], $0x100  }
0x211: {  	_ =	swait.ge [sflag:s9], $0x100  }
0x212: {  	[sflag:s9] =	ssyncset.done $0x0  }
0x213: {  	[sflag:s9] =	ssyncadd.s32 $0xFFFFFF00  }
0x214: {  	[hbm:s5], [sflag:s29] =	dma.local [spmem:s15], $0x100  }
0x215: {  	_ =	swait.ge [sflag:s12], $0x100  }
0x216: {  	[sflag:s12] =	ssyncset.done $0x0  }
0x217: {  	p1 =	sne.s32 s31, $0x1;
	[sflag:s12] =	ssyncadd.s32 $0xFFFFFF00  }
0x218: {  	[hbm:s3], [sflag:s30] =	dma.local [spmem:s4], $0x100  }
.Ltmp2:
0x219: {  	_ =	swait.ge [sflag:s6], $0x100;
	(pc) =	sbr.rel @p1 .LBB2_3-.Ltmp2, $4  }
0x21a: {  	[sflag:s6] =	ssyncset.done $0x0  }
0x21b: {  	[sflag:s6] =	ssyncadd.s32 $0xFFFFFF00  }
0x21c: {  	_ =	swait.ge [sflag:s8], $0x100  }
0x21d: {  	s31 =	sadd.s32 $0xFFFFFFFF, s31;
	s1 =	rddreg [dreg:$0x5];
	[sflag:s8] =	ssyncset.done $0x0  }
0x21e: {  	s30 =	rddreg [dreg:$0x4]  }
.LBB2_5:
0x21f: {  	[sflag:s8] =	ssyncadd.s32 @p0 $0xFFFFFF00  }
0x220: {  	[spmem:s15], [sflag:s2] =	dma.local [hbm:s1], $0x1E00  }
0x221: {  	s28 =	sor.u32 $0x1C02, s26;
	s1 =	rddreg [dreg:$0x6]  }
0x222: {  	[spmem:s4], [sflag:s28] =	dma.local [hbm:s1], $0x1E00  }
0x223: {  	_ =	swait.ge [sflag:s9], $0x1E00  }
0x224: {  	[sflag:s9] =	ssyncset.done $0x0  }
0x225: {  	s29 =	sor.u32 $0x1C03, s26;
	s31 =	rddreg [dreg:$0x7];
	[sflag:s9] =	ssyncadd.s32 $0xFFFFE200  }
0x226: {  	[hbm:s31@s18], [sflag:s29] =	dma.strided [spmem:s15@s19], $0x1E00, s16, $0x10   }
0x227: {  	_ =	swait.ge [sflag:s6], $0x1E00  }
0x228: {  	[sflag:s6] =	ssyncset.done $0x0  }
0x229: {  	s31 =	rddreg [dreg:$0x8];
	[sflag:s6] =	ssyncadd.s32 $0xFFFFE200  }
0x22a: {  	[spmem:s15], [sflag:s2] =	dma.local [hbm:s31], $0x1E00  }
0x22b: {  	_ =	swait.ge [sflag:s12], $0x1E00  }
0x22c: {  	[sflag:s12] =	ssyncset.done $0x0  }
0x22d: {  	s26 =	sor.u32 $0x1C04, s26;
	s31 =	rddreg [dreg:$0x9];
	[sflag:s12] =	ssyncadd.s32 $0xFFFFE200  }
0x22e: {  	[hbm:s31@s18], [sflag:s26] =	dma.strided [spmem:s4@s19], $0x1E00, s16, $0x10   }
0x22f: {  	_ =	swait.ge [sflag:s8], $0x1E00  }
0x230: {  	[sflag:s8] =	ssyncset.done $0x0  }
0x231: {  	s31 =	rddreg [dreg:$0xa];
	[sflag:s8] =	ssyncadd.s32 $0xFFFFE200  }
0x232: {  	[spmem:s4], [sflag:s28] =	dma.local [hbm:s31], $0x1E00  }
0x233: {  	_ =	swait.ge [sflag:s9], $0x1E00  }
0x234: {  	[sflag:s9] =	ssyncset.done $0x0  }
0x235: {  	s31 =	rddreg [dreg:$0xb];
	[sflag:s9] =	ssyncadd.s32 $0xFFFFE200  }
0x236: {  	[hbm:s31@s18], [sflag:s29] =	dma.strided [spmem:s15@s19], $0x1E00, s16, $0x10   }
0x237: {  	_ =	swait.ge [sflag:s6], $0x1E00  }
0x238: {  	[sflag:s6] =	ssyncset.done $0x0  }
0x239: {  	s31 =	rddreg [dreg:$0xc];
	[sflag:s6] =	ssyncadd.s32 $0xFFFFE200  }
0x23a: {  	[spmem:s15], [sflag:s2] =	dma.local [hbm:s31], $0x1E00  }
0x23b: {  	_ =	swait.ge [sflag:s12], $0x1E00  }
0x23c: {  	[sflag:s12] =	ssyncset.done $0x0  }
0x23d: {  	s31 =	rddreg [dreg:$0xd];
	[sflag:s12] =	ssyncadd.s32 $0xFFFFE200  }
0x23e: {  	[hbm:s31@s18], [sflag:s26] =	dma.strided [spmem:s4@s19], $0x1E00, s16, $0x10   }
0x23f: {  	_ =	swait.ge [sflag:s8], $0x1E00  }
0x240: {  	[sflag:s8] =	ssyncset.done $0x0  }
0x241: {  	s31 =	rddreg [dreg:$0xe];
	[sflag:s8] =	ssyncadd.s32 $0xFFFFE200  }
0x242: {  	[spmem:s4], [sflag:s28] =	dma.local [hbm:s31], $0x1E00  }
0x243: {  	_ =	swait.ge [sflag:s9], $0x1E00  }
0x244: {  	[sflag:s9] =	ssyncset.done $0x0  }
0x245: {  	s31 =	rddreg [dreg:$0xf];
	[sflag:s9] =	ssyncadd.s32 $0xFFFFE200  }
0x246: {  	[hbm:s31@s18], [sflag:s29] =	dma.strided [spmem:s15@s19], $0x1E00, s16, $0x10   }
0x247: {  	_ =	swait.ge [sflag:s6], $0x1E00  }
0x248: {  	[sflag:s6] =	ssyncset.done $0x0  }
0x249: {  	s31 =	rddreg [dreg:$0x10];
	[sflag:s6] =	ssyncadd.s32 $0xFFFFE200  }
0x24a: {  	[spmem:s15], [sflag:s2] =	dma.local [hbm:s31], $0x1E00  }
0x24b: {  	_ =	swait.ge [sflag:s12], $0x1E00  }
0x24c: {  	[sflag:s12] =	ssyncset.done $0x0  }
0x24d: {  	s31 =	rddreg [dreg:$0x11];
	[sflag:s12] =	ssyncadd.s32 $0xFFFFE200  }
0x24e: {  	[hbm:s31@s18], [sflag:s26] =	dma.strided [spmem:s4@s19], $0x1E00, s16, $0x10   }
0x24f: {  	_ =	swait.ge [sflag:s8], $0x1E00  }
0x250: {  	[sflag:s8] =	ssyncset.done $0x0  }
0x251: {  	s31 =	rddreg [dreg:$0x12];
	[sflag:s8] =	ssyncadd.s32 $0xFFFFE200  }
0x252: {  	[spmem:s4], [sflag:s28] =	dma.local [hbm:s31], $0x1E00  }
0x253: {  	_ =	swait.ge [sflag:s9], $0x1E00  }
0x254: {  	[sflag:s9] =	ssyncset.done $0x0  }
0x255: {  	s31 =	rddreg [dreg:$0x13];
	[sflag:s9] =	ssyncadd.s32 $0xFFFFE200  }
0x256: {  	[hbm:s31@s18], [sflag:s29] =	dma.strided [spmem:s15@s19], $0x1E00, s16, $0x10   }
0x257: {  	_ =	swait.ge [sflag:s6], $0x1E00  }
0x258: {  	[sflag:s6] =	ssyncset.done $0x0  }
0x259: {  	s31 =	rddreg [dreg:$0x14];
	[sflag:s6] =	ssyncadd.s32 $0xFFFFE200  }
0x25a: {  	[spmem:s15], [sflag:s2] =	dma.local [hbm:s31], $0x1E00  }
0x25b: {  	_ =	swait.ge [sflag:s12], $0x1E00  }
0x25c: {  	[sflag:s12] =	ssyncset.done $0x0  }
0x25d: {  	s31 =	rddreg [dreg:$0x15];
	[sflag:s12] =	ssyncadd.s32 $0xFFFFE200  }
0x25e: {  	[hbm:s31@s18], [sflag:s26] =	dma.strided [spmem:s4@s19], $0x1E00, s16, $0x10   }
0x25f: {  	_ =	swait.ge [sflag:s8], $0x1E00  }
0x260: {  	[sflag:s8] =	ssyncset.done $0x0  }
0x261: {  	s31 =	rddreg [dreg:$0x16];
	[sflag:s8] =	ssyncadd.s32 $0xFFFFE200  }
0x262: {  	[spmem:s4], [sflag:s28] =	dma.local [hbm:s31], $0x1E00  }
0x263: {  	_ =	swait.ge [sflag:s9], $0x1E00  }
0x264: {  	[sflag:s9] =	ssyncset.done $0x0  }
0x265: {  	s31 =	rddreg [dreg:$0x17];
	[sflag:s9] =	ssyncadd.s32 $0xFFFFE200  }
0x266: {  	[hbm:s31@s18], [sflag:s29] =	dma.strided [spmem:s15@s19], $0x1E00, s16, $0x10   }
0x267: {  	_ =	swait.ge [sflag:s6], $0x1E00  }
0x268: {  	[sflag:s6] =	ssyncset.done $0x0  }
0x269: {  	s31 =	rddreg [dreg:$0x18];
	[sflag:s6] =	ssyncadd.s32 $0xFFFFE200  }
0x26a: {  	[spmem:s15], [sflag:s2] =	dma.local [hbm:s31], $0x1E00  }
0x26b: {  	_ =	swait.ge [sflag:s12], $0x1E00  }
0x26c: {  	[sflag:s12] =	ssyncset.done $0x0  }
0x26d: {  	s31 =	rddreg [dreg:$0x19];
	[sflag:s12] =	ssyncadd.s32 $0xFFFFE200  }
0x26e: {  	[hbm:s31@s18], [sflag:s26] =	dma.strided [spmem:s4@s19], $0x1E00, s16, $0x10   }
0x26f: {  	_ =	swait.ge [sflag:s8], $0x1E00  }
0x270: {  	[sflag:s8] =	ssyncset.done $0x0  }
0x271: {  	s31 =	rddreg [dreg:$0x1a];
	[sflag:s8] =	ssyncadd.s32 $0xFFFFE200  }
0x272: {  	[spmem:s4], [sflag:s28] =	dma.local [hbm:s31], $0x1E00  }
0x273: {  	_ =	swait.ge [sflag:s9], $0x1E00  }
0x274: {  	[sflag:s9] =	ssyncset.done $0x0  }
0x275: {  	s31 =	rddreg [dreg:$0x1b];
	[sflag:s9] =	ssyncadd.s32 $0xFFFFE200  }
0x276: {  	[hbm:s31@s18], [sflag:s29] =	dma.strided [spmem:s15@s19], $0x1E00, s16, $0x10   }
0x277: {  	_ =	swait.ge [sflag:s6], $0x1E00  }
0x278: {  	[sflag:s6] =	ssyncset.done $0x0  }
0x279: {  	s31 =	rddreg [dreg:$0x1c];
	[sflag:s6] =	ssyncadd.s32 $0xFFFFE200  }
0x27a: {  	[spmem:s15], [sflag:s2] =	dma.local [hbm:s31], $0x1E00  }
0x27b: {  	_ =	swait.ge [sflag:s12], $0x1E00  }
0x27c: {  	[sflag:s12] =	ssyncset.done $0x0  }
0x27d: {  	s31 =	rddreg [dreg:$0x1d];
	[sflag:s12] =	ssyncadd.s32 $0xFFFFE200  }
0x27e: {  	[hbm:s31@s18], [sflag:s26] =	dma.strided [spmem:s4@s19], $0x1E00, s16, $0x10   }
0x27f: {  	_ =	swait.ge [sflag:s8], $0x1E00  }
0x280: {  	[sflag:s8] =	ssyncset.done $0x0  }
0x281: {  	s31 =	rddreg [dreg:$0x1e];
	[sflag:s8] =	ssyncadd.s32 $0xFFFFE200  }
0x282: {  	[spmem:s4], [sflag:s28] =	dma.local [hbm:s31], $0x1E00  }
0x283: {  	_ =	swait.ge [sflag:s9], $0x1E00  }
0x284: {  	[sflag:s9] =	ssyncset.done $0x0  }
0x285: {  	s31 =	rddreg [dreg:$0x1f];
	[sflag:s9] =	ssyncadd.s32 $0xFFFFE200  }
0x286: {  	[hbm:s31@s18], [sflag:s29] =	dma.strided [spmem:s15@s19], $0x1E00, s16, $0x10   }
0x287: {  	_ =	swait.ge [sflag:s6], $0x1E00  }
0x288: {  	s31 =	sld [smem:$0x7EF]  }
0x289: {  	[sflag:s6] =	ssyncset.done $0x0  }
0x28a: {  	[sflag:s6] =	ssyncadd.s32 $0xFFFFE200  }
0x28b: {  	[spmem:s15], [sflag:s2] =	dma.local [hbm:s31], $0x1E00  }
0x28c: {  	_ =	swait.ge [sflag:s12], $0x1E00  }
0x28d: {  	s31 =	sld [smem:$0x7F0]  }
0x28e: {  	[sflag:s12] =	ssyncset.done $0x0  }
0x28f: {  	[sflag:s12] =	ssyncadd.s32 $0xFFFFE200  }
0x290: {  	[hbm:s31@s18], [sflag:s26] =	dma.strided [spmem:s4@s19], $0x1E00, s16, $0x10   }
0x291: {  	_ =	swait.ge [sflag:s8], $0x1E00  }
0x292: {  	s31 =	sld [smem:$0x7F1]  }
0x293: {  	[sflag:s8] =	ssyncset.done $0x0  }
0x294: {  	[sflag:s8] =	ssyncadd.s32 $0xFFFFE200  }
0x295: {  	[spmem:s4], [sflag:s28] =	dma.local [hbm:s31], $0x1E00  }
0x296: {  	_ =	swait.ge [sflag:s9], $0x1E00  }
0x297: {  	s31 =	sld [smem:$0x7F2]  }
0x298: {  	[sflag:s9] =	ssyncset.done $0x0  }
0x299: {  	[sflag:s9] =	ssyncadd.s32 $0xFFFFE200  }
0x29a: {  	[hbm:s31@s18], [sflag:s29] =	dma.strided [spmem:s15@s19], $0x1E00, s16, $0x10   }
0x29b: {  	_ =	swait.ge [sflag:s6], $0x1E00  }
0x29c: {  	s31 =	sld [smem:$0x7F3]  }
0x29d: {  	[sflag:s6] =	ssyncset.done $0x0  }
0x29e: {  	[sflag:s6] =	ssyncadd.s32 $0xFFFFE200  }
0x29f: {  	[spmem:s15], [sflag:s2] =	dma.local [hbm:s31], $0x1E00  }
0x2a0: {  	_ =	swait.ge [sflag:s12], $0x1E00  }
0x2a1: {  	s31 =	sld [smem:$0x7F4]  }
0x2a2: {  	[sflag:s12] =	ssyncset.done $0x0  }
0x2a3: {  	[sflag:s12] =	ssyncadd.s32 $0xFFFFE200  }
0x2a4: {  	[hbm:s31@s18], [sflag:s26] =	dma.strided [spmem:s4@s19], $0x1E00, s16, $0x10   }
0x2a5: {  	_ =	swait.ge [sflag:s8], $0x1E00  }
0x2a6: {  	s31 =	sld [smem:$0x7F5]  }
0x2a7: {  	[sflag:s8] =	ssyncset.done $0x0  }
0x2a8: {  	[sflag:s8] =	ssyncadd.s32 $0xFFFFE200  }
0x2a9: {  	[spmem:s4], [sflag:s28] =	dma.local [hbm:s31], $0x1E00  }
0x2aa: {  	_ =	swait.ge [sflag:s9], $0x1E00  }
0x2ab: {  	s31 =	sld [smem:$0x7F6]  }
0x2ac: {  	[sflag:s9] =	ssyncset.done $0x0  }
0x2ad: {  	[sflag:s9] =	ssyncadd.s32 $0xFFFFE200  }
0x2ae: {  	[hbm:s31@s18], [sflag:s29] =	dma.strided [spmem:s15@s19], $0x1E00, s16, $0x10   }
0x2af: {  	_ =	swait.ge [sflag:s6], $0x1E00  }
0x2b0: {  	s31 =	sld [smem:$0x7F7]  }
0x2b1: {  	[sflag:s6] =	ssyncset.done $0x0  }
0x2b2: {  	[sflag:s6] =	ssyncadd.s32 $0xFFFFE200  }
0x2b3: {  	[spmem:s15], [sflag:s2] =	dma.local [hbm:s31], $0x1E00  }
0x2b4: {  	_ =	swait.ge [sflag:s12], $0x1E00  }
0x2b5: {  	s31 =	sld [smem:$0x7F8]  }
0x2b6: {  	[sflag:s12] =	ssyncset.done $0x0  }
0x2b7: {  	[sflag:s12] =	ssyncadd.s32 $0xFFFFE200  }
0x2b8: {  	[hbm:s31@s18], [sflag:s26] =	dma.strided [spmem:s4@s19], $0x1E00, s16, $0x10   }
0x2b9: {  	_ =	swait.ge [sflag:s8], $0x1E00  }
0x2ba: {  	s31 =	sld [smem:$0x7F9]  }
0x2bb: {  	[sflag:s8] =	ssyncset.done $0x0  }
0x2bc: {  	[sflag:s8] =	ssyncadd.s32 $0xFFFFE200  }
0x2bd: {  	[spmem:s4], [sflag:s28] =	dma.local [hbm:s31], $0x1E00  }
0x2be: {  	_ =	swait.ge [sflag:s9], $0x1E00  }
0x2bf: {  	s31 =	sld [smem:$0x7FA]  }
0x2c0: {  	[sflag:s9] =	ssyncset.done $0x0  }
0x2c1: {  	[sflag:s9] =	ssyncadd.s32 $0xFFFFE200  }
0x2c2: {  	[hbm:s31@s18], [sflag:s29] =	dma.strided [spmem:s15@s19], $0x1E00, s16, $0x10   }
0x2c3: {  	_ =	swait.ge [sflag:s6], $0x1E00  }
0x2c4: {  	s31 =	sld [smem:$0x7FB]  }
0x2c5: {  	[sflag:s6] =	ssyncset.done $0x0  }
0x2c6: {  	[sflag:s6] =	ssyncadd.s32 $0xFFFFE200  }
0x2c7: {  	[spmem:s15], [sflag:s2] =	dma.local [hbm:s31], $0x1E00  }
0x2c8: {  	_ =	swait.ge [sflag:s12], $0x1E00  }
0x2c9: {  	s31 =	sld [smem:$0x7FC]  }
0x2ca: {  	[sflag:s12] =	ssyncset.done $0x0  }
0x2cb: {  	[sflag:s12] =	ssyncadd.s32 $0xFFFFE200  }
0x2cc: {  	[hbm:s31@s18], [sflag:s26] =	dma.strided [spmem:s4@s19], $0x1E00, s16, $0x10   }
0x2cd: {  	_ =	swait.ge [sflag:s8], $0x1E00  }
0x2ce: {  	s31 =	sld [smem:$0x7FD]  }
0x2cf: {  	[sflag:s8] =	ssyncset.done $0x0  }
0x2d0: {  	[sflag:s8] =	ssyncadd.s32 $0xFFFFE200  }
0x2d1: {  	[spmem:s4], [sflag:s28] =	dma.local [hbm:s31], $0x1E00  }
0x2d2: {  	_ =	swait.ge [sflag:s9], $0x1E00  }
0x2d3: {  	[sflag:s9] =	ssyncset.done $0x0  }
0x2d4: {  	[sflag:s9] =	ssyncadd.s32 $0xFFFFE200  }
0x2d5: {  	[hbm:s25@s18], [sflag:s29] =	dma.strided [spmem:s15@s19], $0x1E00, s16, $0x10   }
0x2d6: {  	_ =	swait.ge [sflag:s6], $0x1E00  }
0x2d7: {  	[sflag:s6] =	ssyncset.done $0x0  }
0x2d8: {  	[sflag:s6] =	ssyncadd.s32 $0xFFFFE200  }
0x2d9: {  	[spmem:s15], [sflag:s2] =	dma.local [hbm:s24], $0x1E00  }
0x2da: {  	_ =	swait.ge [sflag:s12], $0x1E00  }
0x2db: {  	[sflag:s12] =	ssyncset.done $0x0  }
0x2dc: {  	[sflag:s12] =	ssyncadd.s32 $0xFFFFE200  }
0x2dd: {  	[hbm:s23@s18], [sflag:s26] =	dma.strided [spmem:s4@s19], $0x1E00, s16, $0x10   }
0x2de: {  	_ =	swait.ge [sflag:s8], $0x1E00  }
0x2df: {  	[sflag:s8] =	ssyncset.done $0x0  }
0x2e0: {  	[sflag:s8] =	ssyncadd.s32 $0xFFFFE200  }
0x2e1: {  	[spmem:s4], [sflag:s28] =	dma.local [hbm:s22], $0x1E00  }
0x2e2: {  	_ =	swait.ge [sflag:s9], $0x1E00  }
0x2e3: {  	[sflag:s9] =	ssyncset.done $0x0  }
0x2e4: {  	[sflag:s9] =	ssyncadd.s32 $0xFFFFE200  }
0x2e5: {  	[hbm:s21@s18], [sflag:s29] =	dma.strided [spmem:s15@s19], $0x1E00, s16, $0x10   }
0x2e6: {  	_ =	swait.ge [sflag:s6], $0x1E00  }
0x2e7: {  	[sflag:s6] =	ssyncset.done $0x0  }
0x2e8: {  	[sflag:s6] =	ssyncadd.s32 $0xFFFFE200  }
0x2e9: {  	[spmem:s15], [sflag:s2] =	dma.local [hbm:s20], $0x1E00  }
0x2ea: {  	_ =	swait.ge [sflag:s12], $0x1E00  }
0x2eb: {  	[sflag:s12] =	ssyncset.done $0x0  }
0x2ec: {  	[sflag:s12] =	ssyncadd.s32 $0xFFFFE200  }
0x2ed: {  	[hbm:s17@s18], [sflag:s26] =	dma.strided [spmem:s4@s19], $0x1E00, s16, $0x10   }
0x2ee: {  	_ =	swait.ge [sflag:s8], $0x1E00  }
0x2ef: {  	[sflag:s8] =	ssyncset.done $0x0  }
0x2f0: {  	[sflag:s8] =	ssyncadd.s32 $0xFFFFE200  }
0x2f1: {  	[spmem:s4], [sflag:s28] =	dma.local [hbm:s14], $0x1E00  }
0x2f2: {  	_ =	swait.ge [sflag:s9], $0x1E00  }
0x2f3: {  	[sflag:s9] =	ssyncset.done $0x0  }
0x2f4: {  	[sflag:s9] =	ssyncadd.s32 $0xFFFFE200  }
0x2f5: {  	[hbm:s13@s18], [sflag:s29] =	dma.strided [spmem:s15@s19], $0x1E00, s16, $0x10   }
0x2f6: {  	_ =	swait.ge [sflag:s6], $0x1E00  }
0x2f7: {  	[sflag:s6] =	ssyncset.done $0x0  }
0x2f8: {  	[sflag:s6] =	ssyncadd.s32 $0xFFFFE200  }
0x2f9: {  	[spmem:s15], [sflag:s2] =	dma.local [hbm:s11], $0x100  }
0x2fa: {  	_ =	swait.ge [sflag:s12], $0x1E00  }
0x2fb: {  	[sflag:s12] =	ssyncset.done $0x0  }
0x2fc: {  	[sflag:s12] =	ssyncadd.s32 $0xFFFFE200  }
0x2fd: {  	[hbm:s10@s18], [sflag:s26] =	dma.strided [spmem:s4@s19], $0x1E00, s16, $0x10   }
0x2fe: {  	_ =	swait.ge [sflag:s8], $0x1E00  }
0x2ff: {  	[sflag:s8] =	ssyncset.done $0x0  }
0x300: {  	[sflag:s8] =	ssyncadd.s32 $0xFFFFE200  }
0x301: {  	[spmem:s4], [sflag:s28] =	dma.local [hbm:s7], $0x100  }
0x302: {  	_ =	swait.ge [sflag:s9], $0x100  }
0x303: {  	[sflag:s9] =	ssyncset.done $0x0  }
0x304: {  	[sflag:s9] =	ssyncadd.s32 $0xFFFFFF00  }
0x305: {  	[hbm:s5], [sflag:s29] =	dma.local [spmem:s15], $0x100  }
0x306: {  	_ =	swait.ge [sflag:s12], $0x100  }
0x307: {  	[sflag:s12] =	ssyncset.done $0x0  }
0x308: {  	[sflag:s12] =	ssyncadd.s32 $0xFFFFFF00  }
0x309: {  	[hbm:s3], [sflag:s26] =	dma.local [spmem:s4], $0x100  }
0x30a: {  	_ =	swait.ge [sflag:s6], $0x100  }
0x30b: {  	[sflag:s6] =	ssyncset.done $0x0  }
0x30c: {  	[sflag:s6] =	ssyncadd.s32 $0xFFFFFF00  }
0x30d: {  	_ =	swait.ge [sflag:s8], $0x100  }
0x30e: {  	[sflag:s8] =	ssyncset.done $0x0  }
0x30f: {  	[sflag:s8] =	ssyncadd.s32 $0xFFFFFF00  }
0x310: {  	_ =	sfence.sel $0x180000  }
0x311: {  	[bflag:$0x0] =	sbarrier.arrive $0xFFFF  }
0x312: {  	p0 =	sne.s32 s0, $0x0;
	_ =	strace $0x90000047  }
0x313: {  	s0 =	sadd.s32 @!p0 $0x100000, s30;
	[bflag:$0x2] =	sbarrier.arrive $0xFFFF  }
0x314: {  	[sflag:s0] =	ssyncadd.tile.s32 @!p0 $0x1;
	_ =	shalt  }
.LBB2_2:
.Ltmp3:
0x315: {  	(pc) =	sbr.rel .LBB2_5-.Ltmp3, $2  }
0x316: {  	_ =	sdelay $0x2  }
0x317: {  	s30 =	rddreg [dreg:$0x4]  }
.Lfunc_end2:
_tile_overlayer_lowered:
.L_overlay_start_2:
0x318: {  	(tag) =	ssettag $0x2  }
0x319: {  	s0 =	rddreg [dreg:$0x0];
	s2 =	stileid.u32  }
0x31a: {  	s1 =	rddreg [dreg:$0x1];
	p0 =	sne.s32 s2, $0x0  }
0x31b: {  	s3 =	rddreg [dreg:$0x2];
	[bflag:$0x3] =	sbarrier.arrive $0xFFFF;
	s2 =	simm.s32 @!p0 $0x1C05  }
0x31c: {  	[timem:s3], [sflag:s2] =	dma.local @!p0 [hbm:s0], s1  }
0x31d: {  	s0 =	simm.s32 @!p0 $0x5  }
0x31e: {  	_ =	swait.ge @!p0 [sflag:s0], s1  }
0x31f: {  	s1 =	ssub.s32 @!p0 $0x0, s1;
	[sflag:s0] =	ssyncset.done @!p0 $0x0  }
0x320: {  	[sflag:s0] =	ssyncadd.s32 @!p0 s1  }
0x321: {  	[bflag:$0x3] =	sbarrier.arrive $0xFFFF  }
0x322: {  	_ =	shalt  }

</sc_bundles>
